<compile_context>
chip_gen: v7x
topology: tpu7x:2x2x1
jax: 0.10.2.dev20260603
libtpu: 0.0.44.dev20260713+nightly
codegen_flags: <defaults>
</compile_context>

<pallas_src>
import functools

import jax
import jax.numpy as jnp
from jax import lax
from jax.experimental import pallas as pl
from jax.experimental.pallas import tpu as pltpu
from jax.experimental.pallas import tpu_sc as plsc

NC = 2
NS = 16
L = 16
NW = NC * NS

F32 = jnp.float32


def _mesh():
    return plsc.VectorSubcoreMesh(
        core_axis_name="c", subcore_axis_name="s", num_cores=NC, num_subcores=NS
    )




def _degrees(src, dst, n_nodes):
    e = src.shape[0]
    ept = e // NW

    @functools.partial(
        pl.kernel,
        out_type=jax.ShapeDtypeStruct((2 * NW, n_nodes), F32),
        mesh=_mesh(),
        compiler_params=pltpu.CompilerParams(needs_layout_passes=False),
        scratch_types=[
            pltpu.VMEM((ept,), jnp.int32),
            pltpu.VMEM((ept,), jnp.int32),
            pltpu.VMEM((n_nodes,), F32),
            pltpu.VMEM((n_nodes,), F32),
        ],
    )
    def deg_kernel(src_hbm, dst_hbm, out_hbm, s_v, d_v, od_v, id_v):
        wid = lax.axis_index("s") * NC + lax.axis_index("c")
        base = wid * ept
        pltpu.sync_copy(src_hbm.at[pl.ds(base, ept)], s_v)
        pltpu.sync_copy(dst_hbm.at[pl.ds(base, ept)], d_v)

        zero = jnp.zeros((L,), F32)

        def zbody(i, _):
            od_v[pl.ds(i * L, L)] = zero
            id_v[pl.ds(i * L, L)] = zero
            return ()

        lax.fori_loop(0, n_nodes // L, zbody, ())

        ones = jnp.ones((L,), F32)

        def ebody(g, _):
            s16 = s_v[pl.ds(g * L, L)]
            d16 = d_v[pl.ds(g * L, L)]
            plsc.addupdate_scatter(od_v, [s16], ones)
            plsc.addupdate_scatter(id_v, [d16], ones)
            return ()

        lax.fori_loop(0, ept // L, ebody, ())

        pltpu.sync_copy(od_v, out_hbm.at[wid])
        pltpu.sync_copy(id_v, out_hbm.at[NW + wid])

    return deg_kernel(src, dst)




def _norms(deg_part, n_nodes):
    def body(dp_ref, out_ref):
        od = jnp.sum(dp_ref[0:NW, :], axis=0, keepdims=True)
        idg = jnp.sum(dp_ref[NW : 2 * NW, :], axis=0, keepdims=True)
        ns = 1.0 / jnp.sqrt(jnp.maximum(od, 1.0))
        nd = 1.0 / jnp.sqrt(jnp.maximum(idg, 1.0))
        out_ref[...] = jnp.concatenate([ns, nd], axis=0)

    return pl.pallas_call(
        body,
        out_shape=jax.ShapeDtypeStruct((2, n_nodes), F32),
    )(deg_part)




def _mm1_scaled(x, w, norm2):
    n, f = x.shape

    def body(x_ref, w_ref, nrm_ref, out_ref):
        mm = lax.dot_general(
            w_ref[...], x_ref[...], (((0,), (1,)), ((), ())),
            preferred_element_type=F32,
        )
        out_ref[...] = mm * nrm_ref[0:1, :]

    return pl.pallas_call(
        body,
        out_shape=jax.ShapeDtypeStruct((f, n), F32),
    )(x, w, norm2)




def _layer2_scaled(aggT, w, b2d, norm2):
    f, n = aggT.shape

    def body(agg_ref, w_ref, b_ref, nrm_ref, out_ref):
        h = jnp.maximum(agg_ref[...] * nrm_ref[1:2, :] + b_ref[...], 0.0)
        mm = lax.dot_general(
            w_ref[...], h, (((0,), (0,)), ((), ())),
            preferred_element_type=F32,
        )
        out_ref[...] = mm * nrm_ref[0:1, :]

    return pl.pallas_call(
        body,
        out_shape=jax.ShapeDtypeStruct((f, n), F32),
    )(aggT, w, b2d, norm2)




def _edge_pass(mT, src, dst):
    f, n = mT.shape
    e = src.shape[0]
    fpt = f // NW
    chunk = 6400
    nch = e // chunk
    unroll = 16

    @functools.partial(
        pl.kernel,
        out_type=jax.ShapeDtypeStruct((f, n), F32),
        mesh=_mesh(),
        compiler_params=pltpu.CompilerParams(needs_layout_passes=False),
        scratch_types=(
            [pltpu.VMEM((n,), F32) for _ in range(2 * fpt)]
            + [
                pltpu.VMEM((chunk,), jnp.int32),
                pltpu.VMEM((chunk,), jnp.int32),
                pltpu.VMEM((chunk,), jnp.int32),
                pltpu.VMEM((chunk,), jnp.int32),
                pltpu.SemaphoreType.DMA,
                pltpu.SemaphoreType.DMA,
                pltpu.SemaphoreType.DMA,
                pltpu.SemaphoreType.DMA,
            ]
        ),
    )
    def edge_kernel(mT_hbm, src_hbm, dst_hbm, aggT_hbm, *rest):
        m_vs = rest[:fpt]
        agg_vs = rest[fpt : 2 * fpt]
        s_a, d_a, s_b, d_b, sem_sa, sem_da, sem_sb, sem_db = rest[2 * fpt :]
        wid = lax.axis_index("s") * NC + lax.axis_index("c")
        fbase = wid * fpt

        pltpu.async_copy(src_hbm.at[pl.ds(0, chunk)], s_a, sem_sa)
        pltpu.async_copy(dst_hbm.at[pl.ds(0, chunk)], d_a, sem_da)
        for j in range(fpt):
            pltpu.sync_copy(mT_hbm.at[fbase + j], m_vs[j])

        zero = jnp.zeros((L,), F32)

        def zbody(i, _):
            for j in range(fpt):
                agg_vs[j][pl.ds(i * L, L)] = zero
            return ()

        lax.fori_loop(0, n // L, zbody, ())

        def process(sbuf, dbuf):
            @plsc.parallel_loop(0, chunk // L, 1, unroll=unroll)
            def _(g):
                s16 = sbuf[pl.ds(g * L, L)]
                d16 = dbuf[pl.ds(g * L, L)]
                for j in range(fpt):
                    vals = plsc.load_gather(m_vs[j], [s16])
                    plsc.addupdate_scatter(agg_vs[j], [d16], vals)

        def cbody(p, _):
            off_b = (2 * p + 1) * chunk
            pltpu.async_copy(src_hbm.at[pl.ds(off_b, chunk)], s_b, sem_sb)
            pltpu.async_copy(dst_hbm.at[pl.ds(off_b, chunk)], d_b, sem_db)
            pltpu.make_async_copy(src_hbm.at[pl.ds(0, chunk)], s_a, sem_sa).wait()
            pltpu.make_async_copy(dst_hbm.at[pl.ds(0, chunk)], d_a, sem_da).wait()
            process(s_a, d_a)

            @pl.when(p < nch // 2 - 1)
            def _():
                off_a = (2 * p + 2) * chunk
                pltpu.async_copy(src_hbm.at[pl.ds(off_a, chunk)], s_a, sem_sa)
                pltpu.async_copy(dst_hbm.at[pl.ds(off_a, chunk)], d_a, sem_da)

            pltpu.make_async_copy(src_hbm.at[pl.ds(0, chunk)], s_b, sem_sb).wait()
            pltpu.make_async_copy(dst_hbm.at[pl.ds(0, chunk)], d_b, sem_db).wait()
            process(s_b, d_b)
            return ()

        lax.fori_loop(0, nch // 2, cbody, ())

        for j in range(fpt):
            pltpu.sync_copy(agg_vs[j], aggT_hbm.at[fbase + j])

    return edge_kernel(mT, src, dst)




def _head(aggT, norm2, b2d, wc1, bc1, wc2, bc2, wc3, bc3):
    f, n = aggT.shape

    def body(agg_ref, nrm_ref, b_ref, wc1_ref, bc1_ref, wc2_ref, bc2_ref,
             wc3_ref, bc3_ref, out_ref):
        h = jnp.maximum(agg_ref[...] * nrm_ref[1:2, :] + b_ref[...], 0.0)
        hg = jnp.sum(h, axis=1, keepdims=True) * (1.0 / n)
        z1 = lax.dot_general(
            wc1_ref[...], hg, (((0,), (0,)), ((), ())), preferred_element_type=F32
        )
        z1 = jnp.maximum(z1 + bc1_ref[...], 0.0)
        z2 = lax.dot_general(
            wc2_ref[...], z1, (((0,), (0,)), ((), ())), preferred_element_type=F32
        )
        z2 = jnp.maximum(z2 + bc2_ref[...], 0.0)
        out = lax.dot_general(
            wc3_ref[...], z2, (((0,), (0,)), ((), ())), preferred_element_type=F32
        )
        out_ref[...] = out + bc3_ref[...]

    return pl.pallas_call(
        body,
        out_shape=jax.ShapeDtypeStruct((1, 1), F32),
    )(aggT, norm2, b2d, wc1, bc1, wc2, bc2, wc3, bc3)




def kernel(x, edge_index, W1, b1, W2, b2, Wc1, bc1, Wc2, bc2, Wc3, bc3):
    n, f = x.shape
    src = edge_index[0].astype(jnp.int32)
    dst = edge_index[1].astype(jnp.int32)

    deg_part = _degrees(src, dst, n)
    norm2 = _norms(deg_part, n)

    m1T = _mm1_scaled(x, W1, norm2)
    agg1T = _edge_pass(m1T, src, dst)
    m2T = _layer2_scaled(agg1T, W2, b1.reshape(f, 1), norm2)
    agg2T = _edge_pass(m2T, src, dst)
    out = _head(
        agg2T, norm2, b2.reshape(f, 1),
        Wc1, bc1.reshape(f, 1), Wc2, bc2.reshape(f, 1),
        Wc3, bc3.reshape(1, 1),
    )
    return out

# --- scband reference (transcript-rebuilt; emitter-appended) ---
"""Pipeline reference for scband-gcnreg-42460046688816 (READ-ONLY COPY).

The authoritative reference and input builder live on the scoring server;
editing this copy changes nothing except your own understanding.
"""

import jax, jax.numpy as jnp
import numpy as np

N_NODES = 10000
N_EDGES = 320000
IN_DIM = 128
HID = 128
N_CLASSES = 1


def setup_inputs(seed: int = 0) -> dict:
    key = jax.random.key(seed)
    ks = jax.random.split(key, 16)
    x = jax.random.normal(ks[0], (N_NODES, IN_DIM), dtype=jnp.float32)
    edge_index = jax.random.randint(ks[1], (2, N_EDGES), 0, N_NODES, dtype=jnp.int64)
    s = 0.05
    W1 = jax.random.normal(ks[2], (IN_DIM, HID), dtype=jnp.float32) * s
    b1 = jnp.zeros((HID,), dtype=jnp.float32)
    W2 = jax.random.normal(ks[3], (HID, HID), dtype=jnp.float32) * s
    b2 = jnp.zeros((HID,), dtype=jnp.float32)
    Wc1 = jax.random.normal(ks[4], (HID, HID), dtype=jnp.float32) * s
    bc1 = jnp.zeros((HID,), dtype=jnp.float32)
    Wc2 = jax.random.normal(ks[5], (HID, HID), dtype=jnp.float32) * s
    bc2 = jnp.zeros((HID,), dtype=jnp.float32)
    Wc3 = jax.random.normal(ks[6], (HID, N_CLASSES), dtype=jnp.float32) * s
    bc3 = jnp.zeros((N_CLASSES,), dtype=jnp.float32)
    return {"x": x, "edge_index": edge_index, "W1": W1, "b1": b1, "W2": W2, "b2": b2,
            "Wc1": Wc1, "bc1": bc1, "Wc2": Wc2, "bc2": bc2, "Wc3": Wc3, "bc3": bc3}


def _gcn_layer(h, W, b, src, dst, norm_src, norm_dst, n_nodes):
    # DGL GraphConv norm='both': D_dst^{-1/2} A D_src^{-1/2} (X W) + b
    m = h @ W
    m = m * norm_src[:, None]
    msg = m[src]
    agg = jnp.zeros((n_nodes, W.shape[1]), dtype=m.dtype).at[dst].add(msg)
    return agg * norm_dst[:, None] + b


def reference(x, edge_index, W1, b1, W2, b2, Wc1, bc1, Wc2, bc2, Wc3, bc3):
    src = edge_index[0]
    dst = edge_index[1]
    n_nodes = x.shape[0]
    ones = jnp.ones((src.shape[0],), dtype=jnp.float32)
    out_deg = jnp.zeros((n_nodes,), dtype=jnp.float32).at[src].add(ones)
    in_deg = jnp.zeros((n_nodes,), dtype=jnp.float32).at[dst].add(ones)
    norm_src = 1.0 / jnp.sqrt(jnp.clip(out_deg, 1.0, None))
    norm_dst = 1.0 / jnp.sqrt(jnp.clip(in_deg, 1.0, None))
    h = jax.nn.relu(_gcn_layer(x, W1, b1, src, dst, norm_src, norm_dst, n_nodes))
    h = jax.nn.relu(_gcn_layer(h, W2, b2, src, dst, norm_src, norm_dst, n_nodes))
    # dgl.mean_nodes over a single (batched) graph -> [1, hidden]
    hg = jnp.mean(h, axis=0, keepdims=True)
    z = jax.nn.relu(hg @ Wc1 + bc1)
    z = jax.nn.relu(z @ Wc2 + bc2)
    out = z @ Wc3 + bc3
    return out

if __name__ == "__main__":
    import jax
    _d = setup_inputs()
    print(jax.jit(kernel)(*tuple(_d.values())))

</pallas_src>

<mosaic_0001>
#map = affine_map<(d0, d1) -> (0, 0)>
#map1 = affine_map<(d0, d1) -> (0)>
module attributes {stable_mosaic.version = 14 : i64} {
  func.func @edge_kernel(%arg0: i32, %arg1: i32, %arg2: memref<128x10000xf32, #tpu.memory_space<hbm>>, %arg3: memref<320000xi32, #tpu.memory_space<hbm>>, %arg4: memref<320000xi32, #tpu.memory_space<hbm>>, %arg5: memref<128x10000xf32, #tpu.memory_space<hbm>>, %arg6: memref<10000xf32, #tpu.memory_space<vmem>>, %arg7: memref<10000xf32, #tpu.memory_space<vmem>>, %arg8: memref<10000xf32, #tpu.memory_space<vmem>>, %arg9: memref<10000xf32, #tpu.memory_space<vmem>>, %arg10: memref<10000xf32, #tpu.memory_space<vmem>>, %arg11: memref<10000xf32, #tpu.memory_space<vmem>>, %arg12: memref<10000xf32, #tpu.memory_space<vmem>>, %arg13: memref<10000xf32, #tpu.memory_space<vmem>>, %arg14: memref<6400xi32, #tpu.memory_space<vmem>>, %arg15: memref<6400xi32, #tpu.memory_space<vmem>>, %arg16: memref<6400xi32, #tpu.memory_space<vmem>>, %arg17: memref<6400xi32, #tpu.memory_space<vmem>>, %arg18: memref<!tpu.dma_semaphore, #tpu.memory_space<semaphore_mem>>, %arg19: memref<!tpu.dma_semaphore, #tpu.memory_space<semaphore_mem>>, %arg20: memref<!tpu.dma_semaphore, #tpu.memory_space<semaphore_mem>>, %arg21: memref<!tpu.dma_semaphore, #tpu.memory_space<semaphore_mem>>) attributes {dimension_semantics = [#tpu.dimension_semantics<core_parallel>, #tpu.dimension_semantics<subcore_parallel>], iteration_bounds = array<i64: 2, 16>, scalar_prefetch = 0 : i64, scratch_operands = 16 : i64, tpu.core_type = #tpu.core_type<sc_vector_subcore>, window_params = [{transform_indices = #map}, {transform_indices = #map1}, {transform_indices = #map1}, {transform_indices = #map}]} {
    %mul3A = arith.constant 2 : i32
    %mul3A_0 = arith.muli %arg1, %mul3A : i32
    %add3A = arith.addi %mul3A_0, %arg0 : i32
    %mul3A_1 = arith.constant 4 : i32
    %mul3A_2 = arith.muli %add3A, %mul3A_1 : i32
    %dma_start3A = arith.constant 0 : i32
    %dma_start3A_3 = tpu.memref_slice %arg3[%dma_start3A] : memref<320000xi32, #tpu.memory_space<hbm>> -> memref<6400xi32, #tpu.memory_space<hbm>>
    %dma_start3A_4 = arith.constant 0 : i32
    %dma_start3A_5 = tpu.memref_slice %arg3[%dma_start3A_4] : memref<320000xi32, #tpu.memory_space<hbm>> -> memref<6400xi32, #tpu.memory_space<hbm>>
    tpu.enqueue_dma source(%dma_start3A_5 : memref<6400xi32, #tpu.memory_space<hbm>>) target(%arg14 : memref<6400xi32, #tpu.memory_space<vmem>>) target_semaphore(%arg18 : memref<!tpu.dma_semaphore, #tpu.memory_space<semaphore_mem>>)
    %dma_start3A_6 = arith.constant 0 : i32
    %dma_start3A_7 = tpu.memref_slice %arg4[%dma_start3A_6] : memref<320000xi32, #tpu.memory_space<hbm>> -> memref<6400xi32, #tpu.memory_space<hbm>>
    %dma_start3A_8 = arith.constant 0 : i32
    %dma_start3A_9 = tpu.memref_slice %arg4[%dma_start3A_8] : memref<320000xi32, #tpu.memory_space<hbm>> -> memref<6400xi32, #tpu.memory_space<hbm>>
    tpu.enqueue_dma source(%dma_start3A_9 : memref<6400xi32, #tpu.memory_space<hbm>>) target(%arg15 : memref<6400xi32, #tpu.memory_space<vmem>>) target_semaphore(%arg19 : memref<!tpu.dma_semaphore, #tpu.memory_space<semaphore_mem>>)
    %add3A_10 = arith.constant 0 : i32
    %add3A_11 = arith.addi %mul3A_2, %add3A_10 : i32
    "tpu.region"() ({
      %run_scoped3A = tpu.sem_alloc : memref<!tpu.dma_semaphore, #tpu.memory_space<semaphore_mem>>
      %dma_start3A_36 = arith.constant 0 : i32
      %dma_start3A_37 = tpu.memref_slice %arg2[%add3A_11, %dma_start3A_36] : memref<128x10000xf32, #tpu.memory_space<hbm>> -> memref<1x10000xf32, #tpu.memory_space<hbm>>
      %dma_start3A_38 = tpu.memref_squeeze %dma_start3A_37 : memref<1x10000xf32, #tpu.memory_space<hbm>> -> memref<10000xf32, #tpu.memory_space<hbm>>
      %dma_start3A_39 = arith.constant 0 : i32
      %dma_start3A_40 = tpu.memref_slice %arg2[%add3A_11, %dma_start3A_39] : memref<128x10000xf32, #tpu.memory_space<hbm>> -> memref<1x10000xf32, #tpu.memory_space<hbm>>
      %dma_start3A_41 = tpu.memref_squeeze %dma_start3A_40 : memref<1x10000xf32, #tpu.memory_space<hbm>> -> memref<10000xf32, #tpu.memory_space<hbm>>
      tpu.enqueue_dma source(%dma_start3A_41 : memref<10000xf32, #tpu.memory_space<hbm>>) target(%arg6 : memref<10000xf32, #tpu.memory_space<vmem>>) target_semaphore(%run_scoped3A : memref<!tpu.dma_semaphore, #tpu.memory_space<semaphore_mem>>)
      %dma_wait3A = arith.constant 0 : i32
      %dma_wait3A_42 = tpu.memref_slice %arg2[%add3A_11, %dma_wait3A] : memref<128x10000xf32, #tpu.memory_space<hbm>> -> memref<1x10000xf32, #tpu.memory_space<hbm>>
      %dma_wait3A_43 = tpu.memref_squeeze %dma_wait3A_42 : memref<1x10000xf32, #tpu.memory_space<hbm>> -> memref<10000xf32, #tpu.memory_space<hbm>>
      %dma_wait3A_44 = arith.constant 0 : i32
      %dma_wait3A_45 = tpu.memref_slice %arg2[%add3A_11, %dma_wait3A_44] : memref<128x10000xf32, #tpu.memory_space<hbm>> -> memref<1x10000xf32, #tpu.memory_space<hbm>>
      %dma_wait3A_46 = tpu.memref_squeeze %dma_wait3A_45 : memref<1x10000xf32, #tpu.memory_space<hbm>> -> memref<10000xf32, #tpu.memory_space<hbm>>
      tpu.wait_dma2 semaphore(%run_scoped3A : memref<!tpu.dma_semaphore, #tpu.memory_space<semaphore_mem>>) src(%dma_wait3A_46 : memref<10000xf32, #tpu.memory_space<hbm>>) dst(%arg6 : memref<10000xf32, #tpu.memory_space<vmem>>)
      tpu.yield
    }) : () -> ()
    %add3A_12 = arith.constant 1 : i32
    %add3A_13 = arith.addi %mul3A_2, %add3A_12 : i32
    "tpu.region"() ({
      %run_scoped3A = tpu.sem_alloc : memref<!tpu.dma_semaphore, #tpu.memory_space<semaphore_mem>>
      %dma_start3A_36 = arith.constant 0 : i32
      %dma_start3A_37 = tpu.memref_slice %arg2[%add3A_13, %dma_start3A_36] : memref<128x10000xf32, #tpu.memory_space<hbm>> -> memref<1x10000xf32, #tpu.memory_space<hbm>>
      %dma_start3A_38 = tpu.memref_squeeze %dma_start3A_37 : memref<1x10000xf32, #tpu.memory_space<hbm>> -> memref<10000xf32, #tpu.memory_space<hbm>>
      %dma_start3A_39 = arith.constant 0 : i32
      %dma_start3A_40 = tpu.memref_slice %arg2[%add3A_13, %dma_start3A_39] : memref<128x10000xf32, #tpu.memory_space<hbm>> -> memref<1x10000xf32, #tpu.memory_space<hbm>>
      %dma_start3A_41 = tpu.memref_squeeze %dma_start3A_40 : memref<1x10000xf32, #tpu.memory_space<hbm>> -> memref<10000xf32, #tpu.memory_space<hbm>>
      tpu.enqueue_dma source(%dma_start3A_41 : memref<10000xf32, #tpu.memory_space<hbm>>) target(%arg7 : memref<10000xf32, #tpu.memory_space<vmem>>) target_semaphore(%run_scoped3A : memref<!tpu.dma_semaphore, #tpu.memory_space<semaphore_mem>>)
      %dma_wait3A = arith.constant 0 : i32
      %dma_wait3A_42 = tpu.memref_slice %arg2[%add3A_13, %dma_wait3A] : memref<128x10000xf32, #tpu.memory_space<hbm>> -> memref<1x10000xf32, #tpu.memory_space<hbm>>
      %dma_wait3A_43 = tpu.memref_squeeze %dma_wait3A_42 : memref<1x10000xf32, #tpu.memory_space<hbm>> -> memref<10000xf32, #tpu.memory_space<hbm>>
      %dma_wait3A_44 = arith.constant 0 : i32
      %dma_wait3A_45 = tpu.memref_slice %arg2[%add3A_13, %dma_wait3A_44] : memref<128x10000xf32, #tpu.memory_space<hbm>> -> memref<1x10000xf32, #tpu.memory_space<hbm>>
      %dma_wait3A_46 = tpu.memref_squeeze %dma_wait3A_45 : memref<1x10000xf32, #tpu.memory_space<hbm>> -> memref<10000xf32, #tpu.memory_space<hbm>>
      tpu.wait_dma2 semaphore(%run_scoped3A : memref<!tpu.dma_semaphore, #tpu.memory_space<semaphore_mem>>) src(%dma_wait3A_46 : memref<10000xf32, #tpu.memory_space<hbm>>) dst(%arg7 : memref<10000xf32, #tpu.memory_space<vmem>>)
      tpu.yield
    }) : () -> ()
    %add3A_14 = arith.constant 2 : i32
    %add3A_15 = arith.addi %mul3A_2, %add3A_14 : i32
    "tpu.region"() ({
      %run_scoped3A = tpu.sem_alloc : memref<!tpu.dma_semaphore, #tpu.memory_space<semaphore_mem>>
      %dma_start3A_36 = arith.constant 0 : i32
      %dma_start3A_37 = tpu.memref_slice %arg2[%add3A_15, %dma_start3A_36] : memref<128x10000xf32, #tpu.memory_space<hbm>> -> memref<1x10000xf32, #tpu.memory_space<hbm>>
      %dma_start3A_38 = tpu.memref_squeeze %dma_start3A_37 : memref<1x10000xf32, #tpu.memory_space<hbm>> -> memref<10000xf32, #tpu.memory_space<hbm>>
      %dma_start3A_39 = arith.constant 0 : i32
      %dma_start3A_40 = tpu.memref_slice %arg2[%add3A_15, %dma_start3A_39] : memref<128x10000xf32, #tpu.memory_space<hbm>> -> memref<1x10000xf32, #tpu.memory_space<hbm>>
      %dma_start3A_41 = tpu.memref_squeeze %dma_start3A_40 : memref<1x10000xf32, #tpu.memory_space<hbm>> -> memref<10000xf32, #tpu.memory_space<hbm>>
      tpu.enqueue_dma source(%dma_start3A_41 : memref<10000xf32, #tpu.memory_space<hbm>>) target(%arg8 : memref<10000xf32, #tpu.memory_space<vmem>>) target_semaphore(%run_scoped3A : memref<!tpu.dma_semaphore, #tpu.memory_space<semaphore_mem>>)
      %dma_wait3A = arith.constant 0 : i32
      %dma_wait3A_42 = tpu.memref_slice %arg2[%add3A_15, %dma_wait3A] : memref<128x10000xf32, #tpu.memory_space<hbm>> -> memref<1x10000xf32, #tpu.memory_space<hbm>>
      %dma_wait3A_43 = tpu.memref_squeeze %dma_wait3A_42 : memref<1x10000xf32, #tpu.memory_space<hbm>> -> memref<10000xf32, #tpu.memory_space<hbm>>
      %dma_wait3A_44 = arith.constant 0 : i32
      %dma_wait3A_45 = tpu.memref_slice %arg2[%add3A_15, %dma_wait3A_44] : memref<128x10000xf32, #tpu.memory_space<hbm>> -> memref<1x10000xf32, #tpu.memory_space<hbm>>
      %dma_wait3A_46 = tpu.memref_squeeze %dma_wait3A_45 : memref<1x10000xf32, #tpu.memory_space<hbm>> -> memref<10000xf32, #tpu.memory_space<hbm>>
      tpu.wait_dma2 semaphore(%run_scoped3A : memref<!tpu.dma_semaphore, #tpu.memory_space<semaphore_mem>>) src(%dma_wait3A_46 : memref<10000xf32, #tpu.memory_space<hbm>>) dst(%arg8 : memref<10000xf32, #tpu.memory_space<vmem>>)
      tpu.yield
    }) : () -> ()
    %add3A_16 = arith.constant 3 : i32
    %add3A_17 = arith.addi %mul3A_2, %add3A_16 : i32
    "tpu.region"() ({
      %run_scoped3A = tpu.sem_alloc : memref<!tpu.dma_semaphore, #tpu.memory_space<semaphore_mem>>
      %dma_start3A_36 = arith.constant 0 : i32
      %dma_start3A_37 = tpu.memref_slice %arg2[%add3A_17, %dma_start3A_36] : memref<128x10000xf32, #tpu.memory_space<hbm>> -> memref<1x10000xf32, #tpu.memory_space<hbm>>
      %dma_start3A_38 = tpu.memref_squeeze %dma_start3A_37 : memref<1x10000xf32, #tpu.memory_space<hbm>> -> memref<10000xf32, #tpu.memory_space<hbm>>
      %dma_start3A_39 = arith.constant 0 : i32
      %dma_start3A_40 = tpu.memref_slice %arg2[%add3A_17, %dma_start3A_39] : memref<128x10000xf32, #tpu.memory_space<hbm>> -> memref<1x10000xf32, #tpu.memory_space<hbm>>
      %dma_start3A_41 = tpu.memref_squeeze %dma_start3A_40 : memref<1x10000xf32, #tpu.memory_space<hbm>> -> memref<10000xf32, #tpu.memory_space<hbm>>
      tpu.enqueue_dma source(%dma_start3A_41 : memref<10000xf32, #tpu.memory_space<hbm>>) target(%arg9 : memref<10000xf32, #tpu.memory_space<vmem>>) target_semaphore(%run_scoped3A : memref<!tpu.dma_semaphore, #tpu.memory_space<semaphore_mem>>)
      %dma_wait3A = arith.constant 0 : i32
      %dma_wait3A_42 = tpu.memref_slice %arg2[%add3A_17, %dma_wait3A] : memref<128x10000xf32, #tpu.memory_space<hbm>> -> memref<1x10000xf32, #tpu.memory_space<hbm>>
      %dma_wait3A_43 = tpu.memref_squeeze %dma_wait3A_42 : memref<1x10000xf32, #tpu.memory_space<hbm>> -> memref<10000xf32, #tpu.memory_space<hbm>>
      %dma_wait3A_44 = arith.constant 0 : i32
      %dma_wait3A_45 = tpu.memref_slice %arg2[%add3A_17, %dma_wait3A_44] : memref<128x10000xf32, #tpu.memory_space<hbm>> -> memref<1x10000xf32, #tpu.memory_space<hbm>>
      %dma_wait3A_46 = tpu.memref_squeeze %dma_wait3A_45 : memref<1x10000xf32, #tpu.memory_space<hbm>> -> memref<10000xf32, #tpu.memory_space<hbm>>
      tpu.wait_dma2 semaphore(%run_scoped3A : memref<!tpu.dma_semaphore, #tpu.memory_space<semaphore_mem>>) src(%dma_wait3A_46 : memref<10000xf32, #tpu.memory_space<hbm>>) dst(%arg9 : memref<10000xf32, #tpu.memory_space<vmem>>)
      tpu.yield
    }) : () -> ()
    %broadcast_in_dim3A = arith.constant 0.000000e+00 : f32
    %broadcast_in_dim3A_18 = vector.broadcast %broadcast_in_dim3A : f32 to vector<16xf32>
    %scan3A = arith.constant 0 : i32
    %scan3A_19 = arith.constant 625 : i32
    %scan3A_20 = arith.addi %scan3A, %scan3A_19 : i32
    %scan3A_21 = arith.constant 1 : i32
    scf.for %scan3A_36 = %scan3A to %scan3A_20 step %scan3A_21  : i32 {
      %mul3A_37 = arith.constant 16 : i32
      %mul3A_38 = arith.muli %scan3A_36, %mul3A_37 : i32
      %swap3A = arith.index_cast %mul3A_38 : i32 to index
      %swap3A_39 = tpu.vector_load %arg10[%swap3A] {strides = array<i32>} : memref<10000xf32, #tpu.memory_space<vmem>>, vector<16xf32>,
      tpu.vector_store %arg10[%swap3A], %broadcast_in_dim3A_18 {strides = array<i32>} : memref<10000xf32, #tpu.memory_space<vmem>>, vector<16xf32>,
      %mul3A_40 = arith.constant 16 : i32
      %mul3A_41 = arith.muli %scan3A_36, %mul3A_40 : i32
      %swap3A_42 = arith.index_cast %mul3A_41 : i32 to index
      %swap3A_43 = tpu.vector_load %arg11[%swap3A_42] {strides = array<i32>} : memref<10000xf32, #tpu.memory_space<vmem>>, vector<16xf32>,
      tpu.vector_store %arg11[%swap3A_42], %broadcast_in_dim3A_18 {strides = array<i32>} : memref<10000xf32, #tpu.memory_space<vmem>>, vector<16xf32>,
      %mul3A_44 = arith.constant 16 : i32
      %mul3A_45 = arith.muli %scan3A_36, %mul3A_44 : i32
      %swap3A_46 = arith.index_cast %mul3A_45 : i32 to index
      %swap3A_47 = tpu.vector_load %arg12[%swap3A_46] {strides = array<i32>} : memref<10000xf32, #tpu.memory_space<vmem>>, vector<16xf32>,
      tpu.vector_store %arg12[%swap3A_46], %broadcast_in_dim3A_18 {strides = array<i32>} : memref<10000xf32, #tpu.memory_space<vmem>>, vector<16xf32>,
      %mul3A_48 = arith.constant 16 : i32
      %mul3A_49 = arith.muli %scan3A_36, %mul3A_48 : i32
      %swap3A_50 = arith.index_cast %mul3A_49 : i32 to index
      %swap3A_51 = tpu.vector_load %arg13[%swap3A_50] {strides = array<i32>} : memref<10000xf32, #tpu.memory_space<vmem>>, vector<16xf32>,
      tpu.vector_store %arg13[%swap3A_50], %broadcast_in_dim3A_18 {strides = array<i32>} : memref<10000xf32, #tpu.memory_space<vmem>>, vector<16xf32>,
    }
    %scan3A_22 = arith.constant 625 : i32
    %scan3A_23 = arith.constant 0 : i32
    %scan3A_24 = arith.constant 25 : i32
    %scan3A_25 = arith.addi %scan3A_23, %scan3A_24 : i32
    %scan3A_26 = arith.constant 1 : i32
    scf.for %scan3A_36 = %scan3A_23 to %scan3A_25 step %scan3A_26  : i32 {
      %mul3A_37 = arith.constant 2 : i32
      %mul3A_38 = arith.muli %mul3A_37, %scan3A_36 : i32
      %add3A_39 = arith.constant 1 : i32
      %add3A_40 = arith.addi %mul3A_38, %add3A_39 : i32
      %mul3A_41 = arith.constant 6400 : i32
      %mul3A_42 = arith.muli %add3A_40, %mul3A_41 : i32
      %dma_start3A_43 = tpu.memref_slice %arg3[%mul3A_42] : memref<320000xi32, #tpu.memory_space<hbm>> -> memref<6400xi32, #tpu.memory_space<hbm>>
      %dma_start3A_44 = tpu.memref_slice %arg3[%mul3A_42] : memref<320000xi32, #tpu.memory_space<hbm>> -> memref<6400xi32, #tpu.memory_space<hbm>>
      tpu.enqueue_dma source(%dma_start3A_44 : memref<6400xi32, #tpu.memory_space<hbm>>) target(%arg16 : memref<6400xi32, #tpu.memory_space<vmem>>) target_semaphore(%arg20 : memref<!tpu.dma_semaphore, #tpu.memory_space<semaphore_mem>>)
      %dma_start3A_45 = tpu.memref_slice %arg4[%mul3A_42] : memref<320000xi32, #tpu.memory_space<hbm>> -> memref<6400xi32, #tpu.memory_space<hbm>>
      %dma_start3A_46 = tpu.memref_slice %arg4[%mul3A_42] : memref<320000xi32, #tpu.memory_space<hbm>> -> memref<6400xi32, #tpu.memory_space<hbm>>
      tpu.enqueue_dma source(%dma_start3A_46 : memref<6400xi32, #tpu.memory_space<hbm>>) target(%arg17 : memref<6400xi32, #tpu.memory_space<vmem>>) target_semaphore(%arg21 : memref<!tpu.dma_semaphore, #tpu.memory_space<semaphore_mem>>)
      %dma_wait3A = arith.constant 0 : i32
      %dma_wait3A_47 = tpu.memref_slice %arg3[%dma_wait3A] : memref<320000xi32, #tpu.memory_space<hbm>> -> memref<6400xi32, #tpu.memory_space<hbm>>
      %dma_wait3A_48 = arith.constant 0 : i32
      %dma_wait3A_49 = tpu.memref_slice %arg3[%dma_wait3A_48] : memref<320000xi32, #tpu.memory_space<hbm>> -> memref<6400xi32, #tpu.memory_space<hbm>>
      tpu.wait_dma2 semaphore(%arg18 : memref<!tpu.dma_semaphore, #tpu.memory_space<semaphore_mem>>) src(%dma_wait3A_49 : memref<6400xi32, #tpu.memory_space<hbm>>) dst(%arg14 : memref<6400xi32, #tpu.memory_space<vmem>>)
      %dma_wait3A_50 = arith.constant 0 : i32
      %dma_wait3A_51 = tpu.memref_slice %arg4[%dma_wait3A_50] : memref<320000xi32, #tpu.memory_space<hbm>> -> memref<6400xi32, #tpu.memory_space<hbm>>
      %dma_wait3A_52 = arith.constant 0 : i32
      %dma_wait3A_53 = tpu.memref_slice %arg4[%dma_wait3A_52] : memref<320000xi32, #tpu.memory_space<hbm>> -> memref<6400xi32, #tpu.memory_space<hbm>>
      tpu.wait_dma2 semaphore(%arg19 : memref<!tpu.dma_semaphore, #tpu.memory_space<semaphore_mem>>) src(%dma_wait3A_53 : memref<6400xi32, #tpu.memory_space<hbm>>) dst(%arg15 : memref<6400xi32, #tpu.memory_space<vmem>>)
      %parallel_loop3A = arith.constant 0 : i32
      %parallel_loop3A_54 = arith.constant 400 : i32
      %parallel_loop3A_55 = arith.constant 1 : i32
      scf.for %parallel_loop3A_69 = %parallel_loop3A to %parallel_loop3A_54 step %parallel_loop3A_55  : i32 {
        %parallel_loop3A_70 = arith.constant 16 : i32
        %parallel_loop3A_71 = arith.muli %parallel_loop3A_69, %parallel_loop3A_70 : i32
        %parallel_loop3A_72 = arith.index_cast %parallel_loop3A_71 : i32 to index
        %parallel_loop3A_73 = tpu.vector_load %arg14[%parallel_loop3A_72] {strides = array<i32>} : memref<6400xi32, #tpu.memory_space<vmem>>, vector<16xi32>,
        %parallel_loop3A_74 = arith.constant 16 : i32
        %parallel_loop3A_75 = arith.muli %parallel_loop3A_69, %parallel_loop3A_74 : i32
        %parallel_loop3A_76 = arith.index_cast %parallel_loop3A_75 : i32 to index
        %parallel_loop3A_77 = tpu.vector_load %arg15[%parallel_loop3A_76] {strides = array<i32>} : memref<6400xi32, #tpu.memory_space<vmem>>, vector<16xi32>,
        %parallel_loop3A_78 = tpu.vector_load_idx %arg6[%parallel_loop3A_73] : memref<10000xf32, #tpu.memory_space<vmem>>[vector<16xi32>], vector<16xf32>,
        tpu.vector_store_idx %arg10[%parallel_loop3A_77], %parallel_loop3A_78 {add = true} : memref<10000xf32, #tpu.memory_space<vmem>>[vector<16xi32>], vector<16xf32>,
        %parallel_loop3A_79 = tpu.vector_load_idx %arg7[%parallel_loop3A_73] : memref<10000xf32, #tpu.memory_space<vmem>>[vector<16xi32>], vector<16xf32>,
        tpu.vector_store_idx %arg11[%parallel_loop3A_77], %parallel_loop3A_79 {add = true} : memref<10000xf32, #tpu.memory_space<vmem>>[vector<16xi32>], vector<16xf32>,
        %parallel_loop3A_80 = tpu.vector_load_idx %arg8[%parallel_loop3A_73] : memref<10000xf32, #tpu.memory_space<vmem>>[vector<16xi32>], vector<16xf32>,
        tpu.vector_store_idx %arg12[%parallel_loop3A_77], %parallel_loop3A_80 {add = true} : memref<10000xf32, #tpu.memory_space<vmem>>[vector<16xi32>], vector<16xf32>,
        %parallel_loop3A_81 = tpu.vector_load_idx %arg9[%parallel_loop3A_73] : memref<10000xf32, #tpu.memory_space<vmem>>[vector<16xi32>], vector<16xf32>,
        tpu.vector_store_idx %arg13[%parallel_loop3A_77], %parallel_loop3A_81 {add = true} : memref<10000xf32, #tpu.memory_space<vmem>>[vector<16xi32>], vector<16xf32>,
      } {sc.loop_unroll_factor = 16 : i64, sc.parallel_access}
      %lt3A = arith.constant 24 : i32
      %lt3A_56 = arith.cmpi slt, %scan3A_36, %lt3A : i32
      %convert_element_type3A = arith.extui %lt3A_56 : i1 to i32
      %cond3A = arith.constant 0 : i32
      %cond3A_57 = arith.cmpi ne, %convert_element_type3A, %cond3A : i32
      scf.if %cond3A_57 {
        %mul3A_69 = arith.constant 2 : i32
        %mul3A_70 = arith.muli %mul3A_69, %scan3A_36 : i32
        %add3A_71 = arith.constant 2 : i32
        %add3A_72 = arith.addi %mul3A_70, %add3A_71 : i32
        %mul3A_73 = arith.constant 6400 : i32
        %mul3A_74 = arith.muli %add3A_72, %mul3A_73 : i32
        %dma_start3A_75 = tpu.memref_slice %arg3[%mul3A_74] : memref<320000xi32, #tpu.memory_space<hbm>> -> memref<6400xi32, #tpu.memory_space<hbm>>
        %dma_start3A_76 = tpu.memref_slice %arg3[%mul3A_74] : memref<320000xi32, #tpu.memory_space<hbm>> -> memref<6400xi32, #tpu.memory_space<hbm>>
        tpu.enqueue_dma source(%dma_start3A_76 : memref<6400xi32, #tpu.memory_space<hbm>>) target(%arg14 : memref<6400xi32, #tpu.memory_space<vmem>>) target_semaphore(%arg18 : memref<!tpu.dma_semaphore, #tpu.memory_space<semaphore_mem>>)
        %dma_start3A_77 = tpu.memref_slice %arg4[%mul3A_74] : memref<320000xi32, #tpu.memory_space<hbm>> -> memref<6400xi32, #tpu.memory_space<hbm>>
        %dma_start3A_78 = tpu.memref_slice %arg4[%mul3A_74] : memref<320000xi32, #tpu.memory_space<hbm>> -> memref<6400xi32, #tpu.memory_space<hbm>>
        tpu.enqueue_dma source(%dma_start3A_78 : memref<6400xi32, #tpu.memory_space<hbm>>) target(%arg15 : memref<6400xi32, #tpu.memory_space<vmem>>) target_semaphore(%arg19 : memref<!tpu.dma_semaphore, #tpu.memory_space<semaphore_mem>>)
      } else {
      }
      %dma_wait3A_58 = arith.constant 0 : i32
      %dma_wait3A_59 = tpu.memref_slice %arg3[%dma_wait3A_58] : memref<320000xi32, #tpu.memory_space<hbm>> -> memref<6400xi32, #tpu.memory_space<hbm>>
      %dma_wait3A_60 = arith.constant 0 : i32
      %dma_wait3A_61 = tpu.memref_slice %arg3[%dma_wait3A_60] : memref<320000xi32, #tpu.memory_space<hbm>> -> memref<6400xi32, #tpu.memory_space<hbm>>
      tpu.wait_dma2 semaphore(%arg20 : memref<!tpu.dma_semaphore, #tpu.memory_space<semaphore_mem>>) src(%dma_wait3A_61 : memref<6400xi32, #tpu.memory_space<hbm>>) dst(%arg16 : memref<6400xi32, #tpu.memory_space<vmem>>)
      %dma_wait3A_62 = arith.constant 0 : i32
      %dma_wait3A_63 = tpu.memref_slice %arg4[%dma_wait3A_62] : memref<320000xi32, #tpu.memory_space<hbm>> -> memref<6400xi32, #tpu.memory_space<hbm>>
      %dma_wait3A_64 = arith.constant 0 : i32
      %dma_wait3A_65 = tpu.memref_slice %arg4[%dma_wait3A_64] : memref<320000xi32, #tpu.memory_space<hbm>> -> memref<6400xi32, #tpu.memory_space<hbm>>
      tpu.wait_dma2 semaphore(%arg21 : memref<!tpu.dma_semaphore, #tpu.memory_space<semaphore_mem>>) src(%dma_wait3A_65 : memref<6400xi32, #tpu.memory_space<hbm>>) dst(%arg17 : memref<6400xi32, #tpu.memory_space<vmem>>)
      %parallel_loop3A_66 = arith.constant 0 : i32
      %parallel_loop3A_67 = arith.constant 400 : i32
      %parallel_loop3A_68 = arith.constant 1 : i32
      scf.for %parallel_loop3A_69 = %parallel_loop3A_66 to %parallel_loop3A_67 step %parallel_loop3A_68  : i32 {
        %parallel_loop3A_70 = arith.constant 16 : i32
        %parallel_loop3A_71 = arith.muli %parallel_loop3A_69, %parallel_loop3A_70 : i32
        %parallel_loop3A_72 = arith.index_cast %parallel_loop3A_71 : i32 to index
        %parallel_loop3A_73 = tpu.vector_load %arg16[%parallel_loop3A_72] {strides = array<i32>} : memref<6400xi32, #tpu.memory_space<vmem>>, vector<16xi32>,
        %parallel_loop3A_74 = arith.constant 16 : i32
        %parallel_loop3A_75 = arith.muli %parallel_loop3A_69, %parallel_loop3A_74 : i32
        %parallel_loop3A_76 = arith.index_cast %parallel_loop3A_75 : i32 to index
        %parallel_loop3A_77 = tpu.vector_load %arg17[%parallel_loop3A_76] {strides = array<i32>} : memref<6400xi32, #tpu.memory_space<vmem>>, vector<16xi32>,
        %parallel_loop3A_78 = tpu.vector_load_idx %arg6[%parallel_loop3A_73] : memref<10000xf32, #tpu.memory_space<vmem>>[vector<16xi32>], vector<16xf32>,
        tpu.vector_store_idx %arg10[%parallel_loop3A_77], %parallel_loop3A_78 {add = true} : memref<10000xf32, #tpu.memory_space<vmem>>[vector<16xi32>], vector<16xf32>,
        %parallel_loop3A_79 = tpu.vector_load_idx %arg7[%parallel_loop3A_73] : memref<10000xf32, #tpu.memory_space<vmem>>[vector<16xi32>], vector<16xf32>,
        tpu.vector_store_idx %arg11[%parallel_loop3A_77], %parallel_loop3A_79 {add = true} : memref<10000xf32, #tpu.memory_space<vmem>>[vector<16xi32>], vector<16xf32>,
        %parallel_loop3A_80 = tpu.vector_load_idx %arg8[%parallel_loop3A_73] : memref<10000xf32, #tpu.memory_space<vmem>>[vector<16xi32>], vector<16xf32>,
        tpu.vector_store_idx %arg12[%parallel_loop3A_77], %parallel_loop3A_80 {add = true} : memref<10000xf32, #tpu.memory_space<vmem>>[vector<16xi32>], vector<16xf32>,
        %parallel_loop3A_81 = tpu.vector_load_idx %arg9[%parallel_loop3A_73] : memref<10000xf32, #tpu.memory_space<vmem>>[vector<16xi32>], vector<16xf32>,
        tpu.vector_store_idx %arg13[%parallel_loop3A_77], %parallel_loop3A_81 {add = true} : memref<10000xf32, #tpu.memory_space<vmem>>[vector<16xi32>], vector<16xf32>,
      } {sc.loop_unroll_factor = 16 : i64, sc.parallel_access}
    }
    %scan3A_27 = arith.constant 25 : i32
    %add3A_28 = arith.constant 0 : i32
    %add3A_29 = arith.addi %mul3A_2, %add3A_28 : i32
    "tpu.region"() ({
      %run_scoped3A = tpu.sem_alloc : memref<!tpu.dma_semaphore, #tpu.memory_space<semaphore_mem>>
      %dma_start3A_36 = arith.constant 0 : i32
      %dma_start3A_37 = tpu.memref_slice %arg5[%add3A_29, %dma_start3A_36] : memref<128x10000xf32, #tpu.memory_space<hbm>> -> memref<1x10000xf32, #tpu.memory_space<hbm>>
      %dma_start3A_38 = tpu.memref_squeeze %dma_start3A_37 : memref<1x10000xf32, #tpu.memory_space<hbm>> -> memref<10000xf32, #tpu.memory_space<hbm>>
      %dma_start3A_39 = arith.constant 0 : i32
      %dma_start3A_40 = tpu.memref_slice %arg5[%add3A_29, %dma_start3A_39] : memref<128x10000xf32, #tpu.memory_space<hbm>> -> memref<1x10000xf32, #tpu.memory_space<hbm>>
      %dma_start3A_41 = tpu.memref_squeeze %dma_start3A_40 : memref<1x10000xf32, #tpu.memory_space<hbm>> -> memref<10000xf32, #tpu.memory_space<hbm>>
      tpu.enqueue_dma source(%arg10 : memref<10000xf32, #tpu.memory_space<vmem>>) target(%dma_start3A_41 : memref<10000xf32, #tpu.memory_space<hbm>>) target_semaphore(%run_scoped3A : memref<!tpu.dma_semaphore, #tpu.memory_space<semaphore_mem>>)
      %dma_wait3A = arith.constant 0 : i32
      %dma_wait3A_42 = tpu.memref_slice %arg5[%add3A_29, %dma_wait3A] : memref<128x10000xf32, #tpu.memory_space<hbm>> -> memref<1x10000xf32, #tpu.memory_space<hbm>>
      %dma_wait3A_43 = tpu.memref_squeeze %dma_wait3A_42 : memref<1x10000xf32, #tpu.memory_space<hbm>> -> memref<10000xf32, #tpu.memory_space<hbm>>
      %dma_wait3A_44 = arith.constant 0 : i32
      %dma_wait3A_45 = tpu.memref_slice %arg5[%add3A_29, %dma_wait3A_44] : memref<128x10000xf32, #tpu.memory_space<hbm>> -> memref<1x10000xf32, #tpu.memory_space<hbm>>
      %dma_wait3A_46 = tpu.memref_squeeze %dma_wait3A_45 : memref<1x10000xf32, #tpu.memory_space<hbm>> -> memref<10000xf32, #tpu.memory_space<hbm>>
      tpu.wait_dma2 semaphore(%run_scoped3A : memref<!tpu.dma_semaphore, #tpu.memory_space<semaphore_mem>>) src(%arg10 : memref<10000xf32, #tpu.memory_space<vmem>>) dst(%dma_wait3A_46 : memref<10000xf32, #tpu.memory_space<hbm>>)
      tpu.yield
    }) : () -> ()
    %add3A_30 = arith.constant 1 : i32
    %add3A_31 = arith.addi %mul3A_2, %add3A_30 : i32
    "tpu.region"() ({
      %run_scoped3A = tpu.sem_alloc : memref<!tpu.dma_semaphore, #tpu.memory_space<semaphore_mem>>
      %dma_start3A_36 = arith.constant 0 : i32
      %dma_start3A_37 = tpu.memref_slice %arg5[%add3A_31, %dma_start3A_36] : memref<128x10000xf32, #tpu.memory_space<hbm>> -> memref<1x10000xf32, #tpu.memory_space<hbm>>
      %dma_start3A_38 = tpu.memref_squeeze %dma_start3A_37 : memref<1x10000xf32, #tpu.memory_space<hbm>> -> memref<10000xf32, #tpu.memory_space<hbm>>
      %dma_start3A_39 = arith.constant 0 : i32
      %dma_start3A_40 = tpu.memref_slice %arg5[%add3A_31, %dma_start3A_39] : memref<128x10000xf32, #tpu.memory_space<hbm>> -> memref<1x10000xf32, #tpu.memory_space<hbm>>
      %dma_start3A_41 = tpu.memref_squeeze %dma_start3A_40 : memref<1x10000xf32, #tpu.memory_space<hbm>> -> memref<10000xf32, #tpu.memory_space<hbm>>
      tpu.enqueue_dma source(%arg11 : memref<10000xf32, #tpu.memory_space<vmem>>) target(%dma_start3A_41 : memref<10000xf32, #tpu.memory_space<hbm>>) target_semaphore(%run_scoped3A : memref<!tpu.dma_semaphore, #tpu.memory_space<semaphore_mem>>)
      %dma_wait3A = arith.constant 0 : i32
      %dma_wait3A_42 = tpu.memref_slice %arg5[%add3A_31, %dma_wait3A] : memref<128x10000xf32, #tpu.memory_space<hbm>> -> memref<1x10000xf32, #tpu.memory_space<hbm>>
      %dma_wait3A_43 = tpu.memref_squeeze %dma_wait3A_42 : memref<1x10000xf32, #tpu.memory_space<hbm>> -> memref<10000xf32, #tpu.memory_space<hbm>>
      %dma_wait3A_44 = arith.constant 0 : i32
      %dma_wait3A_45 = tpu.memref_slice %arg5[%add3A_31, %dma_wait3A_44] : memref<128x10000xf32, #tpu.memory_space<hbm>> -> memref<1x10000xf32, #tpu.memory_space<hbm>>
      %dma_wait3A_46 = tpu.memref_squeeze %dma_wait3A_45 : memref<1x10000xf32, #tpu.memory_space<hbm>> -> memref<10000xf32, #tpu.memory_space<hbm>>
      tpu.wait_dma2 semaphore(%run_scoped3A : memref<!tpu.dma_semaphore, #tpu.memory_space<semaphore_mem>>) src(%arg11 : memref<10000xf32, #tpu.memory_space<vmem>>) dst(%dma_wait3A_46 : memref<10000xf32, #tpu.memory_space<hbm>>)
      tpu.yield
    }) : () -> ()
    %add3A_32 = arith.constant 2 : i32
    %add3A_33 = arith.addi %mul3A_2, %add3A_32 : i32
    "tpu.region"() ({
      %run_scoped3A = tpu.sem_alloc : memref<!tpu.dma_semaphore, #tpu.memory_space<semaphore_mem>>
      %dma_start3A_36 = arith.constant 0 : i32
      %dma_start3A_37 = tpu.memref_slice %arg5[%add3A_33, %dma_start3A_36] : memref<128x10000xf32, #tpu.memory_space<hbm>> -> memref<1x10000xf32, #tpu.memory_space<hbm>>
      %dma_start3A_38 = tpu.memref_squeeze %dma_start3A_37 : memref<1x10000xf32, #tpu.memory_space<hbm>> -> memref<10000xf32, #tpu.memory_space<hbm>>
      %dma_start3A_39 = arith.constant 0 : i32
      %dma_start3A_40 = tpu.memref_slice %arg5[%add3A_33, %dma_start3A_39] : memref<128x10000xf32, #tpu.memory_space<hbm>> -> memref<1x10000xf32, #tpu.memory_space<hbm>>
      %dma_start3A_41 = tpu.memref_squeeze %dma_start3A_40 : memref<1x10000xf32, #tpu.memory_space<hbm>> -> memref<10000xf32, #tpu.memory_space<hbm>>
      tpu.enqueue_dma source(%arg12 : memref<10000xf32, #tpu.memory_space<vmem>>) target(%dma_start3A_41 : memref<10000xf32, #tpu.memory_space<hbm>>) target_semaphore(%run_scoped3A : memref<!tpu.dma_semaphore, #tpu.memory_space<semaphore_mem>>)
      %dma_wait3A = arith.constant 0 : i32
      %dma_wait3A_42 = tpu.memref_slice %arg5[%add3A_33, %dma_wait3A] : memref<128x10000xf32, #tpu.memory_space<hbm>> -> memref<1x10000xf32, #tpu.memory_space<hbm>>
      %dma_wait3A_43 = tpu.memref_squeeze %dma_wait3A_42 : memref<1x10000xf32, #tpu.memory_space<hbm>> -> memref<10000xf32, #tpu.memory_space<hbm>>
      %dma_wait3A_44 = arith.constant 0 : i32
      %dma_wait3A_45 = tpu.memref_slice %arg5[%add3A_33, %dma_wait3A_44] : memref<128x10000xf32, #tpu.memory_space<hbm>> -> memref<1x10000xf32, #tpu.memory_space<hbm>>
      %dma_wait3A_46 = tpu.memref_squeeze %dma_wait3A_45 : memref<1x10000xf32, #tpu.memory_space<hbm>> -> memref<10000xf32, #tpu.memory_space<hbm>>
      tpu.wait_dma2 semaphore(%run_scoped3A : memref<!tpu.dma_semaphore, #tpu.memory_space<semaphore_mem>>) src(%arg12 : memref<10000xf32, #tpu.memory_space<vmem>>) dst(%dma_wait3A_46 : memref<10000xf32, #tpu.memory_space<hbm>>)
      tpu.yield
    }) : () -> ()
    %add3A_34 = arith.constant 3 : i32
    %add3A_35 = arith.addi %mul3A_2, %add3A_34 : i32
    "tpu.region"() ({
      %run_scoped3A = tpu.sem_alloc : memref<!tpu.dma_semaphore, #tpu.memory_space<semaphore_mem>>
      %dma_start3A_36 = arith.constant 0 : i32
      %dma_start3A_37 = tpu.memref_slice %arg5[%add3A_35, %dma_start3A_36] : memref<128x10000xf32, #tpu.memory_space<hbm>> -> memref<1x10000xf32, #tpu.memory_space<hbm>>
      %dma_start3A_38 = tpu.memref_squeeze %dma_start3A_37 : memref<1x10000xf32, #tpu.memory_space<hbm>> -> memref<10000xf32, #tpu.memory_space<hbm>>
      %dma_start3A_39 = arith.constant 0 : i32
      %dma_start3A_40 = tpu.memref_slice %arg5[%add3A_35, %dma_start3A_39] : memref<128x10000xf32, #tpu.memory_space<hbm>> -> memref<1x10000xf32, #tpu.memory_space<hbm>>
      %dma_start3A_41 = tpu.memref_squeeze %dma_start3A_40 : memref<1x10000xf32, #tpu.memory_space<hbm>> -> memref<10000xf32, #tpu.memory_space<hbm>>
      tpu.enqueue_dma source(%arg13 : memref<10000xf32, #tpu.memory_space<vmem>>) target(%dma_start3A_41 : memref<10000xf32, #tpu.memory_space<hbm>>) target_semaphore(%run_scoped3A : memref<!tpu.dma_semaphore, #tpu.memory_space<semaphore_mem>>)
      %dma_wait3A = arith.constant 0 : i32
      %dma_wait3A_42 = tpu.memref_slice %arg5[%add3A_35, %dma_wait3A] : memref<128x10000xf32, #tpu.memory_space<hbm>> -> memref<1x10000xf32, #tpu.memory_space<hbm>>
      %dma_wait3A_43 = tpu.memref_squeeze %dma_wait3A_42 : memref<1x10000xf32, #tpu.memory_space<hbm>> -> memref<10000xf32, #tpu.memory_space<hbm>>
      %dma_wait3A_44 = arith.constant 0 : i32
      %dma_wait3A_45 = tpu.memref_slice %arg5[%add3A_35, %dma_wait3A_44] : memref<128x10000xf32, #tpu.memory_space<hbm>> -> memref<1x10000xf32, #tpu.memory_space<hbm>>
      %dma_wait3A_46 = tpu.memref_squeeze %dma_wait3A_45 : memref<1x10000xf32, #tpu.memory_space<hbm>> -> memref<10000xf32, #tpu.memory_space<hbm>>
      tpu.wait_dma2 semaphore(%run_scoped3A : memref<!tpu.dma_semaphore, #tpu.memory_space<semaphore_mem>>) src(%arg13 : memref<10000xf32, #tpu.memory_space<vmem>>) dst(%dma_wait3A_46 : memref<10000xf32, #tpu.memory_space<hbm>>)
      tpu.yield
    }) : () -> ()
    return
  }
}

#map = affine_map<(d0, d1) -> (0)>
#map1 = affine_map<(d0, d1) -> (0, 0)>
module attributes {stable_mosaic.version = 14 : i64} {
  func.func @deg_kernel(%arg0: i32, %arg1: i32, %arg2: memref<320000xi32, #tpu.memory_space<hbm>>, %arg3: memref<320000xi32, #tpu.memory_space<hbm>>, %arg4: memref<64x10000xf32, #tpu.memory_space<hbm>>, %arg5: memref<10000xi32, #tpu.memory_space<vmem>>, %arg6: memref<10000xi32, #tpu.memory_space<vmem>>, %arg7: memref<10000xf32, #tpu.memory_space<vmem>>, %arg8: memref<10000xf32, #tpu.memory_space<vmem>>) attributes {dimension_semantics = [#tpu.dimension_semantics<core_parallel>, #tpu.dimension_semantics<subcore_parallel>], iteration_bounds = array<i64: 2, 16>, scalar_prefetch = 0 : i64, scratch_operands = 4 : i64, tpu.core_type = #tpu.core_type<sc_vector_subcore>, window_params = [{transform_indices = #map}, {transform_indices = #map}, {transform_indices = #map1}]} {
    %mul3A = arith.constant 2 : i32
    %mul3A_0 = arith.muli %arg1, %mul3A : i32
    %add3A = arith.addi %mul3A_0, %arg0 : i32
    %mul3A_1 = arith.constant 10000 : i32
    %mul3A_2 = arith.muli %add3A, %mul3A_1 : i32
    "tpu.region"() ({
      %run_scoped3A = tpu.sem_alloc : memref<!tpu.dma_semaphore, #tpu.memory_space<semaphore_mem>>
      %dma_start3A = tpu.memref_slice %arg2[%mul3A_2] : memref<320000xi32, #tpu.memory_space<hbm>> -> memref<10000xi32, #tpu.memory_space<hbm>>
      %dma_start3A_17 = tpu.memref_slice %arg2[%mul3A_2] : memref<320000xi32, #tpu.memory_space<hbm>> -> memref<10000xi32, #tpu.memory_space<hbm>>
      tpu.enqueue_dma source(%dma_start3A_17 : memref<10000xi32, #tpu.memory_space<hbm>>) target(%arg5 : memref<10000xi32, #tpu.memory_space<vmem>>) target_semaphore(%run_scoped3A : memref<!tpu.dma_semaphore, #tpu.memory_space<semaphore_mem>>)
      %dma_wait3A = tpu.memref_slice %arg2[%mul3A_2] : memref<320000xi32, #tpu.memory_space<hbm>> -> memref<10000xi32, #tpu.memory_space<hbm>>
      %dma_wait3A_18 = tpu.memref_slice %arg2[%mul3A_2] : memref<320000xi32, #tpu.memory_space<hbm>> -> memref<10000xi32, #tpu.memory_space<hbm>>
      tpu.wait_dma2 semaphore(%run_scoped3A : memref<!tpu.dma_semaphore, #tpu.memory_space<semaphore_mem>>) src(%dma_wait3A_18 : memref<10000xi32, #tpu.memory_space<hbm>>) dst(%arg5 : memref<10000xi32, #tpu.memory_space<vmem>>)
      tpu.yield
    }) : () -> ()
    "tpu.region"() ({
      %run_scoped3A = tpu.sem_alloc : memref<!tpu.dma_semaphore, #tpu.memory_space<semaphore_mem>>
      %dma_start3A = tpu.memref_slice %arg3[%mul3A_2] : memref<320000xi32, #tpu.memory_space<hbm>> -> memref<10000xi32, #tpu.memory_space<hbm>>
      %dma_start3A_17 = tpu.memref_slice %arg3[%mul3A_2] : memref<320000xi32, #tpu.memory_space<hbm>> -> memref<10000xi32, #tpu.memory_space<hbm>>
      tpu.enqueue_dma source(%dma_start3A_17 : memref<10000xi32, #tpu.memory_space<hbm>>) target(%arg6 : memref<10000xi32, #tpu.memory_space<vmem>>) target_semaphore(%run_scoped3A : memref<!tpu.dma_semaphore, #tpu.memory_space<semaphore_mem>>)
      %dma_wait3A = tpu.memref_slice %arg3[%mul3A_2] : memref<320000xi32, #tpu.memory_space<hbm>> -> memref<10000xi32, #tpu.memory_space<hbm>>
      %dma_wait3A_18 = tpu.memref_slice %arg3[%mul3A_2] : memref<320000xi32, #tpu.memory_space<hbm>> -> memref<10000xi32, #tpu.memory_space<hbm>>
      tpu.wait_dma2 semaphore(%run_scoped3A : memref<!tpu.dma_semaphore, #tpu.memory_space<semaphore_mem>>) src(%dma_wait3A_18 : memref<10000xi32, #tpu.memory_space<hbm>>) dst(%arg6 : memref<10000xi32, #tpu.memory_space<vmem>>)
      tpu.yield
    }) : () -> ()
    %broadcast_in_dim3A = arith.constant 0.000000e+00 : f32
    %broadcast_in_dim3A_3 = vector.broadcast %broadcast_in_dim3A : f32 to vector<16xf32>
    %scan3A = arith.constant 0 : i32
    %scan3A_4 = arith.constant 625 : i32
    %scan3A_5 = arith.addi %scan3A, %scan3A_4 : i32
    %scan3A_6 = arith.constant 1 : i32
    scf.for %scan3A_17 = %scan3A to %scan3A_5 step %scan3A_6  : i32 {
      %mul3A_18 = arith.constant 16 : i32
      %mul3A_19 = arith.muli %scan3A_17, %mul3A_18 : i32
      %swap3A = arith.index_cast %mul3A_19 : i32 to index
      %swap3A_20 = tpu.vector_load %arg7[%swap3A] {strides = array<i32>} : memref<10000xf32, #tpu.memory_space<vmem>>, vector<16xf32>,
      tpu.vector_store %arg7[%swap3A], %broadcast_in_dim3A_3 {strides = array<i32>} : memref<10000xf32, #tpu.memory_space<vmem>>, vector<16xf32>,
      %mul3A_21 = arith.constant 16 : i32
      %mul3A_22 = arith.muli %scan3A_17, %mul3A_21 : i32
      %swap3A_23 = arith.index_cast %mul3A_22 : i32 to index
      %swap3A_24 = tpu.vector_load %arg8[%swap3A_23] {strides = array<i32>} : memref<10000xf32, #tpu.memory_space<vmem>>, vector<16xf32>,
      tpu.vector_store %arg8[%swap3A_23], %broadcast_in_dim3A_3 {strides = array<i32>} : memref<10000xf32, #tpu.memory_space<vmem>>, vector<16xf32>,
    }
    %scan3A_7 = arith.constant 625 : i32
    %broadcast_in_dim3A_8 = arith.constant 1.000000e+00 : f32
    %broadcast_in_dim3A_9 = vector.broadcast %broadcast_in_dim3A_8 : f32 to vector<16xf32>
    %scan3A_10 = arith.constant 0 : i32
    %scan3A_11 = arith.constant 625 : i32
    %scan3A_12 = arith.addi %scan3A_10, %scan3A_11 : i32
    %scan3A_13 = arith.constant 1 : i32
    scf.for %scan3A_17 = %scan3A_10 to %scan3A_12 step %scan3A_13  : i32 {
      %mul3A_18 = arith.constant 16 : i32
      %mul3A_19 = arith.muli %scan3A_17, %mul3A_18 : i32
      %get3A = arith.index_cast %mul3A_19 : i32 to index
      %get3A_20 = tpu.vector_load %arg5[%get3A] {strides = array<i32>} : memref<10000xi32, #tpu.memory_space<vmem>>, vector<16xi32>,
      %mul3A_21 = arith.constant 16 : i32
      %mul3A_22 = arith.muli %scan3A_17, %mul3A_21 : i32
      %get3A_23 = arith.index_cast %mul3A_22 : i32 to index
      %get3A_24 = tpu.vector_load %arg6[%get3A_23] {strides = array<i32>} : memref<10000xi32, #tpu.memory_space<vmem>>, vector<16xi32>,
      tpu.vector_store_idx %arg7[%get3A_20], %broadcast_in_dim3A_9 {add = true} : memref<10000xf32, #tpu.memory_space<vmem>>[vector<16xi32>], vector<16xf32>,
      tpu.vector_store_idx %arg8[%get3A_24], %broadcast_in_dim3A_9 {add = true} : memref<10000xf32, #tpu.memory_space<vmem>>[vector<16xi32>], vector<16xf32>,
    }
    %scan3A_14 = arith.constant 625 : i32
    "tpu.region"() ({
      %run_scoped3A = tpu.sem_alloc : memref<!tpu.dma_semaphore, #tpu.memory_space<semaphore_mem>>
      %dma_start3A = arith.constant 0 : i32
      %dma_start3A_17 = tpu.memref_slice %arg4[%add3A, %dma_start3A] : memref<64x10000xf32, #tpu.memory_space<hbm>> -> memref<1x10000xf32, #tpu.memory_space<hbm>>
      %dma_start3A_18 = tpu.memref_squeeze %dma_start3A_17 : memref<1x10000xf32, #tpu.memory_space<hbm>> -> memref<10000xf32, #tpu.memory_space<hbm>>
      %dma_start3A_19 = arith.constant 0 : i32
      %dma_start3A_20 = tpu.memref_slice %arg4[%add3A, %dma_start3A_19] : memref<64x10000xf32, #tpu.memory_space<hbm>> -> memref<1x10000xf32, #tpu.memory_space<hbm>>
      %dma_start3A_21 = tpu.memref_squeeze %dma_start3A_20 : memref<1x10000xf32, #tpu.memory_space<hbm>> -> memref<10000xf32, #tpu.memory_space<hbm>>
      tpu.enqueue_dma source(%arg7 : memref<10000xf32, #tpu.memory_space<vmem>>) target(%dma_start3A_21 : memref<10000xf32, #tpu.memory_space<hbm>>) target_semaphore(%run_scoped3A : memref<!tpu.dma_semaphore, #tpu.memory_space<semaphore_mem>>)
      %dma_wait3A = arith.constant 0 : i32
      %dma_wait3A_22 = tpu.memref_slice %arg4[%add3A, %dma_wait3A] : memref<64x10000xf32, #tpu.memory_space<hbm>> -> memref<1x10000xf32, #tpu.memory_space<hbm>>
      %dma_wait3A_23 = tpu.memref_squeeze %dma_wait3A_22 : memref<1x10000xf32, #tpu.memory_space<hbm>> -> memref<10000xf32, #tpu.memory_space<hbm>>
      %dma_wait3A_24 = arith.constant 0 : i32
      %dma_wait3A_25 = tpu.memref_slice %arg4[%add3A, %dma_wait3A_24] : memref<64x10000xf32, #tpu.memory_space<hbm>> -> memref<1x10000xf32, #tpu.memory_space<hbm>>
      %dma_wait3A_26 = tpu.memref_squeeze %dma_wait3A_25 : memref<1x10000xf32, #tpu.memory_space<hbm>> -> memref<10000xf32, #tpu.memory_space<hbm>>
      tpu.wait_dma2 semaphore(%run_scoped3A : memref<!tpu.dma_semaphore, #tpu.memory_space<semaphore_mem>>) src(%arg7 : memref<10000xf32, #tpu.memory_space<vmem>>) dst(%dma_wait3A_26 : memref<10000xf32, #tpu.memory_space<hbm>>)
      tpu.yield
    }) : () -> ()
    %add3A_15 = arith.constant 32 : i32
    %add3A_16 = arith.addi %add3A_15, %add3A : i32
    "tpu.region"() ({
      %run_scoped3A = tpu.sem_alloc : memref<!tpu.dma_semaphore, #tpu.memory_space<semaphore_mem>>
      %dma_start3A = arith.constant 0 : i32
      %dma_start3A_17 = tpu.memref_slice %arg4[%add3A_16, %dma_start3A] : memref<64x10000xf32, #tpu.memory_space<hbm>> -> memref<1x10000xf32, #tpu.memory_space<hbm>>
      %dma_start3A_18 = tpu.memref_squeeze %dma_start3A_17 : memref<1x10000xf32, #tpu.memory_space<hbm>> -> memref<10000xf32, #tpu.memory_space<hbm>>
      %dma_start3A_19 = arith.constant 0 : i32
      %dma_start3A_20 = tpu.memref_slice %arg4[%add3A_16, %dma_start3A_19] : memref<64x10000xf32, #tpu.memory_space<hbm>> -> memref<1x10000xf32, #tpu.memory_space<hbm>>
      %dma_start3A_21 = tpu.memref_squeeze %dma_start3A_20 : memref<1x10000xf32, #tpu.memory_space<hbm>> -> memref<10000xf32, #tpu.memory_space<hbm>>
      tpu.enqueue_dma source(%arg8 : memref<10000xf32, #tpu.memory_space<vmem>>) target(%dma_start3A_21 : memref<10000xf32, #tpu.memory_space<hbm>>) target_semaphore(%run_scoped3A : memref<!tpu.dma_semaphore, #tpu.memory_space<semaphore_mem>>)
      %dma_wait3A = arith.constant 0 : i32
      %dma_wait3A_22 = tpu.memref_slice %arg4[%add3A_16, %dma_wait3A] : memref<64x10000xf32, #tpu.memory_space<hbm>> -> memref<1x10000xf32, #tpu.memory_space<hbm>>
      %dma_wait3A_23 = tpu.memref_squeeze %dma_wait3A_22 : memref<1x10000xf32, #tpu.memory_space<hbm>> -> memref<10000xf32, #tpu.memory_space<hbm>>
      %dma_wait3A_24 = arith.constant 0 : i32
      %dma_wait3A_25 = tpu.memref_slice %arg4[%add3A_16, %dma_wait3A_24] : memref<64x10000xf32, #tpu.memory_space<hbm>> -> memref<1x10000xf32, #tpu.memory_space<hbm>>
      %dma_wait3A_26 = tpu.memref_squeeze %dma_wait3A_25 : memref<1x10000xf32, #tpu.memory_space<hbm>> -> memref<10000xf32, #tpu.memory_space<hbm>>
      tpu.wait_dma2 semaphore(%run_scoped3A : memref<!tpu.dma_semaphore, #tpu.memory_space<semaphore_mem>>) src(%arg8 : memref<10000xf32, #tpu.memory_space<vmem>>) dst(%dma_wait3A_26 : memref<10000xf32, #tpu.memory_space<hbm>>)
      tpu.yield
    }) : () -> ()
    return
  }
}

#map = affine_map<(d0, d1) -> (0, 0)>
#map1 = affine_map<(d0, d1) -> (0)>
module attributes {stable_mosaic.version = 14 : i64} {
  func.func @edge_kernel(%arg0: i32, %arg1: i32, %arg2: memref<128x10000xf32, #tpu.memory_space<hbm>>, %arg3: memref<320000xi32, #tpu.memory_space<hbm>>, %arg4: memref<320000xi32, #tpu.memory_space<hbm>>, %arg5: memref<128x10000xf32, #tpu.memory_space<hbm>>, %arg6: memref<10000xf32, #tpu.memory_space<vmem>>, %arg7: memref<10000xf32, #tpu.memory_space<vmem>>, %arg8: memref<10000xf32, #tpu.memory_space<vmem>>, %arg9: memref<10000xf32, #tpu.memory_space<vmem>>, %arg10: memref<10000xf32, #tpu.memory_space<vmem>>, %arg11: memref<10000xf32, #tpu.memory_space<vmem>>, %arg12: memref<10000xf32, #tpu.memory_space<vmem>>, %arg13: memref<10000xf32, #tpu.memory_space<vmem>>, %arg14: memref<6400xi32, #tpu.memory_space<vmem>>, %arg15: memref<6400xi32, #tpu.memory_space<vmem>>, %arg16: memref<6400xi32, #tpu.memory_space<vmem>>, %arg17: memref<6400xi32, #tpu.memory_space<vmem>>, %arg18: memref<!tpu.dma_semaphore, #tpu.memory_space<semaphore_mem>>, %arg19: memref<!tpu.dma_semaphore, #tpu.memory_space<semaphore_mem>>, %arg20: memref<!tpu.dma_semaphore, #tpu.memory_space<semaphore_mem>>, %arg21: memref<!tpu.dma_semaphore, #tpu.memory_space<semaphore_mem>>) attributes {dimension_semantics = [#tpu.dimension_semantics<core_parallel>, #tpu.dimension_semantics<subcore_parallel>], iteration_bounds = array<i64: 2, 16>, scalar_prefetch = 0 : i64, scratch_operands = 16 : i64, tpu.core_type = #tpu.core_type<sc_vector_subcore>, window_params = [{transform_indices = #map}, {transform_indices = #map1}, {transform_indices = #map1}, {transform_indices = #map}]} {
    %mul3A = arith.constant 2 : i32
    %mul3A_0 = arith.muli %arg1, %mul3A : i32
    %add3A = arith.addi %mul3A_0, %arg0 : i32
    %mul3A_1 = arith.constant 4 : i32
    %mul3A_2 = arith.muli %add3A, %mul3A_1 : i32
    %dma_start3A = arith.constant 0 : i32
    %dma_start3A_3 = tpu.memref_slice %arg3[%dma_start3A] : memref<320000xi32, #tpu.memory_space<hbm>> -> memref<6400xi32, #tpu.memory_space<hbm>>
    %dma_start3A_4 = arith.constant 0 : i32
    %dma_start3A_5 = tpu.memref_slice %arg3[%dma_start3A_4] : memref<320000xi32, #tpu.memory_space<hbm>> -> memref<6400xi32, #tpu.memory_space<hbm>>
    tpu.enqueue_dma source(%dma_start3A_5 : memref<6400xi32, #tpu.memory_space<hbm>>) target(%arg14 : memref<6400xi32, #tpu.memory_space<vmem>>) target_semaphore(%arg18 : memref<!tpu.dma_semaphore, #tpu.memory_space<semaphore_mem>>)
    %dma_start3A_6 = arith.constant 0 : i32
    %dma_start3A_7 = tpu.memref_slice %arg4[%dma_start3A_6] : memref<320000xi32, #tpu.memory_space<hbm>> -> memref<6400xi32, #tpu.memory_space<hbm>>
    %dma_start3A_8 = arith.constant 0 : i32
    %dma_start3A_9 = tpu.memref_slice %arg4[%dma_start3A_8] : memref<320000xi32, #tpu.memory_space<hbm>> -> memref<6400xi32, #tpu.memory_space<hbm>>
    tpu.enqueue_dma source(%dma_start3A_9 : memref<6400xi32, #tpu.memory_space<hbm>>) target(%arg15 : memref<6400xi32, #tpu.memory_space<vmem>>) target_semaphore(%arg19 : memref<!tpu.dma_semaphore, #tpu.memory_space<semaphore_mem>>)
    %add3A_10 = arith.constant 0 : i32
    %add3A_11 = arith.addi %mul3A_2, %add3A_10 : i32
    "tpu.region"() ({
      %run_scoped3A = tpu.sem_alloc : memref<!tpu.dma_semaphore, #tpu.memory_space<semaphore_mem>>
      %dma_start3A_36 = arith.constant 0 : i32
      %dma_start3A_37 = tpu.memref_slice %arg2[%add3A_11, %dma_start3A_36] : memref<128x10000xf32, #tpu.memory_space<hbm>> -> memref<1x10000xf32, #tpu.memory_space<hbm>>
      %dma_start3A_38 = tpu.memref_squeeze %dma_start3A_37 : memref<1x10000xf32, #tpu.memory_space<hbm>> -> memref<10000xf32, #tpu.memory_space<hbm>>
      %dma_start3A_39 = arith.constant 0 : i32
      %dma_start3A_40 = tpu.memref_slice %arg2[%add3A_11, %dma_start3A_39] : memref<128x10000xf32, #tpu.memory_space<hbm>> -> memref<1x10000xf32, #tpu.memory_space<hbm>>
      %dma_start3A_41 = tpu.memref_squeeze %dma_start3A_40 : memref<1x10000xf32, #tpu.memory_space<hbm>> -> memref<10000xf32, #tpu.memory_space<hbm>>
      tpu.enqueue_dma source(%dma_start3A_41 : memref<10000xf32, #tpu.memory_space<hbm>>) target(%arg6 : memref<10000xf32, #tpu.memory_space<vmem>>) target_semaphore(%run_scoped3A : memref<!tpu.dma_semaphore, #tpu.memory_space<semaphore_mem>>)
      %dma_wait3A = arith.constant 0 : i32
      %dma_wait3A_42 = tpu.memref_slice %arg2[%add3A_11, %dma_wait3A] : memref<128x10000xf32, #tpu.memory_space<hbm>> -> memref<1x10000xf32, #tpu.memory_space<hbm>>
      %dma_wait3A_43 = tpu.memref_squeeze %dma_wait3A_42 : memref<1x10000xf32, #tpu.memory_space<hbm>> -> memref<10000xf32, #tpu.memory_space<hbm>>
      %dma_wait3A_44 = arith.constant 0 : i32
      %dma_wait3A_45 = tpu.memref_slice %arg2[%add3A_11, %dma_wait3A_44] : memref<128x10000xf32, #tpu.memory_space<hbm>> -> memref<1x10000xf32, #tpu.memory_space<hbm>>
      %dma_wait3A_46 = tpu.memref_squeeze %dma_wait3A_45 : memref<1x10000xf32, #tpu.memory_space<hbm>> -> memref<10000xf32, #tpu.memory_space<hbm>>
      tpu.wait_dma2 semaphore(%run_scoped3A : memref<!tpu.dma_semaphore, #tpu.memory_space<semaphore_mem>>) src(%dma_wait3A_46 : memref<10000xf32, #tpu.memory_space<hbm>>) dst(%arg6 : memref<10000xf32, #tpu.memory_space<vmem>>)
      tpu.yield
    }) : () -> ()
    %add3A_12 = arith.constant 1 : i32
    %add3A_13 = arith.addi %mul3A_2, %add3A_12 : i32
    "tpu.region"() ({
      %run_scoped3A = tpu.sem_alloc : memref<!tpu.dma_semaphore, #tpu.memory_space<semaphore_mem>>
      %dma_start3A_36 = arith.constant 0 : i32
      %dma_start3A_37 = tpu.memref_slice %arg2[%add3A_13, %dma_start3A_36] : memref<128x10000xf32, #tpu.memory_space<hbm>> -> memref<1x10000xf32, #tpu.memory_space<hbm>>
      %dma_start3A_38 = tpu.memref_squeeze %dma_start3A_37 : memref<1x10000xf32, #tpu.memory_space<hbm>> -> memref<10000xf32, #tpu.memory_space<hbm>>
      %dma_start3A_39 = arith.constant 0 : i32
      %dma_start3A_40 = tpu.memref_slice %arg2[%add3A_13, %dma_start3A_39] : memref<128x10000xf32, #tpu.memory_space<hbm>> -> memref<1x10000xf32, #tpu.memory_space<hbm>>
      %dma_start3A_41 = tpu.memref_squeeze %dma_start3A_40 : memref<1x10000xf32, #tpu.memory_space<hbm>> -> memref<10000xf32, #tpu.memory_space<hbm>>
      tpu.enqueue_dma source(%dma_start3A_41 : memref<10000xf32, #tpu.memory_space<hbm>>) target(%arg7 : memref<10000xf32, #tpu.memory_space<vmem>>) target_semaphore(%run_scoped3A : memref<!tpu.dma_semaphore, #tpu.memory_space<semaphore_mem>>)
      %dma_wait3A = arith.constant 0 : i32
      %dma_wait3A_42 = tpu.memref_slice %arg2[%add3A_13, %dma_wait3A] : memref<128x10000xf32, #tpu.memory_space<hbm>> -> memref<1x10000xf32, #tpu.memory_space<hbm>>
      %dma_wait3A_43 = tpu.memref_squeeze %dma_wait3A_42 : memref<1x10000xf32, #tpu.memory_space<hbm>> -> memref<10000xf32, #tpu.memory_space<hbm>>
      %dma_wait3A_44 = arith.constant 0 : i32
      %dma_wait3A_45 = tpu.memref_slice %arg2[%add3A_13, %dma_wait3A_44] : memref<128x10000xf32, #tpu.memory_space<hbm>> -> memref<1x10000xf32, #tpu.memory_space<hbm>>
      %dma_wait3A_46 = tpu.memref_squeeze %dma_wait3A_45 : memref<1x10000xf32, #tpu.memory_space<hbm>> -> memref<10000xf32, #tpu.memory_space<hbm>>
      tpu.wait_dma2 semaphore(%run_scoped3A : memref<!tpu.dma_semaphore, #tpu.memory_space<semaphore_mem>>) src(%dma_wait3A_46 : memref<10000xf32, #tpu.memory_space<hbm>>) dst(%arg7 : memref<10000xf32, #tpu.memory_space<vmem>>)
      tpu.yield
    }) : () -> ()
    %add3A_14 = arith.constant 2 : i32
    %add3A_15 = arith.addi %mul3A_2, %add3A_14 : i32
    "tpu.region"() ({
      %run_scoped3A = tpu.sem_alloc : memref<!tpu.dma_semaphore, #tpu.memory_space<semaphore_mem>>
      %dma_start3A_36 = arith.constant 0 : i32
      %dma_start3A_37 = tpu.memref_slice %arg2[%add3A_15, %dma_start3A_36] : memref<128x10000xf32, #tpu.memory_space<hbm>> -> memref<1x10000xf32, #tpu.memory_space<hbm>>
      %dma_start3A_38 = tpu.memref_squeeze %dma_start3A_37 : memref<1x10000xf32, #tpu.memory_space<hbm>> -> memref<10000xf32, #tpu.memory_space<hbm>>
      %dma_start3A_39 = arith.constant 0 : i32
      %dma_start3A_40 = tpu.memref_slice %arg2[%add3A_15, %dma_start3A_39] : memref<128x10000xf32, #tpu.memory_space<hbm>> -> memref<1x10000xf32, #tpu.memory_space<hbm>>
      %dma_start3A_41 = tpu.memref_squeeze %dma_start3A_40 : memref<1x10000xf32, #tpu.memory_space<hbm>> -> memref<10000xf32, #tpu.memory_space<hbm>>
      tpu.enqueue_dma source(%dma_start3A_41 : memref<10000xf32, #tpu.memory_space<hbm>>) target(%arg8 : memref<10000xf32, #tpu.memory_space<vmem>>) target_semaphore(%run_scoped3A : memref<!tpu.dma_semaphore, #tpu.memory_space<semaphore_mem>>)
      %dma_wait3A = arith.constant 0 : i32
      %dma_wait3A_42 = tpu.memref_slice %arg2[%add3A_15, %dma_wait3A] : memref<128x10000xf32, #tpu.memory_space<hbm>> -> memref<1x10000xf32, #tpu.memory_space<hbm>>
      %dma_wait3A_43 = tpu.memref_squeeze %dma_wait3A_42 : memref<1x10000xf32, #tpu.memory_space<hbm>> -> memref<10000xf32, #tpu.memory_space<hbm>>
      %dma_wait3A_44 = arith.constant 0 : i32
      %dma_wait3A_45 = tpu.memref_slice %arg2[%add3A_15, %dma_wait3A_44] : memref<128x10000xf32, #tpu.memory_space<hbm>> -> memref<1x10000xf32, #tpu.memory_space<hbm>>
      %dma_wait3A_46 = tpu.memref_squeeze %dma_wait3A_45 : memref<1x10000xf32, #tpu.memory_space<hbm>> -> memref<10000xf32, #tpu.memory_space<hbm>>
      tpu.wait_dma2 semaphore(%run_scoped3A : memref<!tpu.dma_semaphore, #tpu.memory_space<semaphore_mem>>) src(%dma_wait3A_46 : memref<10000xf32, #tpu.memory_space<hbm>>) dst(%arg8 : memref<10000xf32, #tpu.memory_space<vmem>>)
      tpu.yield
    }) : () -> ()
    %add3A_16 = arith.constant 3 : i32
    %add3A_17 = arith.addi %mul3A_2, %add3A_16 : i32
    "tpu.region"() ({
      %run_scoped3A = tpu.sem_alloc : memref<!tpu.dma_semaphore, #tpu.memory_space<semaphore_mem>>
      %dma_start3A_36 = arith.constant 0 : i32
      %dma_start3A_37 = tpu.memref_slice %arg2[%add3A_17, %dma_start3A_36] : memref<128x10000xf32, #tpu.memory_space<hbm>> -> memref<1x10000xf32, #tpu.memory_space<hbm>>
      %dma_start3A_38 = tpu.memref_squeeze %dma_start3A_37 : memref<1x10000xf32, #tpu.memory_space<hbm>> -> memref<10000xf32, #tpu.memory_space<hbm>>
      %dma_start3A_39 = arith.constant 0 : i32
      %dma_start3A_40 = tpu.memref_slice %arg2[%add3A_17, %dma_start3A_39] : memref<128x10000xf32, #tpu.memory_space<hbm>> -> memref<1x10000xf32, #tpu.memory_space<hbm>>
      %dma_start3A_41 = tpu.memref_squeeze %dma_start3A_40 : memref<1x10000xf32, #tpu.memory_space<hbm>> -> memref<10000xf32, #tpu.memory_space<hbm>>
      tpu.enqueue_dma source(%dma_start3A_41 : memref<10000xf32, #tpu.memory_space<hbm>>) target(%arg9 : memref<10000xf32, #tpu.memory_space<vmem>>) target_semaphore(%run_scoped3A : memref<!tpu.dma_semaphore, #tpu.memory_space<semaphore_mem>>)
      %dma_wait3A = arith.constant 0 : i32
      %dma_wait3A_42 = tpu.memref_slice %arg2[%add3A_17, %dma_wait3A] : memref<128x10000xf32, #tpu.memory_space<hbm>> -> memref<1x10000xf32, #tpu.memory_space<hbm>>
      %dma_wait3A_43 = tpu.memref_squeeze %dma_wait3A_42 : memref<1x10000xf32, #tpu.memory_space<hbm>> -> memref<10000xf32, #tpu.memory_space<hbm>>
      %dma_wait3A_44 = arith.constant 0 : i32
      %dma_wait3A_45 = tpu.memref_slice %arg2[%add3A_17, %dma_wait3A_44] : memref<128x10000xf32, #tpu.memory_space<hbm>> -> memref<1x10000xf32, #tpu.memory_space<hbm>>
      %dma_wait3A_46 = tpu.memref_squeeze %dma_wait3A_45 : memref<1x10000xf32, #tpu.memory_space<hbm>> -> memref<10000xf32, #tpu.memory_space<hbm>>
      tpu.wait_dma2 semaphore(%run_scoped3A : memref<!tpu.dma_semaphore, #tpu.memory_space<semaphore_mem>>) src(%dma_wait3A_46 : memref<10000xf32, #tpu.memory_space<hbm>>) dst(%arg9 : memref<10000xf32, #tpu.memory_space<vmem>>)
      tpu.yield
    }) : () -> ()
    %broadcast_in_dim3A = arith.constant 0.000000e+00 : f32
    %broadcast_in_dim3A_18 = vector.broadcast %broadcast_in_dim3A : f32 to vector<16xf32>
    %scan3A = arith.constant 0 : i32
    %scan3A_19 = arith.constant 625 : i32
    %scan3A_20 = arith.addi %scan3A, %scan3A_19 : i32
    %scan3A_21 = arith.constant 1 : i32
    scf.for %scan3A_36 = %scan3A to %scan3A_20 step %scan3A_21  : i32 {
      %mul3A_37 = arith.constant 16 : i32
      %mul3A_38 = arith.muli %scan3A_36, %mul3A_37 : i32
      %swap3A = arith.index_cast %mul3A_38 : i32 to index
      %swap3A_39 = tpu.vector_load %arg10[%swap3A] {strides = array<i32>} : memref<10000xf32, #tpu.memory_space<vmem>>, vector<16xf32>,
      tpu.vector_store %arg10[%swap3A], %broadcast_in_dim3A_18 {strides = array<i32>} : memref<10000xf32, #tpu.memory_space<vmem>>, vector<16xf32>,
      %mul3A_40 = arith.constant 16 : i32
      %mul3A_41 = arith.muli %scan3A_36, %mul3A_40 : i32
      %swap3A_42 = arith.index_cast %mul3A_41 : i32 to index
      %swap3A_43 = tpu.vector_load %arg11[%swap3A_42] {strides = array<i32>} : memref<10000xf32, #tpu.memory_space<vmem>>, vector<16xf32>,
      tpu.vector_store %arg11[%swap3A_42], %broadcast_in_dim3A_18 {strides = array<i32>} : memref<10000xf32, #tpu.memory_space<vmem>>, vector<16xf32>,
      %mul3A_44 = arith.constant 16 : i32
      %mul3A_45 = arith.muli %scan3A_36, %mul3A_44 : i32
      %swap3A_46 = arith.index_cast %mul3A_45 : i32 to index
      %swap3A_47 = tpu.vector_load %arg12[%swap3A_46] {strides = array<i32>} : memref<10000xf32, #tpu.memory_space<vmem>>, vector<16xf32>,
      tpu.vector_store %arg12[%swap3A_46], %broadcast_in_dim3A_18 {strides = array<i32>} : memref<10000xf32, #tpu.memory_space<vmem>>, vector<16xf32>,
      %mul3A_48 = arith.constant 16 : i32
      %mul3A_49 = arith.muli %scan3A_36, %mul3A_48 : i32
      %swap3A_50 = arith.index_cast %mul3A_49 : i32 to index
      %swap3A_51 = tpu.vector_load %arg13[%swap3A_50] {strides = array<i32>} : memref<10000xf32, #tpu.memory_space<vmem>>, vector<16xf32>,
      tpu.vector_store %arg13[%swap3A_50], %broadcast_in_dim3A_18 {strides = array<i32>} : memref<10000xf32, #tpu.memory_space<vmem>>, vector<16xf32>,
    }
    %scan3A_22 = arith.constant 625 : i32
    %scan3A_23 = arith.constant 0 : i32
    %scan3A_24 = arith.constant 25 : i32
    %scan3A_25 = arith.addi %scan3A_23, %scan3A_24 : i32
    %scan3A_26 = arith.constant 1 : i32
    scf.for %scan3A_36 = %scan3A_23 to %scan3A_25 step %scan3A_26  : i32 {
      %mul3A_37 = arith.constant 2 : i32
      %mul3A_38 = arith.muli %mul3A_37, %scan3A_36 : i32
      %add3A_39 = arith.constant 1 : i32
      %add3A_40 = arith.addi %mul3A_38, %add3A_39 : i32
      %mul3A_41 = arith.constant 6400 : i32
      %mul3A_42 = arith.muli %add3A_40, %mul3A_41 : i32
      %dma_start3A_43 = tpu.memref_slice %arg3[%mul3A_42] : memref<320000xi32, #tpu.memory_space<hbm>> -> memref<6400xi32, #tpu.memory_space<hbm>>
      %dma_start3A_44 = tpu.memref_slice %arg3[%mul3A_42] : memref<320000xi32, #tpu.memory_space<hbm>> -> memref<6400xi32, #tpu.memory_space<hbm>>
      tpu.enqueue_dma source(%dma_start3A_44 : memref<6400xi32, #tpu.memory_space<hbm>>) target(%arg16 : memref<6400xi32, #tpu.memory_space<vmem>>) target_semaphore(%arg20 : memref<!tpu.dma_semaphore, #tpu.memory_space<semaphore_mem>>)
      %dma_start3A_45 = tpu.memref_slice %arg4[%mul3A_42] : memref<320000xi32, #tpu.memory_space<hbm>> -> memref<6400xi32, #tpu.memory_space<hbm>>
      %dma_start3A_46 = tpu.memref_slice %arg4[%mul3A_42] : memref<320000xi32, #tpu.memory_space<hbm>> -> memref<6400xi32, #tpu.memory_space<hbm>>
      tpu.enqueue_dma source(%dma_start3A_46 : memref<6400xi32, #tpu.memory_space<hbm>>) target(%arg17 : memref<6400xi32, #tpu.memory_space<vmem>>) target_semaphore(%arg21 : memref<!tpu.dma_semaphore, #tpu.memory_space<semaphore_mem>>)
      %dma_wait3A = arith.constant 0 : i32
      %dma_wait3A_47 = tpu.memref_slice %arg3[%dma_wait3A] : memref<320000xi32, #tpu.memory_space<hbm>> -> memref<6400xi32, #tpu.memory_space<hbm>>
      %dma_wait3A_48 = arith.constant 0 : i32
      %dma_wait3A_49 = tpu.memref_slice %arg3[%dma_wait3A_48] : memref<320000xi32, #tpu.memory_space<hbm>> -> memref<6400xi32, #tpu.memory_space<hbm>>
      tpu.wait_dma2 semaphore(%arg18 : memref<!tpu.dma_semaphore, #tpu.memory_space<semaphore_mem>>) src(%dma_wait3A_49 : memref<6400xi32, #tpu.memory_space<hbm>>) dst(%arg14 : memref<6400xi32, #tpu.memory_space<vmem>>)
      %dma_wait3A_50 = arith.constant 0 : i32
      %dma_wait3A_51 = tpu.memref_slice %arg4[%dma_wait3A_50] : memref<320000xi32, #tpu.memory_space<hbm>> -> memref<6400xi32, #tpu.memory_space<hbm>>
      %dma_wait3A_52 = arith.constant 0 : i32
      %dma_wait3A_53 = tpu.memref_slice %arg4[%dma_wait3A_52] : memref<320000xi32, #tpu.memory_space<hbm>> -> memref<6400xi32, #tpu.memory_space<hbm>>
      tpu.wait_dma2 semaphore(%arg19 : memref<!tpu.dma_semaphore, #tpu.memory_space<semaphore_mem>>) src(%dma_wait3A_53 : memref<6400xi32, #tpu.memory_space<hbm>>) dst(%arg15 : memref<6400xi32, #tpu.memory_space<vmem>>)
      %parallel_loop3A = arith.constant 0 : i32
      %parallel_loop3A_54 = arith.constant 400 : i32
      %parallel_loop3A_55 = arith.constant 1 : i32
      scf.for %parallel_loop3A_69 = %parallel_loop3A to %parallel_loop3A_54 step %parallel_loop3A_55  : i32 {
        %parallel_loop3A_70 = arith.constant 16 : i32
        %parallel_loop3A_71 = arith.muli %parallel_loop3A_69, %parallel_loop3A_70 : i32
        %parallel_loop3A_72 = arith.index_cast %parallel_loop3A_71 : i32 to index
        %parallel_loop3A_73 = tpu.vector_load %arg14[%parallel_loop3A_72] {strides = array<i32>} : memref<6400xi32, #tpu.memory_space<vmem>>, vector<16xi32>,
        %parallel_loop3A_74 = arith.constant 16 : i32
        %parallel_loop3A_75 = arith.muli %parallel_loop3A_69, %parallel_loop3A_74 : i32
        %parallel_loop3A_76 = arith.index_cast %parallel_loop3A_75 : i32 to index
        %parallel_loop3A_77 = tpu.vector_load %arg15[%parallel_loop3A_76] {strides = array<i32>} : memref<6400xi32, #tpu.memory_space<vmem>>, vector<16xi32>,
        %parallel_loop3A_78 = tpu.vector_load_idx %arg6[%parallel_loop3A_73] : memref<10000xf32, #tpu.memory_space<vmem>>[vector<16xi32>], vector<16xf32>,
        tpu.vector_store_idx %arg10[%parallel_loop3A_77], %parallel_loop3A_78 {add = true} : memref<10000xf32, #tpu.memory_space<vmem>>[vector<16xi32>], vector<16xf32>,
        %parallel_loop3A_79 = tpu.vector_load_idx %arg7[%parallel_loop3A_73] : memref<10000xf32, #tpu.memory_space<vmem>>[vector<16xi32>], vector<16xf32>,
        tpu.vector_store_idx %arg11[%parallel_loop3A_77], %parallel_loop3A_79 {add = true} : memref<10000xf32, #tpu.memory_space<vmem>>[vector<16xi32>], vector<16xf32>,
        %parallel_loop3A_80 = tpu.vector_load_idx %arg8[%parallel_loop3A_73] : memref<10000xf32, #tpu.memory_space<vmem>>[vector<16xi32>], vector<16xf32>,
        tpu.vector_store_idx %arg12[%parallel_loop3A_77], %parallel_loop3A_80 {add = true} : memref<10000xf32, #tpu.memory_space<vmem>>[vector<16xi32>], vector<16xf32>,
        %parallel_loop3A_81 = tpu.vector_load_idx %arg9[%parallel_loop3A_73] : memref<10000xf32, #tpu.memory_space<vmem>>[vector<16xi32>], vector<16xf32>,
        tpu.vector_store_idx %arg13[%parallel_loop3A_77], %parallel_loop3A_81 {add = true} : memref<10000xf32, #tpu.memory_space<vmem>>[vector<16xi32>], vector<16xf32>,
      } {sc.loop_unroll_factor = 16 : i64, sc.parallel_access}
      %lt3A = arith.constant 24 : i32
      %lt3A_56 = arith.cmpi slt, %scan3A_36, %lt3A : i32
      %convert_element_type3A = arith.extui %lt3A_56 : i1 to i32
      %cond3A = arith.constant 0 : i32
      %cond3A_57 = arith.cmpi ne, %convert_element_type3A, %cond3A : i32
      scf.if %cond3A_57 {
        %mul3A_69 = arith.constant 2 : i32
        %mul3A_70 = arith.muli %mul3A_69, %scan3A_36 : i32
        %add3A_71 = arith.constant 2 : i32
        %add3A_72 = arith.addi %mul3A_70, %add3A_71 : i32
        %mul3A_73 = arith.constant 6400 : i32
        %mul3A_74 = arith.muli %add3A_72, %mul3A_73 : i32
        %dma_start3A_75 = tpu.memref_slice %arg3[%mul3A_74] : memref<320000xi32, #tpu.memory_space<hbm>> -> memref<6400xi32, #tpu.memory_space<hbm>>
        %dma_start3A_76 = tpu.memref_slice %arg3[%mul3A_74] : memref<320000xi32, #tpu.memory_space<hbm>> -> memref<6400xi32, #tpu.memory_space<hbm>>
        tpu.enqueue_dma source(%dma_start3A_76 : memref<6400xi32, #tpu.memory_space<hbm>>) target(%arg14 : memref<6400xi32, #tpu.memory_space<vmem>>) target_semaphore(%arg18 : memref<!tpu.dma_semaphore, #tpu.memory_space<semaphore_mem>>)
        %dma_start3A_77 = tpu.memref_slice %arg4[%mul3A_74] : memref<320000xi32, #tpu.memory_space<hbm>> -> memref<6400xi32, #tpu.memory_space<hbm>>
        %dma_start3A_78 = tpu.memref_slice %arg4[%mul3A_74] : memref<320000xi32, #tpu.memory_space<hbm>> -> memref<6400xi32, #tpu.memory_space<hbm>>
        tpu.enqueue_dma source(%dma_start3A_78 : memref<6400xi32, #tpu.memory_space<hbm>>) target(%arg15 : memref<6400xi32, #tpu.memory_space<vmem>>) target_semaphore(%arg19 : memref<!tpu.dma_semaphore, #tpu.memory_space<semaphore_mem>>)
      } else {
      }
      %dma_wait3A_58 = arith.constant 0 : i32
      %dma_wait3A_59 = tpu.memref_slice %arg3[%dma_wait3A_58] : memref<320000xi32, #tpu.memory_space<hbm>> -> memref<6400xi32, #tpu.memory_space<hbm>>
      %dma_wait3A_60 = arith.constant 0 : i32
      %dma_wait3A_61 = tpu.memref_slice %arg3[%dma_wait3A_60] : memref<320000xi32, #tpu.memory_space<hbm>> -> memref<6400xi32, #tpu.memory_space<hbm>>
      tpu.wait_dma2 semaphore(%arg20 : memref<!tpu.dma_semaphore, #tpu.memory_space<semaphore_mem>>) src(%dma_wait3A_61 : memref<6400xi32, #tpu.memory_space<hbm>>) dst(%arg16 : memref<6400xi32, #tpu.memory_space<vmem>>)
      %dma_wait3A_62 = arith.constant 0 : i32
      %dma_wait3A_63 = tpu.memref_slice %arg4[%dma_wait3A_62] : memref<320000xi32, #tpu.memory_space<hbm>> -> memref<6400xi32, #tpu.memory_space<hbm>>
      %dma_wait3A_64 = arith.constant 0 : i32
      %dma_wait3A_65 = tpu.memref_slice %arg4[%dma_wait3A_64] : memref<320000xi32, #tpu.memory_space<hbm>> -> memref<6400xi32, #tpu.memory_space<hbm>>
      tpu.wait_dma2 semaphore(%arg21 : memref<!tpu.dma_semaphore, #tpu.memory_space<semaphore_mem>>) src(%dma_wait3A_65 : memref<6400xi32, #tpu.memory_space<hbm>>) dst(%arg17 : memref<6400xi32, #tpu.memory_space<vmem>>)
      %parallel_loop3A_66 = arith.constant 0 : i32
      %parallel_loop3A_67 = arith.constant 400 : i32
      %parallel_loop3A_68 = arith.constant 1 : i32
      scf.for %parallel_loop3A_69 = %parallel_loop3A_66 to %parallel_loop3A_67 step %parallel_loop3A_68  : i32 {
        %parallel_loop3A_70 = arith.constant 16 : i32
        %parallel_loop3A_71 = arith.muli %parallel_loop3A_69, %parallel_loop3A_70 : i32
        %parallel_loop3A_72 = arith.index_cast %parallel_loop3A_71 : i32 to index
        %parallel_loop3A_73 = tpu.vector_load %arg16[%parallel_loop3A_72] {strides = array<i32>} : memref<6400xi32, #tpu.memory_space<vmem>>, vector<16xi32>,
        %parallel_loop3A_74 = arith.constant 16 : i32
        %parallel_loop3A_75 = arith.muli %parallel_loop3A_69, %parallel_loop3A_74 : i32
        %parallel_loop3A_76 = arith.index_cast %parallel_loop3A_75 : i32 to index
        %parallel_loop3A_77 = tpu.vector_load %arg17[%parallel_loop3A_76] {strides = array<i32>} : memref<6400xi32, #tpu.memory_space<vmem>>, vector<16xi32>,
        %parallel_loop3A_78 = tpu.vector_load_idx %arg6[%parallel_loop3A_73] : memref<10000xf32, #tpu.memory_space<vmem>>[vector<16xi32>], vector<16xf32>,
        tpu.vector_store_idx %arg10[%parallel_loop3A_77], %parallel_loop3A_78 {add = true} : memref<10000xf32, #tpu.memory_space<vmem>>[vector<16xi32>], vector<16xf32>,
        %parallel_loop3A_79 = tpu.vector_load_idx %arg7[%parallel_loop3A_73] : memref<10000xf32, #tpu.memory_space<vmem>>[vector<16xi32>], vector<16xf32>,
        tpu.vector_store_idx %arg11[%parallel_loop3A_77], %parallel_loop3A_79 {add = true} : memref<10000xf32, #tpu.memory_space<vmem>>[vector<16xi32>], vector<16xf32>,
        %parallel_loop3A_80 = tpu.vector_load_idx %arg8[%parallel_loop3A_73] : memref<10000xf32, #tpu.memory_space<vmem>>[vector<16xi32>], vector<16xf32>,
        tpu.vector_store_idx %arg12[%parallel_loop3A_77], %parallel_loop3A_80 {add = true} : memref<10000xf32, #tpu.memory_space<vmem>>[vector<16xi32>], vector<16xf32>,
        %parallel_loop3A_81 = tpu.vector_load_idx %arg9[%parallel_loop3A_73] : memref<10000xf32, #tpu.memory_space<vmem>>[vector<16xi32>], vector<16xf32>,
        tpu.vector_store_idx %arg13[%parallel_loop3A_77], %parallel_loop3A_81 {add = true} : memref<10000xf32, #tpu.memory_space<vmem>>[vector<16xi32>], vector<16xf32>,
      } {sc.loop_unroll_factor = 16 : i64, sc.parallel_access}
    }
    %scan3A_27 = arith.constant 25 : i32
    %add3A_28 = arith.constant 0 : i32
    %add3A_29 = arith.addi %mul3A_2, %add3A_28 : i32
    "tpu.region"() ({
      %run_scoped3A = tpu.sem_alloc : memref<!tpu.dma_semaphore, #tpu.memory_space<semaphore_mem>>
      %dma_start3A_36 = arith.constant 0 : i32
      %dma_start3A_37 = tpu.memref_slice %arg5[%add3A_29, %dma_start3A_36] : memref<128x10000xf32, #tpu.memory_space<hbm>> -> memref<1x10000xf32, #tpu.memory_space<hbm>>
      %dma_start3A_38 = tpu.memref_squeeze %dma_start3A_37 : memref<1x10000xf32, #tpu.memory_space<hbm>> -> memref<10000xf32, #tpu.memory_space<hbm>>
      %dma_start3A_39 = arith.constant 0 : i32
      %dma_start3A_40 = tpu.memref_slice %arg5[%add3A_29, %dma_start3A_39] : memref<128x10000xf32, #tpu.memory_space<hbm>> -> memref<1x10000xf32, #tpu.memory_space<hbm>>
      %dma_start3A_41 = tpu.memref_squeeze %dma_start3A_40 : memref<1x10000xf32, #tpu.memory_space<hbm>> -> memref<10000xf32, #tpu.memory_space<hbm>>
      tpu.enqueue_dma source(%arg10 : memref<10000xf32, #tpu.memory_space<vmem>>) target(%dma_start3A_41 : memref<10000xf32, #tpu.memory_space<hbm>>) target_semaphore(%run_scoped3A : memref<!tpu.dma_semaphore, #tpu.memory_space<semaphore_mem>>)
      %dma_wait3A = arith.constant 0 : i32
      %dma_wait3A_42 = tpu.memref_slice %arg5[%add3A_29, %dma_wait3A] : memref<128x10000xf32, #tpu.memory_space<hbm>> -> memref<1x10000xf32, #tpu.memory_space<hbm>>
      %dma_wait3A_43 = tpu.memref_squeeze %dma_wait3A_42 : memref<1x10000xf32, #tpu.memory_space<hbm>> -> memref<10000xf32, #tpu.memory_space<hbm>>
      %dma_wait3A_44 = arith.constant 0 : i32
      %dma_wait3A_45 = tpu.memref_slice %arg5[%add3A_29, %dma_wait3A_44] : memref<128x10000xf32, #tpu.memory_space<hbm>> -> memref<1x10000xf32, #tpu.memory_space<hbm>>
      %dma_wait3A_46 = tpu.memref_squeeze %dma_wait3A_45 : memref<1x10000xf32, #tpu.memory_space<hbm>> -> memref<10000xf32, #tpu.memory_space<hbm>>
      tpu.wait_dma2 semaphore(%run_scoped3A : memref<!tpu.dma_semaphore, #tpu.memory_space<semaphore_mem>>) src(%arg10 : memref<10000xf32, #tpu.memory_space<vmem>>) dst(%dma_wait3A_46 : memref<10000xf32, #tpu.memory_space<hbm>>)
      tpu.yield
    }) : () -> ()
    %add3A_30 = arith.constant 1 : i32
    %add3A_31 = arith.addi %mul3A_2, %add3A_30 : i32
    "tpu.region"() ({
      %run_scoped3A = tpu.sem_alloc : memref<!tpu.dma_semaphore, #tpu.memory_space<semaphore_mem>>
      %dma_start3A_36 = arith.constant 0 : i32
      %dma_start3A_37 = tpu.memref_slice %arg5[%add3A_31, %dma_start3A_36] : memref<128x10000xf32, #tpu.memory_space<hbm>> -> memref<1x10000xf32, #tpu.memory_space<hbm>>
      %dma_start3A_38 = tpu.memref_squeeze %dma_start3A_37 : memref<1x10000xf32, #tpu.memory_space<hbm>> -> memref<10000xf32, #tpu.memory_space<hbm>>
      %dma_start3A_39 = arith.constant 0 : i32
      %dma_start3A_40 = tpu.memref_slice %arg5[%add3A_31, %dma_start3A_39] : memref<128x10000xf32, #tpu.memory_space<hbm>> -> memref<1x10000xf32, #tpu.memory_space<hbm>>
      %dma_start3A_41 = tpu.memref_squeeze %dma_start3A_40 : memref<1x10000xf32, #tpu.memory_space<hbm>> -> memref<10000xf32, #tpu.memory_space<hbm>>
      tpu.enqueue_dma source(%arg11 : memref<10000xf32, #tpu.memory_space<vmem>>) target(%dma_start3A_41 : memref<10000xf32, #tpu.memory_space<hbm>>) target_semaphore(%run_scoped3A : memref<!tpu.dma_semaphore, #tpu.memory_space<semaphore_mem>>)
      %dma_wait3A = arith.constant 0 : i32
      %dma_wait3A_42 = tpu.memref_slice %arg5[%add3A_31, %dma_wait3A] : memref<128x10000xf32, #tpu.memory_space<hbm>> -> memref<1x10000xf32, #tpu.memory_space<hbm>>
      %dma_wait3A_43 = tpu.memref_squeeze %dma_wait3A_42 : memref<1x10000xf32, #tpu.memory_space<hbm>> -> memref<10000xf32, #tpu.memory_space<hbm>>
      %dma_wait3A_44 = arith.constant 0 : i32
      %dma_wait3A_45 = tpu.memref_slice %arg5[%add3A_31, %dma_wait3A_44] : memref<128x10000xf32, #tpu.memory_space<hbm>> -> memref<1x10000xf32, #tpu.memory_space<hbm>>
      %dma_wait3A_46 = tpu.memref_squeeze %dma_wait3A_45 : memref<1x10000xf32, #tpu.memory_space<hbm>> -> memref<10000xf32, #tpu.memory_space<hbm>>
      tpu.wait_dma2 semaphore(%run_scoped3A : memref<!tpu.dma_semaphore, #tpu.memory_space<semaphore_mem>>) src(%arg11 : memref<10000xf32, #tpu.memory_space<vmem>>) dst(%dma_wait3A_46 : memref<10000xf32, #tpu.memory_space<hbm>>)
      tpu.yield
    }) : () -> ()
    %add3A_32 = arith.constant 2 : i32
    %add3A_33 = arith.addi %mul3A_2, %add3A_32 : i32
    "tpu.region"() ({
      %run_scoped3A = tpu.sem_alloc : memref<!tpu.dma_semaphore, #tpu.memory_space<semaphore_mem>>
      %dma_start3A_36 = arith.constant 0 : i32
      %dma_start3A_37 = tpu.memref_slice %arg5[%add3A_33, %dma_start3A_36] : memref<128x10000xf32, #tpu.memory_space<hbm>> -> memref<1x10000xf32, #tpu.memory_space<hbm>>
      %dma_start3A_38 = tpu.memref_squeeze %dma_start3A_37 : memref<1x10000xf32, #tpu.memory_space<hbm>> -> memref<10000xf32, #tpu.memory_space<hbm>>
      %dma_start3A_39 = arith.constant 0 : i32
      %dma_start3A_40 = tpu.memref_slice %arg5[%add3A_33, %dma_start3A_39] : memref<128x10000xf32, #tpu.memory_space<hbm>> -> memref<1x10000xf32, #tpu.memory_space<hbm>>
      %dma_start3A_41 = tpu.memref_squeeze %dma_start3A_40 : memref<1x10000xf32, #tpu.memory_space<hbm>> -> memref<10000xf32, #tpu.memory_space<hbm>>
      tpu.enqueue_dma source(%arg12 : memref<10000xf32, #tpu.memory_space<vmem>>) target(%dma_start3A_41 : memref<10000xf32, #tpu.memory_space<hbm>>) target_semaphore(%run_scoped3A : memref<!tpu.dma_semaphore, #tpu.memory_space<semaphore_mem>>)
      %dma_wait3A = arith.constant 0 : i32
      %dma_wait3A_42 = tpu.memref_slice %arg5[%add3A_33, %dma_wait3A] : memref<128x10000xf32, #tpu.memory_space<hbm>> -> memref<1x10000xf32, #tpu.memory_space<hbm>>
      %dma_wait3A_43 = tpu.memref_squeeze %dma_wait3A_42 : memref<1x10000xf32, #tpu.memory_space<hbm>> -> memref<10000xf32, #tpu.memory_space<hbm>>
      %dma_wait3A_44 = arith.constant 0 : i32
      %dma_wait3A_45 = tpu.memref_slice %arg5[%add3A_33, %dma_wait3A_44] : memref<128x10000xf32, #tpu.memory_space<hbm>> -> memref<1x10000xf32, #tpu.memory_space<hbm>>
      %dma_wait3A_46 = tpu.memref_squeeze %dma_wait3A_45 : memref<1x10000xf32, #tpu.memory_space<hbm>> -> memref<10000xf32, #tpu.memory_space<hbm>>
      tpu.wait_dma2 semaphore(%run_scoped3A : memref<!tpu.dma_semaphore, #tpu.memory_space<semaphore_mem>>) src(%arg12 : memref<10000xf32, #tpu.memory_space<vmem>>) dst(%dma_wait3A_46 : memref<10000xf32, #tpu.memory_space<hbm>>)
      tpu.yield
    }) : () -> ()
    %add3A_34 = arith.constant 3 : i32
    %add3A_35 = arith.addi %mul3A_2, %add3A_34 : i32
    "tpu.region"() ({
      %run_scoped3A = tpu.sem_alloc : memref<!tpu.dma_semaphore, #tpu.memory_space<semaphore_mem>>
      %dma_start3A_36 = arith.constant 0 : i32
      %dma_start3A_37 = tpu.memref_slice %arg5[%add3A_35, %dma_start3A_36] : memref<128x10000xf32, #tpu.memory_space<hbm>> -> memref<1x10000xf32, #tpu.memory_space<hbm>>
      %dma_start3A_38 = tpu.memref_squeeze %dma_start3A_37 : memref<1x10000xf32, #tpu.memory_space<hbm>> -> memref<10000xf32, #tpu.memory_space<hbm>>
      %dma_start3A_39 = arith.constant 0 : i32
      %dma_start3A_40 = tpu.memref_slice %arg5[%add3A_35, %dma_start3A_39] : memref<128x10000xf32, #tpu.memory_space<hbm>> -> memref<1x10000xf32, #tpu.memory_space<hbm>>
      %dma_start3A_41 = tpu.memref_squeeze %dma_start3A_40 : memref<1x10000xf32, #tpu.memory_space<hbm>> -> memref<10000xf32, #tpu.memory_space<hbm>>
      tpu.enqueue_dma source(%arg13 : memref<10000xf32, #tpu.memory_space<vmem>>) target(%dma_start3A_41 : memref<10000xf32, #tpu.memory_space<hbm>>) target_semaphore(%run_scoped3A : memref<!tpu.dma_semaphore, #tpu.memory_space<semaphore_mem>>)
      %dma_wait3A = arith.constant 0 : i32
      %dma_wait3A_42 = tpu.memref_slice %arg5[%add3A_35, %dma_wait3A] : memref<128x10000xf32, #tpu.memory_space<hbm>> -> memref<1x10000xf32, #tpu.memory_space<hbm>>
      %dma_wait3A_43 = tpu.memref_squeeze %dma_wait3A_42 : memref<1x10000xf32, #tpu.memory_space<hbm>> -> memref<10000xf32, #tpu.memory_space<hbm>>
      %dma_wait3A_44 = arith.constant 0 : i32
      %dma_wait3A_45 = tpu.memref_slice %arg5[%add3A_35, %dma_wait3A_44] : memref<128x10000xf32, #tpu.memory_space<hbm>> -> memref<1x10000xf32, #tpu.memory_space<hbm>>
      %dma_wait3A_46 = tpu.memref_squeeze %dma_wait3A_45 : memref<1x10000xf32, #tpu.memory_space<hbm>> -> memref<10000xf32, #tpu.memory_space<hbm>>
      tpu.wait_dma2 semaphore(%run_scoped3A : memref<!tpu.dma_semaphore, #tpu.memory_space<semaphore_mem>>) src(%arg13 : memref<10000xf32, #tpu.memory_space<vmem>>) dst(%dma_wait3A_46 : memref<10000xf32, #tpu.memory_space<hbm>>)
      tpu.yield
    }) : () -> ()
    return
  }
}

module attributes {stable_mosaic.version = 14 : i64} {
  func.func @body(%arg0: memref<10000x128xf32, #tpu.memory_space<vmem>>, %arg1: memref<128x128xf32, #tpu.memory_space<vmem>>, %arg2: memref<2x10000xf32, #tpu.memory_space<vmem>>, %arg3: memref<128x10000xf32, #tpu.memory_space<vmem>>) attributes {dimension_semantics = [], scalar_prefetch = 0 : i64, scratch_operands = 0 : i64, tpu.core_type = #tpu.core_type<tc>} {
    %get3A = arith.constant 0 : index
    %get3A_0 = arith.constant 0 : index
    %get3A_1 = vector.load %arg1[%get3A, %get3A_0] : memref<128x128xf32, #tpu.memory_space<vmem>>, vector<128x128xf32>
    %get3A_2 = arith.constant 0 : index
    %get3A_3 = arith.constant 0 : index
    %get3A_4 = vector.load %arg0[%get3A_2, %get3A_3] : memref<10000x128xf32, #tpu.memory_space<vmem>>, vector<10000x128xf32>
    %dot_general3A = arith.constant dense<0.000000e+00> : vector<128x10000xf32>
    %dot_general3A_5 = tpu.matmul %get3A_1, %get3A_4, %dot_general3A {dimension_numbers = #tpu.dot_dimension_numbers<[0], [1], [1], [0], [0, 1, 1, 0], [], []>, transpose_lhs_hint = false} : vector<128x128xf32>, vector<10000x128xf32>, vector<128x10000xf32> -> vector<128x10000xf32>
    %get3A_6 = arith.constant 0 : index
    %get3A_7 = arith.constant 0 : index
    %get3A_8 = vector.load %arg2[%get3A_6, %get3A_7] : memref<2x10000xf32, #tpu.memory_space<vmem>>, vector<1x10000xf32>
    %mul3A = vector.broadcast %get3A_8 : vector<1x10000xf32> to vector<128x10000xf32>
    %mul3A_9 = arith.mulf %dot_general3A_5, %mul3A : vector<128x10000xf32>
    %swap3A = arith.constant 0 : index
    %swap3A_10 = arith.constant 0 : index
    %swap3A_11 = vector.load %arg3[%swap3A, %swap3A_10] : memref<128x10000xf32, #tpu.memory_space<vmem>>, vector<128x10000xf32>
    tpu.vector_store %arg3[%swap3A, %swap3A_10], %mul3A_9 {strides = array<i32>} : memref<128x10000xf32, #tpu.memory_space<vmem>>, vector<128x10000xf32>,
    return
  }
}

module attributes {stable_mosaic.version = 14 : i64} {
  func.func @body(%arg0: memref<64x10000xf32, #tpu.memory_space<vmem>>, %arg1: memref<2x10000xf32, #tpu.memory_space<vmem>>) attributes {dimension_semantics = [], scalar_prefetch = 0 : i64, scratch_operands = 0 : i64, tpu.core_type = #tpu.core_type<tc>} {
    %get3A = arith.constant 0 : index
    %get3A_0 = arith.constant 0 : index
    %get3A_1 = vector.load %arg0[%get3A, %get3A_0] : memref<64x10000xf32, #tpu.memory_space<vmem>>, vector<32x10000xf32>
    %reduce_sum3A = arith.constant dense<0.000000e+00> : vector<10000xf32>
    %reduce_sum3A_2 = vector.multi_reduction <add>, %get3A_1, %reduce_sum3A [0] : vector<32x10000xf32> to vector<10000xf32>
    %broadcast_in_dim3A = vector.shape_cast %reduce_sum3A_2 : vector<10000xf32> to vector<1x10000xf32>
    %get3A_3 = arith.constant 32 : index
    %get3A_4 = arith.constant 0 : index
    %get3A_5 = vector.load %arg0[%get3A_3, %get3A_4] : memref<64x10000xf32, #tpu.memory_space<vmem>>, vector<32x10000xf32>
    %reduce_sum3A_6 = arith.constant dense<0.000000e+00> : vector<10000xf32>
    %reduce_sum3A_7 = vector.multi_reduction <add>, %get3A_5, %reduce_sum3A_6 [0] : vector<32x10000xf32> to vector<10000xf32>
    %broadcast_in_dim3A_8 = vector.shape_cast %reduce_sum3A_7 : vector<10000xf32> to vector<1x10000xf32>
    %max3A = arith.constant 1.000000e+00 : f32
    %max3A_9 = vector.broadcast %max3A : f32 to vector<1x10000xf32>
    %max3A_10 = arith.maximumf %broadcast_in_dim3A, %max3A_9 : vector<1x10000xf32>
    %sqrt3A = math.sqrt %max3A_10 : vector<1x10000xf32>
    %div3A = arith.constant 1.000000e+00 : f32
    %div3A_11 = vector.broadcast %div3A : f32 to vector<1x10000xf32>
    %div3A_12 = arith.divf %div3A_11, %sqrt3A : vector<1x10000xf32>
    %max3A_13 = arith.constant 1.000000e+00 : f32
    %max3A_14 = vector.broadcast %max3A_13 : f32 to vector<1x10000xf32>
    %max3A_15 = arith.maximumf %broadcast_in_dim3A_8, %max3A_14 : vector<1x10000xf32>
    %sqrt3A_16 = math.sqrt %max3A_15 : vector<1x10000xf32>
    %div3A_17 = arith.constant 1.000000e+00 : f32
    %div3A_18 = vector.broadcast %div3A_17 : f32 to vector<1x10000xf32>
    %div3A_19 = arith.divf %div3A_18, %sqrt3A_16 : vector<1x10000xf32>
    %concatenate3A = tpu.concatenate %div3A_12, %div3A_19 in 0 : vector<1x10000xf32>, vector<1x10000xf32> -> vector<2x10000xf32>
    %swap3A = arith.constant 0 : index
    %swap3A_20 = arith.constant 0 : index
    %swap3A_21 = vector.load %arg1[%swap3A, %swap3A_20] : memref<2x10000xf32, #tpu.memory_space<vmem>>, vector<2x10000xf32>
    tpu.vector_store %arg1[%swap3A, %swap3A_20], %concatenate3A {strides = array<i32>} : memref<2x10000xf32, #tpu.memory_space<vmem>>, vector<2x10000xf32>,
    return
  }
}

module attributes {stable_mosaic.version = 14 : i64} {
  func.func @body(%arg0: memref<128x10000xf32, #tpu.memory_space<vmem>>, %arg1: memref<128x128xf32, #tpu.memory_space<vmem>>, %arg2: memref<128x1xf32, #tpu.memory_space<vmem>>, %arg3: memref<2x10000xf32, #tpu.memory_space<vmem>>, %arg4: memref<128x10000xf32, #tpu.memory_space<vmem>>) attributes {dimension_semantics = [], scalar_prefetch = 0 : i64, scratch_operands = 0 : i64, tpu.core_type = #tpu.core_type<tc>} {
    %get3A = arith.constant 0 : index
    %get3A_0 = arith.constant 0 : index
    %get3A_1 = vector.load %arg0[%get3A, %get3A_0] : memref<128x10000xf32, #tpu.memory_space<vmem>>, vector<128x10000xf32>
    %get3A_2 = arith.constant 1 : index
    %get3A_3 = arith.constant 0 : index
    %get3A_4 = vector.load %arg3[%get3A_2, %get3A_3] : memref<2x10000xf32, #tpu.memory_space<vmem>>, vector<1x10000xf32>
    %mul3A = vector.broadcast %get3A_4 : vector<1x10000xf32> to vector<128x10000xf32>
    %mul3A_5 = arith.mulf %get3A_1, %mul3A : vector<128x10000xf32>
    %get3A_6 = arith.constant 0 : index
    %get3A_7 = arith.constant 0 : index
    %get3A_8 = vector.load %arg2[%get3A_6, %get3A_7] : memref<128x1xf32, #tpu.memory_space<vmem>>, vector<128x1xf32>
    %add3A = vector.broadcast %get3A_8 : vector<128x1xf32> to vector<128x10000xf32>
    %add3A_9 = arith.addf %mul3A_5, %add3A : vector<128x10000xf32>
    %max3A = arith.constant 0.000000e+00 : f32
    %max3A_10 = vector.broadcast %max3A : f32 to vector<128x10000xf32>
    %max3A_11 = arith.maximumf %add3A_9, %max3A_10 : vector<128x10000xf32>
    %get3A_12 = arith.constant 0 : index
    %get3A_13 = arith.constant 0 : index
    %get3A_14 = vector.load %arg1[%get3A_12, %get3A_13] : memref<128x128xf32, #tpu.memory_space<vmem>>, vector<128x128xf32>
    %dot_general3A = arith.constant dense<0.000000e+00> : vector<128x10000xf32>
    %dot_general3A_15 = tpu.matmul %get3A_14, %max3A_11, %dot_general3A {dimension_numbers = #tpu.dot_dimension_numbers<[0], [0], [1], [1], [0, 1, 1, 1], [], []>, transpose_lhs_hint = false} : vector<128x128xf32>, vector<128x10000xf32>, vector<128x10000xf32> -> vector<128x10000xf32>
    %get3A_16 = arith.constant 0 : index
    %get3A_17 = arith.constant 0 : index
    %get3A_18 = vector.load %arg3[%get3A_16, %get3A_17] : memref<2x10000xf32, #tpu.memory_space<vmem>>, vector<1x10000xf32>
    %mul3A_19 = vector.broadcast %get3A_18 : vector<1x10000xf32> to vector<128x10000xf32>
    %mul3A_20 = arith.mulf %dot_general3A_15, %mul3A_19 : vector<128x10000xf32>
    %swap3A = arith.constant 0 : index
    %swap3A_21 = arith.constant 0 : index
    %swap3A_22 = vector.load %arg4[%swap3A, %swap3A_21] : memref<128x10000xf32, #tpu.memory_space<vmem>>, vector<128x10000xf32>
    tpu.vector_store %arg4[%swap3A, %swap3A_21], %mul3A_20 {strides = array<i32>} : memref<128x10000xf32, #tpu.memory_space<vmem>>, vector<128x10000xf32>,
    return
  }
}

module attributes {stable_mosaic.version = 14 : i64} {
  func.func @body(%arg0: memref<128x10000xf32, #tpu.memory_space<vmem>>, %arg1: memref<2x10000xf32, #tpu.memory_space<vmem>>, %arg2: memref<128x1xf32, #tpu.memory_space<vmem>>, %arg3: memref<128x128xf32, #tpu.memory_space<vmem>>, %arg4: memref<128x1xf32, #tpu.memory_space<vmem>>, %arg5: memref<128x128xf32, #tpu.memory_space<vmem>>, %arg6: memref<128x1xf32, #tpu.memory_space<vmem>>, %arg7: memref<128x1xf32, #tpu.memory_space<vmem>>, %arg8: memref<1x1xf32, #tpu.memory_space<vmem>>, %arg9: memref<1x1xf32, #tpu.memory_space<vmem>>) attributes {dimension_semantics = [], scalar_prefetch = 0 : i64, scratch_operands = 0 : i64, tpu.core_type = #tpu.core_type<tc>} {
    %get3A = arith.constant 0 : index
    %get3A_0 = arith.constant 0 : index
    %get3A_1 = vector.load %arg0[%get3A, %get3A_0] : memref<128x10000xf32, #tpu.memory_space<vmem>>, vector<128x10000xf32>
    %get3A_2 = arith.constant 1 : index
    %get3A_3 = arith.constant 0 : index
    %get3A_4 = vector.load %arg1[%get3A_2, %get3A_3] : memref<2x10000xf32, #tpu.memory_space<vmem>>, vector<1x10000xf32>
    %mul3A = vector.broadcast %get3A_4 : vector<1x10000xf32> to vector<128x10000xf32>
    %mul3A_5 = arith.mulf %get3A_1, %mul3A : vector<128x10000xf32>
    %get3A_6 = arith.constant 0 : index
    %get3A_7 = arith.constant 0 : index
    %get3A_8 = vector.load %arg2[%get3A_6, %get3A_7] : memref<128x1xf32, #tpu.memory_space<vmem>>, vector<128x1xf32>
    %add3A = vector.broadcast %get3A_8 : vector<128x1xf32> to vector<128x10000xf32>
    %add3A_9 = arith.addf %mul3A_5, %add3A : vector<128x10000xf32>
    %max3A = arith.constant 0.000000e+00 : f32
    %max3A_10 = vector.broadcast %max3A : f32 to vector<128x10000xf32>
    %max3A_11 = arith.maximumf %add3A_9, %max3A_10 : vector<128x10000xf32>
    %reduce_sum3A = arith.constant dense<0.000000e+00> : vector<128xf32>
    %reduce_sum3A_12 = vector.multi_reduction <add>, %max3A_11, %reduce_sum3A [1] : vector<128x10000xf32> to vector<128xf32>
    %broadcast_in_dim3A = vector.shape_cast %reduce_sum3A_12 : vector<128xf32> to vector<128x1xf32>
    %mul3A_13 = arith.constant 9.99999974E-5 : f32
    %mul3A_14 = vector.broadcast %mul3A_13 : f32 to vector<128x1xf32>
    %mul3A_15 = arith.mulf %broadcast_in_dim3A, %mul3A_14 : vector<128x1xf32>
    %get3A_16 = arith.constant 0 : index
    %get3A_17 = arith.constant 0 : index
    %get3A_18 = vector.load %arg3[%get3A_16, %get3A_17] : memref<128x128xf32, #tpu.memory_space<vmem>>, vector<128x128xf32>
    %dot_general3A = arith.constant dense<0.000000e+00> : vector<128x1xf32>
    %dot_general3A_19 = tpu.matmul %get3A_18, %mul3A_15, %dot_general3A {dimension_numbers = #tpu.dot_dimension_numbers<[0], [0], [1], [1], [0, 1, 1, 1], [], []>, transpose_lhs_hint = false} : vector<128x128xf32>, vector<128x1xf32>, vector<128x1xf32> -> vector<128x1xf32>
    %get3A_20 = arith.constant 0 : index
    %get3A_21 = arith.constant 0 : index
    %get3A_22 = vector.load %arg4[%get3A_20, %get3A_21] : memref<128x1xf32, #tpu.memory_space<vmem>>, vector<128x1xf32>
    %add3A_23 = arith.addf %dot_general3A_19, %get3A_22 : vector<128x1xf32>
    %max3A_24 = arith.constant 0.000000e+00 : f32
    %max3A_25 = vector.broadcast %max3A_24 : f32 to vector<128x1xf32>
    %max3A_26 = arith.maximumf %add3A_23, %max3A_25 : vector<128x1xf32>
    %get3A_27 = arith.constant 0 : index
    %get3A_28 = arith.constant 0 : index
    %get3A_29 = vector.load %arg5[%get3A_27, %get3A_28] : memref<128x128xf32, #tpu.memory_space<vmem>>, vector<128x128xf32>
    %dot_general3A_30 = arith.constant dense<0.000000e+00> : vector<128x1xf32>
    %dot_general3A_31 = tpu.matmul %get3A_29, %max3A_26, %dot_general3A_30 {dimension_numbers = #tpu.dot_dimension_numbers<[0], [0], [1], [1], [0, 1, 1, 1], [], []>, transpose_lhs_hint = false} : vector<128x128xf32>, vector<128x1xf32>, vector<128x1xf32> -> vector<128x1xf32>
    %get3A_32 = arith.constant 0 : index
    %get3A_33 = arith.constant 0 : index
    %get3A_34 = vector.load %arg6[%get3A_32, %get3A_33] : memref<128x1xf32, #tpu.memory_space<vmem>>, vector<128x1xf32>
    %add3A_35 = arith.addf %dot_general3A_31, %get3A_34 : vector<128x1xf32>
    %max3A_36 = arith.constant 0.000000e+00 : f32
    %max3A_37 = vector.broadcast %max3A_36 : f32 to vector<128x1xf32>
    %max3A_38 = arith.maximumf %add3A_35, %max3A_37 : vector<128x1xf32>
    %get3A_39 = arith.constant 0 : index
    %get3A_40 = arith.constant 0 : index
    %get3A_41 = vector.load %arg7[%get3A_39, %get3A_40] : memref<128x1xf32, #tpu.memory_space<vmem>>, vector<128x1xf32>
    %dot_general3A_42 = arith.constant dense<0.000000e+00> : vector<1x1xf32>
    %dot_general3A_43 = tpu.matmul %get3A_41, %max3A_38, %dot_general3A_42 {dimension_numbers = #tpu.dot_dimension_numbers<[0], [0], [1], [1], [0, 1, 1, 1], [], []>, transpose_lhs_hint = false} : vector<128x1xf32>, vector<128x1xf32>, vector<1x1xf32> -> vector<1x1xf32>
    %get3A_44 = arith.constant 0 : index
    %get3A_45 = arith.constant 0 : index
    %get3A_46 = vector.load %arg8[%get3A_44, %get3A_45] : memref<1x1xf32, #tpu.memory_space<vmem>>, vector<1x1xf32>
    %add3A_47 = arith.addf %dot_general3A_43, %get3A_46 : vector<1x1xf32>
    %swap3A = arith.constant 0 : index
    %swap3A_48 = arith.constant 0 : index
    %swap3A_49 = vector.load %arg9[%swap3A, %swap3A_48] : memref<1x1xf32, #tpu.memory_space<vmem>>, vector<1x1xf32>
    tpu.vector_store %arg9[%swap3A, %swap3A_48], %add3A_47 {strides = array<i32>} : memref<1x1xf32, #tpu.memory_space<vmem>>, vector<1x1xf32>,
    return
  }
}

</mosaic_0001>

<sc_bundles>
// kernel: kernel.12.cloned.1.call-start
scs
__scs_entry_jumppad:
0x0: {  	(pc) =	sbr.rel $0x88, $3  }
0x1: {  	(tag) =	ssettag $0x0;
	lr =	simm.s32 $0x1  }
0x2: {  	[smem:$0x3F95] =	sst lr;
	_ =	strace $0xD0000000  }
0x3: {  	_ = 	snop  }
0x4: {  	_ = 	snop  }
0x5: {  	_ = 	snop  }
0x6: {  	_ = 	snop  }
0x7: {  	_ = 	snop  }
__scs_overlays_trampoline_lowered:
0x8: {  	[smem:$0x3FA4] =	sst s0  }
0x9: {  	[smem:$0x3FA5] =	sst s1  }
0xa: {  	[smem:$0x3FA6] =	sst s2  }
0xb: {  	[smem:$0x3FA7] =	sst s3  }
0xc: {  	[smem:$0x3FA8] =	sst s4  }
0xd: {  	[smem:$0x3FA9] =	sst s5  }
0xe: {  	[smem:$0x3FAA] =	sst s6  }
0xf: {  	[smem:$0x3FAB] =	sst s7  }
0x10: {  	[smem:$0x3FAC] =	sst s8  }
0x11: {  	[smem:$0x3FAD] =	sst s9;
	s0 =	simm.s32 @!p0 $0x0  }
0x12: {  	s1 =	sld [smem:$0x3F93];
	s0 =	simm.s32 @p0 $0x1  }
0x13: {  	[smem:$0x3FAE] =	sst s0;
	s0 =	simm.s32 @!p1 $0x0  }
0x14: {  	s2 =	sld [smem:$0x3F92];
	s0 =	simm.s32 @p1 $0x1  }
0x15: {  	[smem:$0x3FAF] =	sst s0;
	s0 =	simm.s32 @!p2 $0x0  }
0x16: {  	s3 =	sld [smem:$0x3FDB];
	s0 =	simm.s32 @p2 $0x1  }
0x17: {  	s4 =	simm.s32 $0x1BF5;
	[smem:$0x3FB1] =	sst s0  }
0x18: {  	s0 =	sld [smem:$0x3F94];
	_ =	swait.ge [sflag:s4], $0x0  }
0x19: {  	s7 =	sld [smem:$0x3F95]  }
0x1a: {  	s8 =	sadd.s32 $0xFFFFE003, lr  }
0x1b: {  	s9 =	sadd.s32 $0xFFFFFEF7, lr;
	s5 =	simm.s32 $0xFFFFFFFF;
	p2 =	slt.u32 s8, $0xFFFFF086  }
0x1c: {  	p1 =	slt.u32 s9, $0xF7A;
	s5 =	simm.s32 @!p2 $0x0  }
0x1d: {  	s5 =	simm.s32 @p1 $0x1;
	p0 =	seq.s32 s7, s2  }
0x1e: {  	s7 =	smul.u32 @!p0 $0xF7A, s2;
	p2 =	seq.s32 @!p0 s5, $0x0  }
0x1f: {  	s9 =	smul.u32 $0xF7A, s1;
	s8 =	simm.s32 @!p0 $0x1BF5;
	p2 =	por !p2, p0  }
0x20: {  	[sflag:s8] =	ssyncset.s32 @!p0 $0xFFFFF086;
	s6 =	sadd.s32 @!p0 s3, s7;
	s7 =	simm.s32 @!p0 $0x108  }
0x21: {  	s3 =	sadd.s32 s3, s9;
	s6 =	sadd.s32 @!p0 $0x88, s6;
	s7 =	simm.s32 @p2 $0x1082  }
0x22: {  	[simem:s7], [sflag:s8] =	dma.local @!p0 [hbm:s6], $0xF7A  }
0x23: {  	s9 =	sor.u32 $0xD0000000, s2;
	s6 =	simm.s32 $0x108;
	_ =	swait.ge @!p0 [sflag:s8], $0x0  }
0x24: {  	s3 =	sadd.s32 $0x88, s3;
	s6 =	simm.s32 @!p1 $0x1082;
	[sflag:s4] =	ssyncset.s32 $0xFFFFF086  }
0x25: {  	[simem:s6], [sflag:s4] =	dma.local [hbm:s3], $0xF7A  }
0x26: {  	[smem:$0x3F95] =	sst s1;
	(tag) =	ssettag s2;
	_ =	strace s9  }
0x27: {  	s1 =	sld [smem:$0x3FA5]  }
0x28: {  	s2 =	sld [smem:$0x3FA6]  }
0x29: {  	s4 =	sld [smem:$0x3FA8]  }
0x2a: {  	p0 =	seq.s32 s5, $0x0;
	s5 =	sld [smem:$0x3FA9]  }
0x2b: {  	s6 =	sld [smem:$0x3FAA]  }
0x2c: {  	s7 =	sld [smem:$0x3FAB]  }
0x2d: {  	s3 =	simm.s32 $0x108;
	s8 =	sld [smem:$0x3FAC]  }
0x2e: {  	s3 =	simm.s32 @!p0 $0x1082;
	s9 =	sld [smem:$0x3FAD]  }
0x2f: {  	lr =	sadd.s32 s0, s3;
	s0 =	sld [smem:$0x3FA4]  }
0x30: {  	s3 =	sld [smem:$0x3FA7]  }
0x31: {  	[smem:$0x3FB0] =	sst s10  }
0x32: {  	s10 =	sld [smem:$0x3FAE];
	_ =	sdelay $0x3  }
0x33: {  	p0 =	seq.s32 s10, $0x1;
	s10 =	sld [smem:$0x3FB0];
	_ =	sdelay $0x3  }
0x34: {  	[smem:$0x3FB0] =	sst s10  }
0x35: {  	s10 =	sld [smem:$0x3FAF];
	_ =	sdelay $0x3  }
0x36: {  	p1 =	seq.s32 s10, $0x1;
	s10 =	sld [smem:$0x3FB0];
	_ =	sdelay $0x3  }
0x37: {  	[smem:$0x3FB0] =	sst s10  }
0x38: {  	s10 =	sld [smem:$0x3FB1]  }
0x39: {  	_ = 	snop;
	(pc) =	sbr.ind lr, $3  }
0x3a: {  	_ = 	snop  }
0x3b: {  	_ = 	snop  }
0x3c: {  	p2 =	seq.s32 s10, $0x1;
	s10 =	sld [smem:$0x3FB0]  }
0x3d: {  	_ =	shalt  }
0x3e: {  	_ =	shalt  }
0x3f: {  	_ =	shalt  }
0x40: {  	_ =	shalt  }
0x41: {  	_ =	shalt  }
0x42: {  	_ =	shalt  }
0x43: {  	_ =	shalt  }
0x44: {  	_ =	shalt  }
0x45: {  	_ =	shalt  }
0x46: {  	_ =	shalt  }
0x47: {  	_ =	shalt  }
0x48: {  	_ =	shalt  }
0x49: {  	_ =	shalt  }
0x4a: {  	_ =	shalt  }
0x4b: {  	_ =	shalt  }
0x4c: {  	_ =	shalt  }
0x4d: {  	_ =	shalt  }
0x4e: {  	_ =	shalt  }
0x4f: {  	_ =	shalt  }
0x50: {  	_ =	shalt  }
0x51: {  	_ =	shalt  }
0x52: {  	_ =	shalt  }
0x53: {  	_ =	shalt  }
0x54: {  	_ =	shalt  }
0x55: {  	_ =	shalt  }
0x56: {  	_ =	shalt  }
0x57: {  	_ =	shalt  }
0x58: {  	_ =	shalt  }
0x59: {  	_ =	shalt  }
0x5a: {  	_ =	shalt  }
0x5b: {  	_ =	shalt  }
0x5c: {  	_ =	shalt  }
0x5d: {  	_ =	shalt  }
0x5e: {  	_ =	shalt  }
0x5f: {  	_ =	shalt  }
0x60: {  	_ =	shalt  }
0x61: {  	_ =	shalt  }
0x62: {  	_ =	shalt  }
0x63: {  	_ =	shalt  }
0x64: {  	_ =	shalt  }
0x65: {  	_ =	shalt  }
0x66: {  	_ =	shalt  }
0x67: {  	_ =	shalt  }
0x68: {  	_ =	shalt  }
0x69: {  	_ =	shalt  }
0x6a: {  	_ =	shalt  }
0x6b: {  	_ =	shalt  }
0x6c: {  	_ =	shalt  }
0x6d: {  	_ =	shalt  }
0x6e: {  	_ =	shalt  }
0x6f: {  	_ =	shalt  }
0x70: {  	_ =	shalt  }
0x71: {  	_ =	shalt  }
0x72: {  	_ =	shalt  }
0x73: {  	_ =	shalt  }
0x74: {  	_ =	shalt  }
0x75: {  	_ =	shalt  }
0x76: {  	_ =	shalt  }
0x77: {  	_ =	shalt  }
0x78: {  	_ =	shalt  }
0x79: {  	_ =	shalt  }
0x7a: {  	_ =	shalt  }
0x7b: {  	_ =	shalt  }
0x7c: {  	_ =	shalt  }
0x7d: {  	_ =	shalt  }
0x7e: {  	_ =	shalt  }
0x7f: {  	_ =	shalt  }
0x80: {  	_ =	shalt  }
0x81: {  	_ =	shalt  }
0x82: {  	_ =	shalt  }
0x83: {  	_ =	shalt  }
0x84: {  	_ =	shalt  }
0x85: {  	_ =	shalt  }
0x86: {  	_ =	shalt  }
0x87: {  	_ =	shalt  }
.Lfunc_end0:
.L_simem_size_0:
called_computation.1_lowered:
.L_overlay_start_0:
0x88: {  	s2 =	sld [smem:$0x3FD9]  }
0x89: {  	s3 =	sld [smem:$0x3FFE];
	_ =	sdelay $0x1  }
0x8a: {  	s1 =	srdreg.scid  }
0x8b: {  	s0 =	sand.u32 $0x1, s1  }
0x8c: {  	s16 =	sshll.u32 s0, $0xA;
	s2 =	sadd.s32 s3, s2  }
0x8d: {  	s2 =	sadd.s32 s2, s16  }
0x8e: {  	[smem:$0x3FBC] =	sst s2  }
0x8f: {  	_ = 	snop  }
0x90: {  	(tm) =	ssettm $0x1  }
0x91: {  	s17 =	sld [smem:$0x3FFB];
	_ =	sdelay $0x3  }
0x92: {  	_ =	strace s17  }
0x93: {  	s2 =	sld [smem:$0x3FFC];
	_ =	sdelay $0x3  }
0x94: {  	_ =	strace s2  }
0x95: {  	s2 =	sld [smem:$0x3FFD];
	_ =	sdelay $0x3  }
0x96: {  	_ =	strace s2  }
0x97: {  	_ =	strace $0x8FFFFFFF  }
0x98: {  	s18 =	sld [smem:$0x3FDB];
	_ =	sdelay $0x1  }
0x99: {  	s19 =	simm.s32 $_scs_section_size  }
0x9a: {  	s4 =	simm.s32 $_size__tile_overlayer_lowered;
	s5 =	simm.s32 $_tile_overlayer_lowered  }
0x9b: {  	s22 =	simm.s32 $0x1BFF;
	s21 =	sshll.u32 s5, $0x1;
	s2 =	sadd.s32 s19, s18  }
0x9c: {  	s6 =	simm.s32 $0x0;
	s20 =	sshll.u32 s4, $0x1;
	s4 =	sadd.s32 s21, s2  }
0x9d: {  	[timem:s6], [sflag:s22] =	dma.local [hbm:s4], s20  }
0x9e: {  	_ =	swait.ge [sflag:s22], s20  }
0x9f: {  	s3 =	ssub.s32 $0x0, s20;
	[sflag:s22] =	ssyncset.done $0x0  }
0xa0: {  	[sflag:s22] =	ssyncadd.s32 s3;
	_ =	sdelay $0x1  }
0xa1: {  	s23 =	simm.s32 $0x1B8B  }
0xa2: {  	_ =	swait.ge [sflag:s23], $0x1  }
0xa3: {  	[sflag:s23] =	ssyncset.done $0x0  }
0xa4: {  	s25 =	simm.s32 $0x1B8E;
	s24 =	sld [smem:$0x3FFE];
	[sflag:s23] =	ssyncadd.s32 $0xFFFFFFFF  }
0xa5: {  	s26 =	simm.s32 $execute0_lowered;
	[smem:$0x3FD2] =	sst s25  }
0xa6: {  	s4 =	sshll.u32 s26, $0x1;
	_ =	strace $0x80000049;
	[dreg:$0x1] =	wrdreg $0xFFFFFFFF  }
0xa7: {  	s28 =	simm.s32 $_size_execute0_lowered;
	s2 =	sadd.s32 s2, s4;
	[dreg:$0x0] =	wrdreg $0x0  }
0xa8: {  	s4 =	sshll.u32 s28, $0x1;
	[dreg:$0x2] =	wrdreg s2  }
0xa9: {  	[dreg:$0x3] =	wrdreg s4  }
0xaa: {  	[dreg:$0x4] =	wrdreg $0xC0  }
0xab: {  	_ =	task [dreg:s6], $0x5FFFF  }
0xac: {  	[dreg:$0x1] =	wrdreg $0xFFFFFFFF  }
0xad: {  	[dreg:$0x0] =	wrdreg $0x60  }
0xae: {  	[dreg:$0x2] =	wrdreg s24  }
0xaf: {  	[dreg:$0x3] =	wrdreg $0x9  }
0xb0: {  	_ =	task.clear_ibuf [dreg:s6], $0x4FFFF;
	_ =	strace $0x90000049  }
0xb1: {  	s29 =	simm.s32 $0x9;
	_ =	strace $0x8000004B  }
0xb2: {  	_ =	swait.ge [sflag:s29], $0x1  }
0xb3: {  	[sflag:s29] =	ssyncadd.s32 $0xFFFFFFFF  }
0xb4: {  	_ =	strace $0x9000004B  }
0xb5: {  	_ =	sfence  }
0xb6: {  	s30 =	sld [smem:$0x0];
	_ =	sdelay $0x2  }
0xb7: {  	s31 =	sshll.u32 s1, $0xD;
	s1 =	sshrl.u32 s1, $0x2  }
0xb8: {  	s3 =	sand.u32 $0x4000, s31;
	s1 =	sadd.s32 s1, s30  }
0xb9: {  	s0 =	sor.u32 s3, s0;
	s1 =	sshll.u32 s1, $0x11  }
0xba: {  	s0 =	sor.u32 s1, s0  }
0xbb: {  	s0 =	sadd.s32 $0x8F2B, s0  }
0xbc: {  	[sflag:s0] =	ssyncadd.remote.s32 $0x1  }
0xbd: {  	_ =	sfence.sel $0xFFFF  }
0xbe: {  	[dreg:$0x0] =	wrdreg $0xFFFFFFFF;
	(pc) =	sbr.abs _section_cstart, $3  }
0xbf: {  	[dreg:$0x1] =	wrdreg $0xFFFFFFFF  }
0xc0: {  	_ =	task.clear_ibuf [dreg:s6], $0x2FFFF;
	_ =	strace $0x9FFFFFFF  }
0xc1: {  	(tm) =	ssettm $0x7FFFFFFF  }
tec
execute0_lowered:
.L_overlay_start_1:
0x0: {  	(tag) =	ssettag $0x1  }
0x1: {  	s0 =	rddreg [dreg:$0x0];
	s2 =	simm.s32 $0x0  }
0x2: {  	s1 =	srdreg.scid;
	s3 =	stileid.u32;
	s16 =	simm.s32 $0x80  }
0x3: {  	s17 =	simm.s32 $0x400;
	s18 =	simm.s32 $0x5;
	s19 =	simm.s32 $0x2780  }
0x4: {  	s20 =	simm.s32 $0x4F00;
	s21 =	simm.s32 $0x7680;
	s22 =	simm.s32 $0x16E00  }
0x5: {  	s23 =	simm.s32 $0x18700;
	s28 =	simm.s32 $0xC580;
	s29 =	simm.s32 $0xED00  }
0x6: {  	s30 =	simm.s32 $0x11480;
	s31 =	simm.s32 $0x3;
	[smem:$0x7FF] =	sst s2  }
0x7: {  	s1 =	sand.u32 $0x1, s1;
	s4 =	smul.u32 $0x13C00, s3;
	s5 =	sadd.s32 $0x16400, s0  }
0x8: {  	s3 =	sadd.s32 $0xC600, s0;
	_ =	strace $0x8000004A;
	s6 =	sshll.u32 s1, $0x9  }
0x9: {  	s1 =	ssub.s32 $0x2, s1;
	s6 =	sor.u32 s6, s4;
	s4 =	sadd.s32 $0x2800, s0  }
0xa: {  	s7 =	sshrl.u32 s1, $0x1;
	s0 =	sadd.s32 $0x3DC00, s0;
	s6 =	sshrl.u32 s6, $0x3  }
0xb: {  	s1 =	ssub.s32 s1, s7;
	s24 =	sadd.s32 s5, s6;
	s25 =	sor.u32 $0x10, s6  }
0xc: {  	s11 =	sor.u32 $0x20, s6;
	s12 =	sor.u32 $0x30, s6;
	s9 =	sadd.s32 s0, s6  }
0xd: {  	s13 =	smax.u32 s1, $0x1;
	s1 =	simm.s32 $0x0;
	[dreg:$0x2] =	wrdreg s24  }
0xe: {  	s8 =	sadd.s32 s5, s25;
	s26 =	sadd.s32 s5, s11;
	s10 =	sadd.s32 s0, s25  }
0xf: {  	s11 =	sadd.s32 s0, s11;
	s24 =	simm.s32 $0x1;
	[dreg:$0x3] =	wrdreg s8  }
0x10: {  	s25 =	simm.s32 $0x2;
	[dreg:$0x4] =	wrdreg s26;
	s8 =	sadd.s32 s5, s12  }
0x11: {  	v0 =	vimm.f32 $0.0e+00;
	s12 =	sadd.s32 s0, s12;
	s26 =	simm.s32 $0x9E00;
	s0 =	simm.s32 $0x4  }
.LBB2_1:
0x12: {  	s5 =	simm.s32 $0x13C00  }
0x13: {  	[tilespmem:s5], [sflag:$0x1] =	stream.linear.gather [hbm4b:s3+s2], $0x1900, $0x38;
	[tilespmem:$0x1A000] =	vst v63  }
0x14: {  	s6 =	simm.s32 $0x15500  }
0x15: {  	[tilespmem:s6], [sflag:$0x2] =	stream.linear.gather [hbm4b:s4+s2], $0x1900, $0x38;
	[tilespmem:$0x1A000] =	vst v63  }
0x16: {  	s7 =	rddreg [dreg:$0x2]  }
0x17: {  	[tilespmem:s2], [sflag:$0x5] =	stream.strided.gather [hbm4b:s7+s16], $0x2780, s17, s16, $0x38;
	[tilespmem:$0x1A000] =	vst v63  }
0x18: {  	_ =	swait.ge [sflag:s18], $0x2780  }
0x19: {  	[sflag:s18] =	ssyncset.done $0x0  }
0x1a: {  	s14 =	rddreg [dreg:$0x3];
	[sflag:s18] =	ssyncadd.s32 $0xFFFFD880  }
0x1b: {  	[tilespmem:s19], [sflag:$0x5] =	stream.strided.gather [hbm4b:s14+s16], $0x2780, s17, s16, $0x38;
	[tilespmem:$0x1A000] =	vst v63  }
0x1c: {  	_ =	swait.ge [sflag:s18], $0x2780  }
0x1d: {  	[sflag:s18] =	ssyncset.done $0x0  }
0x1e: {  	s15 =	rddreg [dreg:$0x4];
	[sflag:s18] =	ssyncadd.s32 $0xFFFFD880  }
0x1f: {  	[tilespmem:s20], [sflag:$0x5] =	stream.strided.gather [hbm4b:s15+s16], $0x2780, s17, s16, $0x38;
	[tilespmem:$0x1A000] =	vst v63  }
0x20: {  	_ =	swait.ge [sflag:s18], $0x2780  }
0x21: {  	[sflag:s18] =	ssyncset.done $0x0  }
0x22: {  	[sflag:s18] =	ssyncadd.s32 $0xFFFFD880  }
0x23: {  	[tilespmem:s21], [sflag:$0x5] =	stream.strided.gather [hbm4b:s8+s16], $0x2780, s17, s16, $0x38;
	[tilespmem:$0x1A000] =	vst v63  }
0x24: {  	_ =	swait.ge [sflag:s18], $0x2780  }
0x25: {  	[sflag:s18] =	ssyncset.done $0x0  }
0x26: {  	s5 =	simm.s32 $0x0;
	[sflag:s18] =	ssyncadd.s32 $0xFFFFD880  }
.LBB2_2:
0x27: {  	p0 =	sne.s32 s5, $0x9C00  }
.Ltmp0:
0x28: {  	s6 =	sshra.s32 s5, $0x2;
	(pc) =	sbr.rel @p0 .LBB2_2-.Ltmp0, $4  }
0x29: {  	[tilespmem:s6+$0x9E00] =	vst v0  }
0x2a: {  	[tilespmem:s6+$0xC580] =	vst v0  }
0x2b: {  	[tilespmem:s6+$0xED00] =	vst v0  }
0x2c: {  	s5 =	sadd.s32 $0x40, s5;
	[tilespmem:s6+$0x11480] =	vst v0  }
0x2d: {  	s14 =	simm.s32 $0x0  }
.LBB2_4:
0x2e: {  	s15 =	smul.u32 $0x3200, s14;
	_ =	sdelay $0x1  }
0x2f: {  	s5 =	sshrl.u32 s15, $0x3  }
0x30: {  	s5 =	sadd.s32 $0x320, s5  }
0x31: {  	s6 =	sadd.s32 s3, s5  }
0x32: {  	[tilespmem:s22], [sflag:$0x3] =	stream.linear.gather [hbm4b:s6+s2], $0x1900, $0x38;
	[tilespmem:$0x1A000] =	vst v63  }
0x33: {  	s5 =	sadd.s32 s4, s5  }
0x34: {  	[tilespmem:s23], [sflag:$0x4] =	stream.linear.gather [hbm4b:s5+s2], $0x1900, $0x38;
	[tilespmem:$0x1A000] =	vst v63  }
0x35: {  	_ =	swait.ge [sflag:s24], $0x1900  }
0x36: {  	[sflag:s24] =	ssyncset.done $0x0  }
0x37: {  	[sflag:s24] =	ssyncadd.s32 $0xFFFFE700  }
0x38: {  	_ =	swait.ge [sflag:s25], $0x1900  }
0x39: {  	[sflag:s25] =	ssyncset.done $0x0  }
0x3a: {  	s7 =	simm.s32 $0x13C80;
	[sflag:s25] =	ssyncadd.s32 $0xFFFFE700  }
0x3b: {  	v7 =	vld [tilespmem:s7+$0x70]  }
0x3c: {  	v1 =	vld [tilespmem:s7+$0xFFFFFF90]  }
0x3d: {  	v2 =	vld [tilespmem:s7+$0xFFFFFFA0]  }
0x3e: {  	v3 =	vld [tilespmem:s7+$0xFFFFFFB0]  }
0x3f: {  	v4 =	vld [tilespmem:s7+$0xFFFFFFC0]  }
0x40: {  	s5 =	simm.s32 $0x15580;
	v5 =	vld [tilespmem:s7+$0xFFFFFFD0]  }
0x41: {  	v8 =	vld [tilespmem:s5+$0x70]  }
0x42: {  	v6 =	vld [tilespmem:s7+$0xFFFFFFE0]  }
0x43: {  	v10 =	vld [tilespmem:s7+$0xFFFFFFF0]  }
0x44: {  	v11 =	vld [tilespmem:s7+$0x0]  }
0x45: {  	v12 =	vld [tilespmem:s7+$0x10]  }
0x46: {  	v13 =	vld [tilespmem:s7+$0x20]  }
0x47: {  	v14 =	vld [tilespmem:s7+$0x30]  }
0x48: {  	v15 =	vld [tilespmem:s7+$0x40]  }
0x49: {  	v16 =	vld [tilespmem:s7+$0x50]  }
0x4a: {  	v17 =	vld [tilespmem:s7+$0x60]  }
0x4b: {  	v18 =	vld [tilespmem:s7+$0xFFFFFF80]  }
0x4c: {  	v31 =	vld [tilespmem:s5+$0xFFFFFF80]  }
0x4d: {  	v32 =	vld [tilespmem:s5+$0xFFFFFF90]  }
0x4e: {  	v33 =	vld [tilespmem:s5+$0xFFFFFFA0]  }
0x4f: {  	v34 =	vld [tilespmem:s5+$0xFFFFFFB0]  }
0x50: {  	v35 =	vld [tilespmem:s5+$0xFFFFFFC0]  }
0x51: {  	v36 =	vld [tilespmem:s5+$0xFFFFFFD0]  }
0x52: {  	v37 =	vld [tilespmem:s5+$0xFFFFFFE0]  }
0x53: {  	v38 =	vld [tilespmem:s5+$0xFFFFFFF0]  }
0x54: {  	v39 =	vld [tilespmem:s5+$0x0]  }
0x55: {  	v40 =	vld [tilespmem:s5+$0x10]  }
0x56: {  	v41 =	vld [tilespmem:s5+$0x20]  }
0x57: {  	v42 =	vld [tilespmem:s5+$0x30]  }
0x58: {  	v43 =	vld [tilespmem:s5+$0x40]  }
0x59: {  	v44 =	vld [tilespmem:s5+$0x50]  }
0x5a: {  	v45 =	vld [tilespmem:s5+$0x60]  }
0x5b: {  	v9 =	vld.idx.msk [tilespmem:v7+s2+$0x0], $0xffff  }
0x5c: {  	v19 =	vld.idx.msk [tilespmem:v1+s2+$0x0], $0xffff  }
0x5d: {  	v20 =	vld.idx.msk [tilespmem:v2+s2+$0x0], $0xffff  }
0x5e: {  	v21 =	vld.idx.msk [tilespmem:v3+s2+$0x0], $0xffff  }
0x5f: {  	v22 =	vld.idx.msk [tilespmem:v4+s2+$0x0], $0xffff  }
0x60: {  	v23 =	vld.idx.msk [tilespmem:v5+s2+$0x0], $0xffff  }
0x61: {  	v24 =	vld.idx.msk [tilespmem:v18+s2+$0x0], $0xffff  }
0x62: {  	v58 =	vld.idx.msk [tilespmem:v6+s2+$0x0], $0xffff  }
0x63: {  	v25 =	vld.idx.msk [tilespmem:v10+s2+$0x0], $0xffff  }
0x64: {  	v26 =	vld.idx.msk [tilespmem:v11+s2+$0x0], $0xffff  }
0x65: {  	v27 =	vld.idx.msk [tilespmem:v12+s2+$0x0], $0xffff  }
0x66: {  	v28 =	vld.idx.msk [tilespmem:v13+s2+$0x0], $0xffff  }
0x67: {  	v59 =	vld.idx.msk [tilespmem:v14+s2+$0x0], $0xffff  }
0x68: {  	v60 =	vld.idx.msk [tilespmem:v15+s2+$0x0], $0xffff  }
0x69: {  	v29 =	vld.idx.msk [tilespmem:v16+s2+$0x0], $0xffff  }
0x6a: {  	v30 =	vld.idx.msk [tilespmem:v17+s2+$0x0], $0xffff  }
0x6b: {  	[tilespmem:v8+s26+$0x0] =	vst.idx.add.f32.msk $0xffff, v9  }
0x6c: {  	[tilespmem:v31+s26+$0x0] =	vst.idx.add.f32.msk $0xffff, v24  }
0x6d: {  	[tilespmem:v32+s26+$0x0] =	vst.idx.add.f32.msk $0xffff, v19  }
0x6e: {  	[tilespmem:v33+s26+$0x0] =	vst.idx.add.f32.msk $0xffff, v20  }
0x6f: {  	[tilespmem:v34+s26+$0x0] =	vst.idx.add.f32.msk $0xffff, v21  }
0x70: {  	[tilespmem:v35+s26+$0x0] =	vst.idx.add.f32.msk $0xffff, v22  }
0x71: {  	[tilespmem:v36+s26+$0x0] =	vst.idx.add.f32.msk $0xffff, v23  }
0x72: {  	[tilespmem:v37+s26+$0x0] =	vst.idx.add.f32.msk $0xffff, v58  }
0x73: {  	[tilespmem:v38+s26+$0x0] =	vst.idx.add.f32.msk $0xffff, v25  }
0x74: {  	[tilespmem:v39+s26+$0x0] =	vst.idx.add.f32.msk $0xffff, v26  }
0x75: {  	[tilespmem:v40+s26+$0x0] =	vst.idx.add.f32.msk $0xffff, v27  }
0x76: {  	[tilespmem:v41+s26+$0x0] =	vst.idx.add.f32.msk $0xffff, v28  }
0x77: {  	[tilespmem:v42+s26+$0x0] =	vst.idx.add.f32.msk $0xffff, v59  }
0x78: {  	[tilespmem:v43+s26+$0x0] =	vst.idx.add.f32.msk $0xffff, v60  }
0x79: {  	[tilespmem:v44+s26+$0x0] =	vst.idx.add.f32.msk $0xffff, v29  }
0x7a: {  	[tilespmem:v45+s26+$0x0] =	vst.idx.add.f32.msk $0xffff, v30  }
0x7b: {  	v9 =	vld.idx.msk [tilespmem:v7+s19+$0x0], $0xffff  }
0x7c: {  	v61 =	vld.idx.msk [tilespmem:v18+s19+$0x0], $0xffff  }
0x7d: {  	v62 =	vld.idx.msk [tilespmem:v1+s19+$0x0], $0xffff  }
0x7e: {  	v63 =	vld.idx.msk [tilespmem:v2+s19+$0x0], $0xffff  }
0x7f: {  	v46 =	vld.idx.msk [tilespmem:v3+s19+$0x0], $0xffff  }
0x80: {  	v47 =	vld.idx.msk [tilespmem:v4+s19+$0x0], $0xffff  }
0x81: {  	v48 =	vld.idx.msk [tilespmem:v5+s19+$0x0], $0xffff  }
0x82: {  	v49 =	vld.idx.msk [tilespmem:v6+s19+$0x0], $0xffff  }
0x83: {  	v50 =	vld.idx.msk [tilespmem:v10+s19+$0x0], $0xffff  }
0x84: {  	v51 =	vld.idx.msk [tilespmem:v11+s19+$0x0], $0xffff  }
0x85: {  	v52 =	vld.idx.msk [tilespmem:v12+s19+$0x0], $0xffff  }
0x86: {  	v53 =	vld.idx.msk [tilespmem:v13+s19+$0x0], $0xffff  }
0x87: {  	v54 =	vld.idx.msk [tilespmem:v14+s19+$0x0], $0xffff  }
0x88: {  	v55 =	vld.idx.msk [tilespmem:v15+s19+$0x0], $0xffff  }
0x89: {  	v29 =	vld.idx.msk [tilespmem:v16+s19+$0x0], $0xffff  }
0x8a: {  	v30 =	vld.idx.msk [tilespmem:v17+s19+$0x0], $0xffff  }
0x8b: {  	[tilespmem:v8+s28+$0x0] =	vst.idx.add.f32.msk $0xffff, v9  }
0x8c: {  	[tilespmem:v31+s28+$0x0] =	vst.idx.add.f32.msk $0xffff, v61  }
0x8d: {  	[tilespmem:v32+s28+$0x0] =	vst.idx.add.f32.msk $0xffff, v62  }
0x8e: {  	[tilespmem:v33+s28+$0x0] =	vst.idx.add.f32.msk $0xffff, v63  }
0x8f: {  	[tilespmem:v34+s28+$0x0] =	vst.idx.add.f32.msk $0xffff, v46  }
0x90: {  	[tilespmem:v35+s28+$0x0] =	vst.idx.add.f32.msk $0xffff, v47  }
0x91: {  	[tilespmem:v36+s28+$0x0] =	vst.idx.add.f32.msk $0xffff, v48  }
0x92: {  	[tilespmem:v37+s28+$0x0] =	vst.idx.add.f32.msk $0xffff, v49  }
0x93: {  	[tilespmem:v38+s28+$0x0] =	vst.idx.add.f32.msk $0xffff, v50  }
0x94: {  	[tilespmem:v39+s28+$0x0] =	vst.idx.add.f32.msk $0xffff, v51  }
0x95: {  	[tilespmem:v40+s28+$0x0] =	vst.idx.add.f32.msk $0xffff, v52  }
0x96: {  	[tilespmem:v41+s28+$0x0] =	vst.idx.add.f32.msk $0xffff, v53  }
0x97: {  	[tilespmem:v42+s28+$0x0] =	vst.idx.add.f32.msk $0xffff, v54  }
0x98: {  	[tilespmem:v43+s28+$0x0] =	vst.idx.add.f32.msk $0xffff, v55  }
0x99: {  	[tilespmem:v44+s28+$0x0] =	vst.idx.add.f32.msk $0xffff, v29  }
0x9a: {  	[tilespmem:v45+s28+$0x0] =	vst.idx.add.f32.msk $0xffff, v30  }
0x9b: {  	v9 =	vld.idx.msk [tilespmem:v7+s20+$0x0], $0xffff  }
0x9c: {  	v19 =	vld.idx.msk [tilespmem:v3+s20+$0x0], $0xffff  }
0x9d: {  	v20 =	vld.idx.msk [tilespmem:v4+s20+$0x0], $0xffff  }
0x9e: {  	v21 =	vld.idx.msk [tilespmem:v5+s20+$0x0], $0xffff  }
0x9f: {  	v22 =	vld.idx.msk [tilespmem:v6+s20+$0x0], $0xffff  }
0xa0: {  	v23 =	vld.idx.msk [tilespmem:v10+s20+$0x0], $0xffff  }
0xa1: {  	v24 =	vld.idx.msk [tilespmem:v11+s20+$0x0], $0xffff  }
0xa2: {  	v25 =	vld.idx.msk [tilespmem:v12+s20+$0x0], $0xffff  }
0xa3: {  	v26 =	vld.idx.msk [tilespmem:v13+s20+$0x0], $0xffff  }
0xa4: {  	v27 =	vld.idx.msk [tilespmem:v14+s20+$0x0], $0xffff  }
0xa5: {  	v28 =	vld.idx.msk [tilespmem:v15+s20+$0x0], $0xffff  }
0xa6: {  	v29 =	vld.idx.msk [tilespmem:v16+s20+$0x0], $0xffff  }
0xa7: {  	v30 =	vld.idx.msk [tilespmem:v17+s20+$0x0], $0xffff  }
0xa8: {  	[tilespmem:v8+s29+$0x0] =	vst.idx.add.f32.msk $0xffff, v9  }
0xa9: {  	v9 =	vld.idx.msk [tilespmem:v2+s20+$0x0], $0xffff  }
0xaa: {  	[tilespmem:v34+s29+$0x0] =	vst.idx.add.f32.msk $0xffff, v19  }
0xab: {  	[tilespmem:v35+s29+$0x0] =	vst.idx.add.f32.msk $0xffff, v20  }
0xac: {  	[tilespmem:v36+s29+$0x0] =	vst.idx.add.f32.msk $0xffff, v21  }
0xad: {  	[tilespmem:v37+s29+$0x0] =	vst.idx.add.f32.msk $0xffff, v22  }
0xae: {  	[tilespmem:v38+s29+$0x0] =	vst.idx.add.f32.msk $0xffff, v23  }
0xaf: {  	[tilespmem:v39+s29+$0x0] =	vst.idx.add.f32.msk $0xffff, v24  }
0xb0: {  	[tilespmem:v40+s29+$0x0] =	vst.idx.add.f32.msk $0xffff, v25  }
0xb1: {  	[tilespmem:v41+s29+$0x0] =	vst.idx.add.f32.msk $0xffff, v26  }
0xb2: {  	[tilespmem:v42+s29+$0x0] =	vst.idx.add.f32.msk $0xffff, v27  }
0xb3: {  	[tilespmem:v43+s29+$0x0] =	vst.idx.add.f32.msk $0xffff, v28  }
0xb4: {  	[tilespmem:v44+s29+$0x0] =	vst.idx.add.f32.msk $0xffff, v29  }
0xb5: {  	[tilespmem:v45+s29+$0x0] =	vst.idx.add.f32.msk $0xffff, v30  }
0xb6: {  	v7 =	vld.idx.msk [tilespmem:v7+s21+$0x0], $0xffff  }
0xb7: {  	v3 =	vld.idx.msk [tilespmem:v3+s21+$0x0], $0xffff  }
0xb8: {  	v4 =	vld.idx.msk [tilespmem:v4+s21+$0x0], $0xffff  }
0xb9: {  	v5 =	vld.idx.msk [tilespmem:v5+s21+$0x0], $0xffff  }
0xba: {  	v6 =	vld.idx.msk [tilespmem:v6+s21+$0x0], $0xffff  }
0xbb: {  	v56 =	vld.idx.msk [tilespmem:v10+s21+$0x0], $0xffff  }
0xbc: {  	v57 =	vld.idx.msk [tilespmem:v11+s21+$0x0], $0xffff  }
0xbd: {  	v58 =	vld.idx.msk [tilespmem:v12+s21+$0x0], $0xffff  }
0xbe: {  	v59 =	vld.idx.msk [tilespmem:v13+s21+$0x0], $0xffff  }
0xbf: {  	v60 =	vld.idx.msk [tilespmem:v14+s21+$0x0], $0xffff  }
0xc0: {  	v61 =	vld.idx.msk [tilespmem:v15+s21+$0x0], $0xffff  }
0xc1: {  	v62 =	vld.idx.msk [tilespmem:v16+s21+$0x0], $0xffff  }
0xc2: {  	v63 =	vld.idx.msk [tilespmem:v17+s21+$0x0], $0xffff  }
0xc3: {  	[tilespmem:v33+s29+$0x0] =	vst.idx.add.f32.msk $0xffff, v9  }
0xc4: {  	[tilespmem:v8+s30+$0x0] =	vst.idx.add.f32.msk $0xffff, v7  }
0xc5: {  	v7 =	vld.idx.msk [tilespmem:v18+s20+$0x0], $0xffff  }
0xc6: {  	v8 =	vld.idx.msk [tilespmem:v1+s20+$0x0], $0xffff  }
0xc7: {  	v2 =	vld.idx.msk [tilespmem:v2+s21+$0x0], $0xffff  }
0xc8: {  	[tilespmem:v34+s30+$0x0] =	vst.idx.add.f32.msk $0xffff, v3  }
0xc9: {  	[tilespmem:v35+s30+$0x0] =	vst.idx.add.f32.msk $0xffff, v4  }
0xca: {  	[tilespmem:v36+s30+$0x0] =	vst.idx.add.f32.msk $0xffff, v5  }
0xcb: {  	[tilespmem:v37+s30+$0x0] =	vst.idx.add.f32.msk $0xffff, v6  }
0xcc: {  	[tilespmem:v38+s30+$0x0] =	vst.idx.add.f32.msk $0xffff, v56  }
0xcd: {  	[tilespmem:v39+s30+$0x0] =	vst.idx.add.f32.msk $0xffff, v57  }
0xce: {  	[tilespmem:v40+s30+$0x0] =	vst.idx.add.f32.msk $0xffff, v58  }
0xcf: {  	[tilespmem:v41+s30+$0x0] =	vst.idx.add.f32.msk $0xffff, v59  }
0xd0: {  	[tilespmem:v42+s30+$0x0] =	vst.idx.add.f32.msk $0xffff, v60  }
0xd1: {  	[tilespmem:v43+s30+$0x0] =	vst.idx.add.f32.msk $0xffff, v61  }
0xd2: {  	[tilespmem:v31+s29+$0x0] =	vst.idx.add.f32.msk $0xffff, v7  }
0xd3: {  	[tilespmem:v32+s29+$0x0] =	vst.idx.add.f32.msk $0xffff, v8  }
0xd4: {  	v7 =	vld.idx.msk [tilespmem:v18+s21+$0x0], $0xffff  }
0xd5: {  	v1 =	vld.idx.msk [tilespmem:v1+s21+$0x0], $0xffff  }
0xd6: {  	[tilespmem:v44+s30+$0x0] =	vst.idx.add.f32.msk $0xffff, v62  }
0xd7: {  	[tilespmem:v45+s30+$0x0] =	vst.idx.add.f32.msk $0xffff, v63  }
0xd8: {  	[tilespmem:v33+s30+$0x0] =	vst.idx.add.f32.msk $0xffff, v2  }
0xd9: {  	[tilespmem:v31+s30+$0x0] =	vst.idx.add.f32.msk $0xffff, v7  }
0xda: {  	s6 =	simm.s32 $0x0;
	s7 =	simm.s32 $0x13D80;
	[tilespmem:v32+s30+$0x0] =	vst.idx.add.f32.msk $0xffff, v1  }
.LBB2_5:
0xdb: {  	v16 =	vld [tilespmem:s7+$0x70];
	s6 =	sadd.s32 $0x10, s6  }
0xdc: {  	v1 =	vld [tilespmem:s7+$0xFFFFFF90];
	p0 =	slt.u32 s6, $0x180  }
0xdd: {  	v2 =	vld [tilespmem:s7+$0xFFFFFFA0]  }
0xde: {  	v3 =	vld [tilespmem:s7+$0xFFFFFFB0]  }
0xdf: {  	v4 =	vld [tilespmem:s7+$0xFFFFFFC0]  }
0xe0: {  	s5 =	sadd.s32 $0x100, s5;
	v5 =	vld [tilespmem:s7+$0xFFFFFFD0]  }
0xe1: {  	v17 =	vld [tilespmem:s5+$0x70]  }
0xe2: {  	v6 =	vld [tilespmem:s7+$0xFFFFFFE0]  }
0xe3: {  	v12 =	vld.idx.msk [tilespmem:v16+s2+$0x0], $0xffff  }
0xe4: {  	v7 =	vld [tilespmem:s7+$0xFFFFFFF0]  }
0xe5: {  	v8 =	vld [tilespmem:s7+$0x0]  }
0xe6: {  	v9 =	vld [tilespmem:s7+$0x10]  }
0xe7: {  	v10 =	vld [tilespmem:s7+$0x20]  }
0xe8: {  	v11 =	vld [tilespmem:s7+$0x30]  }
0xe9: {  	[tilespmem:v17+s26+$0x0] =	vst.idx.add.f32.msk $0xffff, v12  }
0xea: {  	v18 =	vld.idx.msk [tilespmem:v16+s19+$0x0], $0xffff  }
0xeb: {  	v12 =	vld [tilespmem:s7+$0x40]  }
0xec: {  	v13 =	vld [tilespmem:s7+$0x50]  }
0xed: {  	v14 =	vld [tilespmem:s7+$0x60]  }
0xee: {  	v15 =	vld [tilespmem:s7+$0xFFFFFF80]  }
0xef: {  	v31 =	vld.idx.msk [tilespmem:v1+s2+$0x0], $0xffff  }
0xf0: {  	[tilespmem:v17+s28+$0x0] =	vst.idx.add.f32.msk $0xffff, v18  }
0xf1: {  	v18 =	vld.idx.msk [tilespmem:v16+s20+$0x0], $0xffff  }
0xf2: {  	v32 =	vld.idx.msk [tilespmem:v2+s2+$0x0], $0xffff  }
0xf3: {  	v33 =	vld.idx.msk [tilespmem:v3+s2+$0x0], $0xffff  }
0xf4: {  	v34 =	vld.idx.msk [tilespmem:v4+s2+$0x0], $0xffff  }
0xf5: {  	v35 =	vld.idx.msk [tilespmem:v5+s2+$0x0], $0xffff  }
0xf6: {  	v36 =	vld.idx.msk [tilespmem:v15+s2+$0x0], $0xffff  }
0xf7: {  	[tilespmem:v17+s29+$0x0] =	vst.idx.add.f32.msk $0xffff, v18  }
0xf8: {  	v16 =	vld.idx.msk [tilespmem:v16+s21+$0x0], $0xffff  }
0xf9: {  	v37 =	vld.idx.msk [tilespmem:v6+s2+$0x0], $0xffff  }
0xfa: {  	v38 =	vld.idx.msk [tilespmem:v7+s2+$0x0], $0xffff  }
0xfb: {  	v39 =	vld.idx.msk [tilespmem:v8+s2+$0x0], $0xffff  }
0xfc: {  	v40 =	vld.idx.msk [tilespmem:v9+s2+$0x0], $0xffff  }
0xfd: {  	v41 =	vld.idx.msk [tilespmem:v10+s2+$0x0], $0xffff  }
0xfe: {  	[tilespmem:v17+s30+$0x0] =	vst.idx.add.f32.msk $0xffff, v16  }
0xff: {  	v42 =	vld.idx.msk [tilespmem:v11+s2+$0x0], $0xffff  }
0x100: {  	v43 =	vld.idx.msk [tilespmem:v12+s2+$0x0], $0xffff  }
0x101: {  	v44 =	vld.idx.msk [tilespmem:v13+s2+$0x0], $0xffff  }
0x102: {  	v45 =	vld.idx.msk [tilespmem:v14+s2+$0x0], $0xffff  }
0x103: {  	v16 =	vld [tilespmem:s5+$0xFFFFFF80]  }
0x104: {  	v17 =	vld [tilespmem:s5+$0xFFFFFF90]  }
0x105: {  	v18 =	vld [tilespmem:s5+$0xFFFFFFA0]  }
0x106: {  	v19 =	vld [tilespmem:s5+$0xFFFFFFB0]  }
0x107: {  	v20 =	vld [tilespmem:s5+$0xFFFFFFC0]  }
0x108: {  	v21 =	vld [tilespmem:s5+$0xFFFFFFD0]  }
0x109: {  	v22 =	vld [tilespmem:s5+$0xFFFFFFE0]  }
0x10a: {  	v23 =	vld [tilespmem:s5+$0xFFFFFFF0]  }
0x10b: {  	v24 =	vld [tilespmem:s5+$0x0]  }
0x10c: {  	v25 =	vld [tilespmem:s5+$0x10]  }
0x10d: {  	v26 =	vld [tilespmem:s5+$0x20]  }
0x10e: {  	v27 =	vld [tilespmem:s5+$0x30]  }
0x10f: {  	v28 =	vld [tilespmem:s5+$0x40]  }
0x110: {  	v29 =	vld [tilespmem:s5+$0x50]  }
0x111: {  	v30 =	vld [tilespmem:s5+$0x60]  }
0x112: {  	[tilespmem:v16+s26+$0x0] =	vst.idx.add.f32.msk $0xffff, v36  }
0x113: {  	[tilespmem:v17+s26+$0x0] =	vst.idx.add.f32.msk $0xffff, v31  }
0x114: {  	[tilespmem:v18+s26+$0x0] =	vst.idx.add.f32.msk $0xffff, v32  }
0x115: {  	[tilespmem:v19+s26+$0x0] =	vst.idx.add.f32.msk $0xffff, v33  }
0x116: {  	[tilespmem:v20+s26+$0x0] =	vst.idx.add.f32.msk $0xffff, v34  }
0x117: {  	[tilespmem:v21+s26+$0x0] =	vst.idx.add.f32.msk $0xffff, v35  }
0x118: {  	[tilespmem:v22+s26+$0x0] =	vst.idx.add.f32.msk $0xffff, v37  }
0x119: {  	[tilespmem:v23+s26+$0x0] =	vst.idx.add.f32.msk $0xffff, v38  }
0x11a: {  	[tilespmem:v24+s26+$0x0] =	vst.idx.add.f32.msk $0xffff, v39  }
0x11b: {  	[tilespmem:v25+s26+$0x0] =	vst.idx.add.f32.msk $0xffff, v40  }
0x11c: {  	[tilespmem:v26+s26+$0x0] =	vst.idx.add.f32.msk $0xffff, v41  }
0x11d: {  	[tilespmem:v27+s26+$0x0] =	vst.idx.add.f32.msk $0xffff, v42  }
0x11e: {  	[tilespmem:v28+s26+$0x0] =	vst.idx.add.f32.msk $0xffff, v43  }
0x11f: {  	[tilespmem:v29+s26+$0x0] =	vst.idx.add.f32.msk $0xffff, v44  }
0x120: {  	[tilespmem:v30+s26+$0x0] =	vst.idx.add.f32.msk $0xffff, v45  }
0x121: {  	v31 =	vld.idx.msk [tilespmem:v15+s19+$0x0], $0xffff  }
0x122: {  	v32 =	vld.idx.msk [tilespmem:v1+s19+$0x0], $0xffff  }
0x123: {  	v33 =	vld.idx.msk [tilespmem:v2+s19+$0x0], $0xffff  }
0x124: {  	v34 =	vld.idx.msk [tilespmem:v3+s19+$0x0], $0xffff  }
0x125: {  	v35 =	vld.idx.msk [tilespmem:v4+s19+$0x0], $0xffff  }
0x126: {  	v36 =	vld.idx.msk [tilespmem:v5+s19+$0x0], $0xffff  }
0x127: {  	v37 =	vld.idx.msk [tilespmem:v6+s19+$0x0], $0xffff  }
0x128: {  	v38 =	vld.idx.msk [tilespmem:v7+s19+$0x0], $0xffff  }
0x129: {  	v39 =	vld.idx.msk [tilespmem:v8+s19+$0x0], $0xffff  }
0x12a: {  	v40 =	vld.idx.msk [tilespmem:v9+s19+$0x0], $0xffff  }
0x12b: {  	v41 =	vld.idx.msk [tilespmem:v10+s19+$0x0], $0xffff  }
0x12c: {  	v42 =	vld.idx.msk [tilespmem:v11+s19+$0x0], $0xffff  }
0x12d: {  	v43 =	vld.idx.msk [tilespmem:v12+s19+$0x0], $0xffff  }
0x12e: {  	v44 =	vld.idx.msk [tilespmem:v13+s19+$0x0], $0xffff  }
0x12f: {  	v45 =	vld.idx.msk [tilespmem:v14+s19+$0x0], $0xffff  }
0x130: {  	[tilespmem:v16+s28+$0x0] =	vst.idx.add.f32.msk $0xffff, v31  }
0x131: {  	[tilespmem:v17+s28+$0x0] =	vst.idx.add.f32.msk $0xffff, v32  }
0x132: {  	[tilespmem:v18+s28+$0x0] =	vst.idx.add.f32.msk $0xffff, v33  }
0x133: {  	[tilespmem:v19+s28+$0x0] =	vst.idx.add.f32.msk $0xffff, v34  }
0x134: {  	[tilespmem:v20+s28+$0x0] =	vst.idx.add.f32.msk $0xffff, v35  }
0x135: {  	[tilespmem:v21+s28+$0x0] =	vst.idx.add.f32.msk $0xffff, v36  }
0x136: {  	[tilespmem:v22+s28+$0x0] =	vst.idx.add.f32.msk $0xffff, v37  }
0x137: {  	[tilespmem:v23+s28+$0x0] =	vst.idx.add.f32.msk $0xffff, v38  }
0x138: {  	[tilespmem:v24+s28+$0x0] =	vst.idx.add.f32.msk $0xffff, v39  }
0x139: {  	[tilespmem:v25+s28+$0x0] =	vst.idx.add.f32.msk $0xffff, v40  }
0x13a: {  	[tilespmem:v26+s28+$0x0] =	vst.idx.add.f32.msk $0xffff, v41  }
0x13b: {  	[tilespmem:v27+s28+$0x0] =	vst.idx.add.f32.msk $0xffff, v42  }
0x13c: {  	[tilespmem:v28+s28+$0x0] =	vst.idx.add.f32.msk $0xffff, v43  }
0x13d: {  	[tilespmem:v29+s28+$0x0] =	vst.idx.add.f32.msk $0xffff, v44  }
0x13e: {  	[tilespmem:v30+s28+$0x0] =	vst.idx.add.f32.msk $0xffff, v45  }
0x13f: {  	v31 =	vld.idx.msk [tilespmem:v15+s20+$0x0], $0xffff  }
0x140: {  	v32 =	vld.idx.msk [tilespmem:v1+s20+$0x0], $0xffff  }
0x141: {  	v33 =	vld.idx.msk [tilespmem:v2+s20+$0x0], $0xffff  }
0x142: {  	v34 =	vld.idx.msk [tilespmem:v3+s20+$0x0], $0xffff  }
0x143: {  	v35 =	vld.idx.msk [tilespmem:v4+s20+$0x0], $0xffff  }
0x144: {  	v36 =	vld.idx.msk [tilespmem:v5+s20+$0x0], $0xffff  }
0x145: {  	v37 =	vld.idx.msk [tilespmem:v6+s20+$0x0], $0xffff  }
0x146: {  	v38 =	vld.idx.msk [tilespmem:v7+s20+$0x0], $0xffff  }
0x147: {  	v39 =	vld.idx.msk [tilespmem:v8+s20+$0x0], $0xffff  }
0x148: {  	v40 =	vld.idx.msk [tilespmem:v9+s20+$0x0], $0xffff  }
0x149: {  	v41 =	vld.idx.msk [tilespmem:v10+s20+$0x0], $0xffff  }
0x14a: {  	v42 =	vld.idx.msk [tilespmem:v11+s20+$0x0], $0xffff  }
0x14b: {  	v43 =	vld.idx.msk [tilespmem:v12+s20+$0x0], $0xffff  }
0x14c: {  	v44 =	vld.idx.msk [tilespmem:v13+s20+$0x0], $0xffff  }
0x14d: {  	v45 =	vld.idx.msk [tilespmem:v14+s20+$0x0], $0xffff  }
0x14e: {  	[tilespmem:v16+s29+$0x0] =	vst.idx.add.f32.msk $0xffff, v31  }
0x14f: {  	[tilespmem:v17+s29+$0x0] =	vst.idx.add.f32.msk $0xffff, v32  }
0x150: {  	[tilespmem:v18+s29+$0x0] =	vst.idx.add.f32.msk $0xffff, v33  }
0x151: {  	[tilespmem:v19+s29+$0x0] =	vst.idx.add.f32.msk $0xffff, v34  }
0x152: {  	[tilespmem:v20+s29+$0x0] =	vst.idx.add.f32.msk $0xffff, v35  }
0x153: {  	[tilespmem:v21+s29+$0x0] =	vst.idx.add.f32.msk $0xffff, v36  }
0x154: {  	[tilespmem:v22+s29+$0x0] =	vst.idx.add.f32.msk $0xffff, v37  }
0x155: {  	[tilespmem:v23+s29+$0x0] =	vst.idx.add.f32.msk $0xffff, v38  }
0x156: {  	[tilespmem:v24+s29+$0x0] =	vst.idx.add.f32.msk $0xffff, v39  }
0x157: {  	[tilespmem:v25+s29+$0x0] =	vst.idx.add.f32.msk $0xffff, v40  }
0x158: {  	[tilespmem:v26+s29+$0x0] =	vst.idx.add.f32.msk $0xffff, v41  }
0x159: {  	[tilespmem:v27+s29+$0x0] =	vst.idx.add.f32.msk $0xffff, v42  }
0x15a: {  	[tilespmem:v28+s29+$0x0] =	vst.idx.add.f32.msk $0xffff, v43  }
0x15b: {  	[tilespmem:v29+s29+$0x0] =	vst.idx.add.f32.msk $0xffff, v44  }
0x15c: {  	[tilespmem:v30+s29+$0x0] =	vst.idx.add.f32.msk $0xffff, v45  }
0x15d: {  	v15 =	vld.idx.msk [tilespmem:v15+s21+$0x0], $0xffff  }
0x15e: {  	v1 =	vld.idx.msk [tilespmem:v1+s21+$0x0], $0xffff  }
0x15f: {  	v2 =	vld.idx.msk [tilespmem:v2+s21+$0x0], $0xffff  }
0x160: {  	v3 =	vld.idx.msk [tilespmem:v3+s21+$0x0], $0xffff  }
0x161: {  	v4 =	vld.idx.msk [tilespmem:v4+s21+$0x0], $0xffff  }
0x162: {  	v5 =	vld.idx.msk [tilespmem:v5+s21+$0x0], $0xffff  }
0x163: {  	v6 =	vld.idx.msk [tilespmem:v6+s21+$0x0], $0xffff  }
0x164: {  	v7 =	vld.idx.msk [tilespmem:v7+s21+$0x0], $0xffff  }
0x165: {  	v8 =	vld.idx.msk [tilespmem:v8+s21+$0x0], $0xffff  }
0x166: {  	v9 =	vld.idx.msk [tilespmem:v9+s21+$0x0], $0xffff  }
0x167: {  	v10 =	vld.idx.msk [tilespmem:v10+s21+$0x0], $0xffff  }
0x168: {  	v11 =	vld.idx.msk [tilespmem:v11+s21+$0x0], $0xffff  }
0x169: {  	v12 =	vld.idx.msk [tilespmem:v12+s21+$0x0], $0xffff  }
0x16a: {  	v13 =	vld.idx.msk [tilespmem:v13+s21+$0x0], $0xffff  }
0x16b: {  	v14 =	vld.idx.msk [tilespmem:v14+s21+$0x0], $0xffff  }
0x16c: {  	[tilespmem:v16+s30+$0x0] =	vst.idx.add.f32.msk $0xffff, v15  }
0x16d: {  	[tilespmem:v17+s30+$0x0] =	vst.idx.add.f32.msk $0xffff, v1  }
0x16e: {  	[tilespmem:v18+s30+$0x0] =	vst.idx.add.f32.msk $0xffff, v2  }
0x16f: {  	[tilespmem:v19+s30+$0x0] =	vst.idx.add.f32.msk $0xffff, v3  }
0x170: {  	[tilespmem:v20+s30+$0x0] =	vst.idx.add.f32.msk $0xffff, v4  }
0x171: {  	[tilespmem:v21+s30+$0x0] =	vst.idx.add.f32.msk $0xffff, v5  }
0x172: {  	[tilespmem:v22+s30+$0x0] =	vst.idx.add.f32.msk $0xffff, v6  }
0x173: {  	[tilespmem:v23+s30+$0x0] =	vst.idx.add.f32.msk $0xffff, v7  }
0x174: {  	[tilespmem:v24+s30+$0x0] =	vst.idx.add.f32.msk $0xffff, v8  }
0x175: {  	[tilespmem:v25+s30+$0x0] =	vst.idx.add.f32.msk $0xffff, v9  }
.Ltmp1:
0x176: {  	[tilespmem:v26+s30+$0x0] =	vst.idx.add.f32.msk $0xffff, v10;
	(pc) =	sbr.rel @p0 .LBB2_5-.Ltmp1, $4  }
0x177: {  	[tilespmem:v27+s30+$0x0] =	vst.idx.add.f32.msk $0xffff, v11  }
0x178: {  	[tilespmem:v28+s30+$0x0] =	vst.idx.add.f32.msk $0xffff, v12  }
0x179: {  	[tilespmem:v29+s30+$0x0] =	vst.idx.add.f32.msk $0xffff, v13  }
0x17a: {  	s7 =	sadd.s32 $0x100, s7;
	[tilespmem:v30+s30+$0x0] =	vst.idx.add.f32.msk $0xffff, v14  }
0x17b: {  	p0 =	seq.s32 s14, $0x18  }
0x17c: {  	s5 =	sshrl.u32 @!p0 s15, $0x3  }
0x17d: {  	s5 =	sadd.s32 @!p0 $0x640, s5  }
0x17e: {  	s7 =	simm.s32 @!p0 $0x0;
	s15 =	simm.s32 @!p0 $0x13C00;
	s6 =	sadd.s32 @!p0 s3, s5  }
0x17f: {  	[tilespmem:s15], [sflag:$0x1] =	stream.linear.gather @!p0 [hbm4b:s6+s7], $0x1900, $0x38;
	[tilespmem:$0x1A000] =	vst v63  }
0x180: {  	s5 =	sadd.s32 @!p0 s4, s5;
	s6 =	simm.s32 @!p0 $0x15500  }
0x181: {  	[tilespmem:s6], [sflag:$0x2] =	stream.linear.gather @!p0 [hbm4b:s5+s7], $0x1900, $0x38;
	[tilespmem:$0x1A000] =	vst v63  }
0x182: {  	_ =	swait.ge [sflag:s31], $0x1900  }
0x183: {  	[sflag:s31] =	ssyncset.done $0x0  }
0x184: {  	[sflag:s31] =	ssyncadd.s32 $0xFFFFE700  }
0x185: {  	_ =	swait.ge [sflag:s0], $0x1900  }
0x186: {  	[sflag:s0] =	ssyncset.done $0x0  }
0x187: {  	s15 =	simm.s32 $0x16E80;
	[sflag:s0] =	ssyncadd.s32 $0xFFFFE700  }
0x188: {  	v7 =	vld [tilespmem:s15+$0x70]  }
0x189: {  	v1 =	vld [tilespmem:s15+$0xFFFFFF90]  }
0x18a: {  	v2 =	vld [tilespmem:s15+$0xFFFFFFA0]  }
0x18b: {  	v3 =	vld [tilespmem:s15+$0xFFFFFFB0]  }
0x18c: {  	v4 =	vld [tilespmem:s15+$0xFFFFFFC0]  }
0x18d: {  	s5 =	simm.s32 $0x18780;
	v5 =	vld [tilespmem:s15+$0xFFFFFFD0]  }
0x18e: {  	v8 =	vld [tilespmem:s5+$0x70]  }
0x18f: {  	v6 =	vld [tilespmem:s15+$0xFFFFFFE0]  }
0x190: {  	v10 =	vld [tilespmem:s15+$0xFFFFFFF0]  }
0x191: {  	v11 =	vld [tilespmem:s15+$0x0]  }
0x192: {  	v12 =	vld [tilespmem:s15+$0x10]  }
0x193: {  	v13 =	vld [tilespmem:s15+$0x20]  }
0x194: {  	v14 =	vld [tilespmem:s15+$0x30]  }
0x195: {  	v15 =	vld [tilespmem:s15+$0x40]  }
0x196: {  	v16 =	vld [tilespmem:s15+$0x50]  }
0x197: {  	v17 =	vld [tilespmem:s15+$0x60]  }
0x198: {  	v18 =	vld [tilespmem:s15+$0xFFFFFF80]  }
0x199: {  	v31 =	vld [tilespmem:s5+$0xFFFFFF80]  }
0x19a: {  	v32 =	vld [tilespmem:s5+$0xFFFFFF90]  }
0x19b: {  	v33 =	vld [tilespmem:s5+$0xFFFFFFA0]  }
0x19c: {  	v34 =	vld [tilespmem:s5+$0xFFFFFFB0]  }
0x19d: {  	v35 =	vld [tilespmem:s5+$0xFFFFFFC0]  }
0x19e: {  	v36 =	vld [tilespmem:s5+$0xFFFFFFD0]  }
0x19f: {  	v37 =	vld [tilespmem:s5+$0xFFFFFFE0]  }
0x1a0: {  	v38 =	vld [tilespmem:s5+$0xFFFFFFF0]  }
0x1a1: {  	v39 =	vld [tilespmem:s5+$0x0]  }
0x1a2: {  	v40 =	vld [tilespmem:s5+$0x10]  }
0x1a3: {  	v41 =	vld [tilespmem:s5+$0x20]  }
0x1a4: {  	v42 =	vld [tilespmem:s5+$0x30]  }
0x1a5: {  	v43 =	vld [tilespmem:s5+$0x40]  }
0x1a6: {  	v44 =	vld [tilespmem:s5+$0x50]  }
0x1a7: {  	v45 =	vld [tilespmem:s5+$0x60]  }
0x1a8: {  	v9 =	vld.idx.msk [tilespmem:v7+s2+$0x0], $0xffff  }
0x1a9: {  	v19 =	vld.idx.msk [tilespmem:v1+s2+$0x0], $0xffff  }
0x1aa: {  	v20 =	vld.idx.msk [tilespmem:v2+s2+$0x0], $0xffff  }
0x1ab: {  	v21 =	vld.idx.msk [tilespmem:v3+s2+$0x0], $0xffff  }
0x1ac: {  	v22 =	vld.idx.msk [tilespmem:v4+s2+$0x0], $0xffff  }
0x1ad: {  	v23 =	vld.idx.msk [tilespmem:v5+s2+$0x0], $0xffff  }
0x1ae: {  	v24 =	vld.idx.msk [tilespmem:v18+s2+$0x0], $0xffff  }
0x1af: {  	v58 =	vld.idx.msk [tilespmem:v6+s2+$0x0], $0xffff  }
0x1b0: {  	v25 =	vld.idx.msk [tilespmem:v10+s2+$0x0], $0xffff  }
0x1b1: {  	v26 =	vld.idx.msk [tilespmem:v11+s2+$0x0], $0xffff  }
0x1b2: {  	v27 =	vld.idx.msk [tilespmem:v12+s2+$0x0], $0xffff  }
0x1b3: {  	v28 =	vld.idx.msk [tilespmem:v13+s2+$0x0], $0xffff  }
0x1b4: {  	v59 =	vld.idx.msk [tilespmem:v14+s2+$0x0], $0xffff  }
0x1b5: {  	v60 =	vld.idx.msk [tilespmem:v15+s2+$0x0], $0xffff  }
0x1b6: {  	v29 =	vld.idx.msk [tilespmem:v16+s2+$0x0], $0xffff  }
0x1b7: {  	v30 =	vld.idx.msk [tilespmem:v17+s2+$0x0], $0xffff  }
0x1b8: {  	[tilespmem:v8+s26+$0x0] =	vst.idx.add.f32.msk $0xffff, v9  }
0x1b9: {  	[tilespmem:v31+s26+$0x0] =	vst.idx.add.f32.msk $0xffff, v24  }
0x1ba: {  	[tilespmem:v32+s26+$0x0] =	vst.idx.add.f32.msk $0xffff, v19  }
0x1bb: {  	[tilespmem:v33+s26+$0x0] =	vst.idx.add.f32.msk $0xffff, v20  }
0x1bc: {  	[tilespmem:v34+s26+$0x0] =	vst.idx.add.f32.msk $0xffff, v21  }
0x1bd: {  	[tilespmem:v35+s26+$0x0] =	vst.idx.add.f32.msk $0xffff, v22  }
0x1be: {  	[tilespmem:v36+s26+$0x0] =	vst.idx.add.f32.msk $0xffff, v23  }
0x1bf: {  	[tilespmem:v37+s26+$0x0] =	vst.idx.add.f32.msk $0xffff, v58  }
0x1c0: {  	[tilespmem:v38+s26+$0x0] =	vst.idx.add.f32.msk $0xffff, v25  }
0x1c1: {  	[tilespmem:v39+s26+$0x0] =	vst.idx.add.f32.msk $0xffff, v26  }
0x1c2: {  	[tilespmem:v40+s26+$0x0] =	vst.idx.add.f32.msk $0xffff, v27  }
0x1c3: {  	[tilespmem:v41+s26+$0x0] =	vst.idx.add.f32.msk $0xffff, v28  }
0x1c4: {  	[tilespmem:v42+s26+$0x0] =	vst.idx.add.f32.msk $0xffff, v59  }
0x1c5: {  	[tilespmem:v43+s26+$0x0] =	vst.idx.add.f32.msk $0xffff, v60  }
0x1c6: {  	[tilespmem:v44+s26+$0x0] =	vst.idx.add.f32.msk $0xffff, v29  }
0x1c7: {  	[tilespmem:v45+s26+$0x0] =	vst.idx.add.f32.msk $0xffff, v30  }
0x1c8: {  	v9 =	vld.idx.msk [tilespmem:v7+s19+$0x0], $0xffff  }
0x1c9: {  	v61 =	vld.idx.msk [tilespmem:v18+s19+$0x0], $0xffff  }
0x1ca: {  	v62 =	vld.idx.msk [tilespmem:v1+s19+$0x0], $0xffff  }
0x1cb: {  	v63 =	vld.idx.msk [tilespmem:v2+s19+$0x0], $0xffff  }
0x1cc: {  	v46 =	vld.idx.msk [tilespmem:v3+s19+$0x0], $0xffff  }
0x1cd: {  	v47 =	vld.idx.msk [tilespmem:v4+s19+$0x0], $0xffff  }
0x1ce: {  	v48 =	vld.idx.msk [tilespmem:v5+s19+$0x0], $0xffff  }
0x1cf: {  	v49 =	vld.idx.msk [tilespmem:v6+s19+$0x0], $0xffff  }
0x1d0: {  	v50 =	vld.idx.msk [tilespmem:v10+s19+$0x0], $0xffff  }
0x1d1: {  	v51 =	vld.idx.msk [tilespmem:v11+s19+$0x0], $0xffff  }
0x1d2: {  	v52 =	vld.idx.msk [tilespmem:v12+s19+$0x0], $0xffff  }
0x1d3: {  	v53 =	vld.idx.msk [tilespmem:v13+s19+$0x0], $0xffff  }
0x1d4: {  	v54 =	vld.idx.msk [tilespmem:v14+s19+$0x0], $0xffff  }
0x1d5: {  	v55 =	vld.idx.msk [tilespmem:v15+s19+$0x0], $0xffff  }
0x1d6: {  	v29 =	vld.idx.msk [tilespmem:v16+s19+$0x0], $0xffff  }
0x1d7: {  	v30 =	vld.idx.msk [tilespmem:v17+s19+$0x0], $0xffff  }
0x1d8: {  	[tilespmem:v8+s28+$0x0] =	vst.idx.add.f32.msk $0xffff, v9  }
0x1d9: {  	[tilespmem:v31+s28+$0x0] =	vst.idx.add.f32.msk $0xffff, v61  }
0x1da: {  	[tilespmem:v32+s28+$0x0] =	vst.idx.add.f32.msk $0xffff, v62  }
0x1db: {  	[tilespmem:v33+s28+$0x0] =	vst.idx.add.f32.msk $0xffff, v63  }
0x1dc: {  	[tilespmem:v34+s28+$0x0] =	vst.idx.add.f32.msk $0xffff, v46  }
0x1dd: {  	[tilespmem:v35+s28+$0x0] =	vst.idx.add.f32.msk $0xffff, v47  }
0x1de: {  	[tilespmem:v36+s28+$0x0] =	vst.idx.add.f32.msk $0xffff, v48  }
0x1df: {  	[tilespmem:v37+s28+$0x0] =	vst.idx.add.f32.msk $0xffff, v49  }
0x1e0: {  	[tilespmem:v38+s28+$0x0] =	vst.idx.add.f32.msk $0xffff, v50  }
0x1e1: {  	[tilespmem:v39+s28+$0x0] =	vst.idx.add.f32.msk $0xffff, v51  }
0x1e2: {  	[tilespmem:v40+s28+$0x0] =	vst.idx.add.f32.msk $0xffff, v52  }
0x1e3: {  	[tilespmem:v41+s28+$0x0] =	vst.idx.add.f32.msk $0xffff, v53  }
0x1e4: {  	[tilespmem:v42+s28+$0x0] =	vst.idx.add.f32.msk $0xffff, v54  }
0x1e5: {  	[tilespmem:v43+s28+$0x0] =	vst.idx.add.f32.msk $0xffff, v55  }
0x1e6: {  	[tilespmem:v44+s28+$0x0] =	vst.idx.add.f32.msk $0xffff, v29  }
0x1e7: {  	[tilespmem:v45+s28+$0x0] =	vst.idx.add.f32.msk $0xffff, v30  }
0x1e8: {  	v9 =	vld.idx.msk [tilespmem:v7+s20+$0x0], $0xffff  }
0x1e9: {  	v19 =	vld.idx.msk [tilespmem:v3+s20+$0x0], $0xffff  }
0x1ea: {  	v20 =	vld.idx.msk [tilespmem:v4+s20+$0x0], $0xffff  }
0x1eb: {  	v21 =	vld.idx.msk [tilespmem:v5+s20+$0x0], $0xffff  }
0x1ec: {  	v22 =	vld.idx.msk [tilespmem:v6+s20+$0x0], $0xffff  }
0x1ed: {  	v23 =	vld.idx.msk [tilespmem:v10+s20+$0x0], $0xffff  }
0x1ee: {  	v24 =	vld.idx.msk [tilespmem:v11+s20+$0x0], $0xffff  }
0x1ef: {  	v25 =	vld.idx.msk [tilespmem:v12+s20+$0x0], $0xffff  }
0x1f0: {  	v26 =	vld.idx.msk [tilespmem:v13+s20+$0x0], $0xffff  }
0x1f1: {  	v27 =	vld.idx.msk [tilespmem:v14+s20+$0x0], $0xffff  }
0x1f2: {  	v28 =	vld.idx.msk [tilespmem:v15+s20+$0x0], $0xffff  }
0x1f3: {  	v29 =	vld.idx.msk [tilespmem:v16+s20+$0x0], $0xffff  }
0x1f4: {  	v30 =	vld.idx.msk [tilespmem:v17+s20+$0x0], $0xffff  }
0x1f5: {  	[tilespmem:v8+s29+$0x0] =	vst.idx.add.f32.msk $0xffff, v9  }
0x1f6: {  	v9 =	vld.idx.msk [tilespmem:v2+s20+$0x0], $0xffff  }
0x1f7: {  	[tilespmem:v34+s29+$0x0] =	vst.idx.add.f32.msk $0xffff, v19  }
0x1f8: {  	[tilespmem:v35+s29+$0x0] =	vst.idx.add.f32.msk $0xffff, v20  }
0x1f9: {  	[tilespmem:v36+s29+$0x0] =	vst.idx.add.f32.msk $0xffff, v21  }
0x1fa: {  	[tilespmem:v37+s29+$0x0] =	vst.idx.add.f32.msk $0xffff, v22  }
0x1fb: {  	[tilespmem:v38+s29+$0x0] =	vst.idx.add.f32.msk $0xffff, v23  }
0x1fc: {  	[tilespmem:v39+s29+$0x0] =	vst.idx.add.f32.msk $0xffff, v24  }
0x1fd: {  	[tilespmem:v40+s29+$0x0] =	vst.idx.add.f32.msk $0xffff, v25  }
0x1fe: {  	[tilespmem:v41+s29+$0x0] =	vst.idx.add.f32.msk $0xffff, v26  }
0x1ff: {  	[tilespmem:v42+s29+$0x0] =	vst.idx.add.f32.msk $0xffff, v27  }
0x200: {  	[tilespmem:v43+s29+$0x0] =	vst.idx.add.f32.msk $0xffff, v28  }
0x201: {  	[tilespmem:v44+s29+$0x0] =	vst.idx.add.f32.msk $0xffff, v29  }
0x202: {  	[tilespmem:v45+s29+$0x0] =	vst.idx.add.f32.msk $0xffff, v30  }
0x203: {  	v7 =	vld.idx.msk [tilespmem:v7+s21+$0x0], $0xffff  }
0x204: {  	v3 =	vld.idx.msk [tilespmem:v3+s21+$0x0], $0xffff  }
0x205: {  	v4 =	vld.idx.msk [tilespmem:v4+s21+$0x0], $0xffff  }
0x206: {  	v5 =	vld.idx.msk [tilespmem:v5+s21+$0x0], $0xffff  }
0x207: {  	v6 =	vld.idx.msk [tilespmem:v6+s21+$0x0], $0xffff  }
0x208: {  	v56 =	vld.idx.msk [tilespmem:v10+s21+$0x0], $0xffff  }
0x209: {  	v57 =	vld.idx.msk [tilespmem:v11+s21+$0x0], $0xffff  }
0x20a: {  	v58 =	vld.idx.msk [tilespmem:v12+s21+$0x0], $0xffff  }
0x20b: {  	v59 =	vld.idx.msk [tilespmem:v13+s21+$0x0], $0xffff  }
0x20c: {  	v60 =	vld.idx.msk [tilespmem:v14+s21+$0x0], $0xffff  }
0x20d: {  	v61 =	vld.idx.msk [tilespmem:v15+s21+$0x0], $0xffff  }
0x20e: {  	v62 =	vld.idx.msk [tilespmem:v16+s21+$0x0], $0xffff  }
0x20f: {  	v63 =	vld.idx.msk [tilespmem:v17+s21+$0x0], $0xffff  }
0x210: {  	[tilespmem:v33+s29+$0x0] =	vst.idx.add.f32.msk $0xffff, v9  }
0x211: {  	[tilespmem:v8+s30+$0x0] =	vst.idx.add.f32.msk $0xffff, v7  }
0x212: {  	v7 =	vld.idx.msk [tilespmem:v18+s20+$0x0], $0xffff  }
0x213: {  	v8 =	vld.idx.msk [tilespmem:v1+s20+$0x0], $0xffff  }
0x214: {  	v2 =	vld.idx.msk [tilespmem:v2+s21+$0x0], $0xffff  }
0x215: {  	[tilespmem:v34+s30+$0x0] =	vst.idx.add.f32.msk $0xffff, v3  }
0x216: {  	[tilespmem:v35+s30+$0x0] =	vst.idx.add.f32.msk $0xffff, v4  }
0x217: {  	[tilespmem:v36+s30+$0x0] =	vst.idx.add.f32.msk $0xffff, v5  }
0x218: {  	[tilespmem:v37+s30+$0x0] =	vst.idx.add.f32.msk $0xffff, v6  }
0x219: {  	[tilespmem:v38+s30+$0x0] =	vst.idx.add.f32.msk $0xffff, v56  }
0x21a: {  	[tilespmem:v39+s30+$0x0] =	vst.idx.add.f32.msk $0xffff, v57  }
0x21b: {  	[tilespmem:v40+s30+$0x0] =	vst.idx.add.f32.msk $0xffff, v58  }
0x21c: {  	[tilespmem:v41+s30+$0x0] =	vst.idx.add.f32.msk $0xffff, v59  }
0x21d: {  	[tilespmem:v42+s30+$0x0] =	vst.idx.add.f32.msk $0xffff, v60  }
0x21e: {  	[tilespmem:v43+s30+$0x0] =	vst.idx.add.f32.msk $0xffff, v61  }
0x21f: {  	[tilespmem:v31+s29+$0x0] =	vst.idx.add.f32.msk $0xffff, v7  }
0x220: {  	[tilespmem:v32+s29+$0x0] =	vst.idx.add.f32.msk $0xffff, v8  }
0x221: {  	v7 =	vld.idx.msk [tilespmem:v18+s21+$0x0], $0xffff  }
0x222: {  	v1 =	vld.idx.msk [tilespmem:v1+s21+$0x0], $0xffff  }
0x223: {  	[tilespmem:v44+s30+$0x0] =	vst.idx.add.f32.msk $0xffff, v62  }
0x224: {  	[tilespmem:v45+s30+$0x0] =	vst.idx.add.f32.msk $0xffff, v63  }
0x225: {  	[tilespmem:v33+s30+$0x0] =	vst.idx.add.f32.msk $0xffff, v2  }
0x226: {  	[tilespmem:v31+s30+$0x0] =	vst.idx.add.f32.msk $0xffff, v7  }
0x227: {  	s6 =	simm.s32 $0x0;
	s7 =	simm.s32 $0x16F80;
	[tilespmem:v32+s30+$0x0] =	vst.idx.add.f32.msk $0xffff, v1  }
.LBB2_7:
0x228: {  	v16 =	vld [tilespmem:s7+$0x70];
	s6 =	sadd.s32 $0x10, s6  }
0x229: {  	v1 =	vld [tilespmem:s7+$0xFFFFFF90];
	p0 =	slt.u32 s6, $0x180  }
0x22a: {  	v2 =	vld [tilespmem:s7+$0xFFFFFFA0]  }
0x22b: {  	v3 =	vld [tilespmem:s7+$0xFFFFFFB0]  }
0x22c: {  	v4 =	vld [tilespmem:s7+$0xFFFFFFC0]  }
0x22d: {  	s5 =	sadd.s32 $0x100, s5;
	v5 =	vld [tilespmem:s7+$0xFFFFFFD0]  }
0x22e: {  	v17 =	vld [tilespmem:s5+$0x70]  }
0x22f: {  	v6 =	vld [tilespmem:s7+$0xFFFFFFE0]  }
0x230: {  	v12 =	vld.idx.msk [tilespmem:v16+s2+$0x0], $0xffff  }
0x231: {  	v7 =	vld [tilespmem:s7+$0xFFFFFFF0]  }
0x232: {  	v8 =	vld [tilespmem:s7+$0x0]  }
0x233: {  	v9 =	vld [tilespmem:s7+$0x10]  }
0x234: {  	v10 =	vld [tilespmem:s7+$0x20]  }
0x235: {  	v11 =	vld [tilespmem:s7+$0x30]  }
0x236: {  	[tilespmem:v17+s26+$0x0] =	vst.idx.add.f32.msk $0xffff, v12  }
0x237: {  	v18 =	vld.idx.msk [tilespmem:v16+s19+$0x0], $0xffff  }
0x238: {  	v12 =	vld [tilespmem:s7+$0x40]  }
0x239: {  	v13 =	vld [tilespmem:s7+$0x50]  }
0x23a: {  	v14 =	vld [tilespmem:s7+$0x60]  }
0x23b: {  	v15 =	vld [tilespmem:s7+$0xFFFFFF80]  }
0x23c: {  	v31 =	vld.idx.msk [tilespmem:v1+s2+$0x0], $0xffff  }
0x23d: {  	[tilespmem:v17+s28+$0x0] =	vst.idx.add.f32.msk $0xffff, v18  }
0x23e: {  	v18 =	vld.idx.msk [tilespmem:v16+s20+$0x0], $0xffff  }
0x23f: {  	v32 =	vld.idx.msk [tilespmem:v2+s2+$0x0], $0xffff  }
0x240: {  	v33 =	vld.idx.msk [tilespmem:v3+s2+$0x0], $0xffff  }
0x241: {  	v34 =	vld.idx.msk [tilespmem:v4+s2+$0x0], $0xffff  }
0x242: {  	v35 =	vld.idx.msk [tilespmem:v5+s2+$0x0], $0xffff  }
0x243: {  	v36 =	vld.idx.msk [tilespmem:v15+s2+$0x0], $0xffff  }
0x244: {  	[tilespmem:v17+s29+$0x0] =	vst.idx.add.f32.msk $0xffff, v18  }
0x245: {  	v16 =	vld.idx.msk [tilespmem:v16+s21+$0x0], $0xffff  }
0x246: {  	v37 =	vld.idx.msk [tilespmem:v6+s2+$0x0], $0xffff  }
0x247: {  	v38 =	vld.idx.msk [tilespmem:v7+s2+$0x0], $0xffff  }
0x248: {  	v39 =	vld.idx.msk [tilespmem:v8+s2+$0x0], $0xffff  }
0x249: {  	v40 =	vld.idx.msk [tilespmem:v9+s2+$0x0], $0xffff  }
0x24a: {  	v41 =	vld.idx.msk [tilespmem:v10+s2+$0x0], $0xffff  }
0x24b: {  	[tilespmem:v17+s30+$0x0] =	vst.idx.add.f32.msk $0xffff, v16  }
0x24c: {  	v42 =	vld.idx.msk [tilespmem:v11+s2+$0x0], $0xffff  }
0x24d: {  	v43 =	vld.idx.msk [tilespmem:v12+s2+$0x0], $0xffff  }
0x24e: {  	v44 =	vld.idx.msk [tilespmem:v13+s2+$0x0], $0xffff  }
0x24f: {  	v45 =	vld.idx.msk [tilespmem:v14+s2+$0x0], $0xffff  }
0x250: {  	v16 =	vld [tilespmem:s5+$0xFFFFFF80]  }
0x251: {  	v17 =	vld [tilespmem:s5+$0xFFFFFF90]  }
0x252: {  	v18 =	vld [tilespmem:s5+$0xFFFFFFA0]  }
0x253: {  	v19 =	vld [tilespmem:s5+$0xFFFFFFB0]  }
0x254: {  	v20 =	vld [tilespmem:s5+$0xFFFFFFC0]  }
0x255: {  	v21 =	vld [tilespmem:s5+$0xFFFFFFD0]  }
0x256: {  	v22 =	vld [tilespmem:s5+$0xFFFFFFE0]  }
0x257: {  	v23 =	vld [tilespmem:s5+$0xFFFFFFF0]  }
0x258: {  	v24 =	vld [tilespmem:s5+$0x0]  }
0x259: {  	v25 =	vld [tilespmem:s5+$0x10]  }
0x25a: {  	v26 =	vld [tilespmem:s5+$0x20]  }
0x25b: {  	v27 =	vld [tilespmem:s5+$0x30]  }
0x25c: {  	v28 =	vld [tilespmem:s5+$0x40]  }
0x25d: {  	v29 =	vld [tilespmem:s5+$0x50]  }
0x25e: {  	v30 =	vld [tilespmem:s5+$0x60]  }
0x25f: {  	[tilespmem:v16+s26+$0x0] =	vst.idx.add.f32.msk $0xffff, v36  }
0x260: {  	[tilespmem:v17+s26+$0x0] =	vst.idx.add.f32.msk $0xffff, v31  }
0x261: {  	[tilespmem:v18+s26+$0x0] =	vst.idx.add.f32.msk $0xffff, v32  }
0x262: {  	[tilespmem:v19+s26+$0x0] =	vst.idx.add.f32.msk $0xffff, v33  }
0x263: {  	[tilespmem:v20+s26+$0x0] =	vst.idx.add.f32.msk $0xffff, v34  }
0x264: {  	[tilespmem:v21+s26+$0x0] =	vst.idx.add.f32.msk $0xffff, v35  }
0x265: {  	[tilespmem:v22+s26+$0x0] =	vst.idx.add.f32.msk $0xffff, v37  }
0x266: {  	[tilespmem:v23+s26+$0x0] =	vst.idx.add.f32.msk $0xffff, v38  }
0x267: {  	[tilespmem:v24+s26+$0x0] =	vst.idx.add.f32.msk $0xffff, v39  }
0x268: {  	[tilespmem:v25+s26+$0x0] =	vst.idx.add.f32.msk $0xffff, v40  }
0x269: {  	[tilespmem:v26+s26+$0x0] =	vst.idx.add.f32.msk $0xffff, v41  }
0x26a: {  	[tilespmem:v27+s26+$0x0] =	vst.idx.add.f32.msk $0xffff, v42  }
0x26b: {  	[tilespmem:v28+s26+$0x0] =	vst.idx.add.f32.msk $0xffff, v43  }
0x26c: {  	[tilespmem:v29+s26+$0x0] =	vst.idx.add.f32.msk $0xffff, v44  }
0x26d: {  	[tilespmem:v30+s26+$0x0] =	vst.idx.add.f32.msk $0xffff, v45  }
0x26e: {  	v31 =	vld.idx.msk [tilespmem:v15+s19+$0x0], $0xffff  }
0x26f: {  	v32 =	vld.idx.msk [tilespmem:v1+s19+$0x0], $0xffff  }
0x270: {  	v33 =	vld.idx.msk [tilespmem:v2+s19+$0x0], $0xffff  }
0x271: {  	v34 =	vld.idx.msk [tilespmem:v3+s19+$0x0], $0xffff  }
0x272: {  	v35 =	vld.idx.msk [tilespmem:v4+s19+$0x0], $0xffff  }
0x273: {  	v36 =	vld.idx.msk [tilespmem:v5+s19+$0x0], $0xffff  }
0x274: {  	v37 =	vld.idx.msk [tilespmem:v6+s19+$0x0], $0xffff  }
0x275: {  	v38 =	vld.idx.msk [tilespmem:v7+s19+$0x0], $0xffff  }
0x276: {  	v39 =	vld.idx.msk [tilespmem:v8+s19+$0x0], $0xffff  }
0x277: {  	v40 =	vld.idx.msk [tilespmem:v9+s19+$0x0], $0xffff  }
0x278: {  	v41 =	vld.idx.msk [tilespmem:v10+s19+$0x0], $0xffff  }
0x279: {  	v42 =	vld.idx.msk [tilespmem:v11+s19+$0x0], $0xffff  }
0x27a: {  	v43 =	vld.idx.msk [tilespmem:v12+s19+$0x0], $0xffff  }
0x27b: {  	v44 =	vld.idx.msk [tilespmem:v13+s19+$0x0], $0xffff  }
0x27c: {  	v45 =	vld.idx.msk [tilespmem:v14+s19+$0x0], $0xffff  }
0x27d: {  	[tilespmem:v16+s28+$0x0] =	vst.idx.add.f32.msk $0xffff, v31  }
0x27e: {  	[tilespmem:v17+s28+$0x0] =	vst.idx.add.f32.msk $0xffff, v32  }
0x27f: {  	[tilespmem:v18+s28+$0x0] =	vst.idx.add.f32.msk $0xffff, v33  }
0x280: {  	[tilespmem:v19+s28+$0x0] =	vst.idx.add.f32.msk $0xffff, v34  }
0x281: {  	[tilespmem:v20+s28+$0x0] =	vst.idx.add.f32.msk $0xffff, v35  }
0x282: {  	[tilespmem:v21+s28+$0x0] =	vst.idx.add.f32.msk $0xffff, v36  }
0x283: {  	[tilespmem:v22+s28+$0x0] =	vst.idx.add.f32.msk $0xffff, v37  }
0x284: {  	[tilespmem:v23+s28+$0x0] =	vst.idx.add.f32.msk $0xffff, v38  }
0x285: {  	[tilespmem:v24+s28+$0x0] =	vst.idx.add.f32.msk $0xffff, v39  }
0x286: {  	[tilespmem:v25+s28+$0x0] =	vst.idx.add.f32.msk $0xffff, v40  }
0x287: {  	[tilespmem:v26+s28+$0x0] =	vst.idx.add.f32.msk $0xffff, v41  }
0x288: {  	[tilespmem:v27+s28+$0x0] =	vst.idx.add.f32.msk $0xffff, v42  }
0x289: {  	[tilespmem:v28+s28+$0x0] =	vst.idx.add.f32.msk $0xffff, v43  }
0x28a: {  	[tilespmem:v29+s28+$0x0] =	vst.idx.add.f32.msk $0xffff, v44  }
0x28b: {  	[tilespmem:v30+s28+$0x0] =	vst.idx.add.f32.msk $0xffff, v45  }
0x28c: {  	v31 =	vld.idx.msk [tilespmem:v15+s20+$0x0], $0xffff  }
0x28d: {  	v32 =	vld.idx.msk [tilespmem:v1+s20+$0x0], $0xffff  }
0x28e: {  	v33 =	vld.idx.msk [tilespmem:v2+s20+$0x0], $0xffff  }
0x28f: {  	v34 =	vld.idx.msk [tilespmem:v3+s20+$0x0], $0xffff  }
0x290: {  	v35 =	vld.idx.msk [tilespmem:v4+s20+$0x0], $0xffff  }
0x291: {  	v36 =	vld.idx.msk [tilespmem:v5+s20+$0x0], $0xffff  }
0x292: {  	v37 =	vld.idx.msk [tilespmem:v6+s20+$0x0], $0xffff  }
0x293: {  	v38 =	vld.idx.msk [tilespmem:v7+s20+$0x0], $0xffff  }
0x294: {  	v39 =	vld.idx.msk [tilespmem:v8+s20+$0x0], $0xffff  }
0x295: {  	v40 =	vld.idx.msk [tilespmem:v9+s20+$0x0], $0xffff  }
0x296: {  	v41 =	vld.idx.msk [tilespmem:v10+s20+$0x0], $0xffff  }
0x297: {  	v42 =	vld.idx.msk [tilespmem:v11+s20+$0x0], $0xffff  }
0x298: {  	v43 =	vld.idx.msk [tilespmem:v12+s20+$0x0], $0xffff  }
0x299: {  	v44 =	vld.idx.msk [tilespmem:v13+s20+$0x0], $0xffff  }
0x29a: {  	v45 =	vld.idx.msk [tilespmem:v14+s20+$0x0], $0xffff  }
0x29b: {  	[tilespmem:v16+s29+$0x0] =	vst.idx.add.f32.msk $0xffff, v31  }
0x29c: {  	[tilespmem:v17+s29+$0x0] =	vst.idx.add.f32.msk $0xffff, v32  }
0x29d: {  	[tilespmem:v18+s29+$0x0] =	vst.idx.add.f32.msk $0xffff, v33  }
0x29e: {  	[tilespmem:v19+s29+$0x0] =	vst.idx.add.f32.msk $0xffff, v34  }
0x29f: {  	[tilespmem:v20+s29+$0x0] =	vst.idx.add.f32.msk $0xffff, v35  }
0x2a0: {  	[tilespmem:v21+s29+$0x0] =	vst.idx.add.f32.msk $0xffff, v36  }
0x2a1: {  	[tilespmem:v22+s29+$0x0] =	vst.idx.add.f32.msk $0xffff, v37  }
0x2a2: {  	[tilespmem:v23+s29+$0x0] =	vst.idx.add.f32.msk $0xffff, v38  }
0x2a3: {  	[tilespmem:v24+s29+$0x0] =	vst.idx.add.f32.msk $0xffff, v39  }
0x2a4: {  	[tilespmem:v25+s29+$0x0] =	vst.idx.add.f32.msk $0xffff, v40  }
0x2a5: {  	[tilespmem:v26+s29+$0x0] =	vst.idx.add.f32.msk $0xffff, v41  }
0x2a6: {  	[tilespmem:v27+s29+$0x0] =	vst.idx.add.f32.msk $0xffff, v42  }
0x2a7: {  	[tilespmem:v28+s29+$0x0] =	vst.idx.add.f32.msk $0xffff, v43  }
0x2a8: {  	[tilespmem:v29+s29+$0x0] =	vst.idx.add.f32.msk $0xffff, v44  }
0x2a9: {  	[tilespmem:v30+s29+$0x0] =	vst.idx.add.f32.msk $0xffff, v45  }
0x2aa: {  	v15 =	vld.idx.msk [tilespmem:v15+s21+$0x0], $0xffff  }
0x2ab: {  	v1 =	vld.idx.msk [tilespmem:v1+s21+$0x0], $0xffff  }
0x2ac: {  	v2 =	vld.idx.msk [tilespmem:v2+s21+$0x0], $0xffff  }
0x2ad: {  	v3 =	vld.idx.msk [tilespmem:v3+s21+$0x0], $0xffff  }
0x2ae: {  	v4 =	vld.idx.msk [tilespmem:v4+s21+$0x0], $0xffff  }
0x2af: {  	v5 =	vld.idx.msk [tilespmem:v5+s21+$0x0], $0xffff  }
0x2b0: {  	v6 =	vld.idx.msk [tilespmem:v6+s21+$0x0], $0xffff  }
0x2b1: {  	v7 =	vld.idx.msk [tilespmem:v7+s21+$0x0], $0xffff  }
0x2b2: {  	v8 =	vld.idx.msk [tilespmem:v8+s21+$0x0], $0xffff  }
0x2b3: {  	v9 =	vld.idx.msk [tilespmem:v9+s21+$0x0], $0xffff  }
0x2b4: {  	v10 =	vld.idx.msk [tilespmem:v10+s21+$0x0], $0xffff  }
0x2b5: {  	v11 =	vld.idx.msk [tilespmem:v11+s21+$0x0], $0xffff  }
0x2b6: {  	v12 =	vld.idx.msk [tilespmem:v12+s21+$0x0], $0xffff  }
0x2b7: {  	v13 =	vld.idx.msk [tilespmem:v13+s21+$0x0], $0xffff  }
0x2b8: {  	v14 =	vld.idx.msk [tilespmem:v14+s21+$0x0], $0xffff  }
0x2b9: {  	[tilespmem:v16+s30+$0x0] =	vst.idx.add.f32.msk $0xffff, v15  }
0x2ba: {  	[tilespmem:v17+s30+$0x0] =	vst.idx.add.f32.msk $0xffff, v1  }
0x2bb: {  	[tilespmem:v18+s30+$0x0] =	vst.idx.add.f32.msk $0xffff, v2  }
0x2bc: {  	[tilespmem:v19+s30+$0x0] =	vst.idx.add.f32.msk $0xffff, v3  }
0x2bd: {  	[tilespmem:v20+s30+$0x0] =	vst.idx.add.f32.msk $0xffff, v4  }
0x2be: {  	[tilespmem:v21+s30+$0x0] =	vst.idx.add.f32.msk $0xffff, v5  }
0x2bf: {  	[tilespmem:v22+s30+$0x0] =	vst.idx.add.f32.msk $0xffff, v6  }
0x2c0: {  	[tilespmem:v23+s30+$0x0] =	vst.idx.add.f32.msk $0xffff, v7  }
0x2c1: {  	[tilespmem:v24+s30+$0x0] =	vst.idx.add.f32.msk $0xffff, v8  }
0x2c2: {  	[tilespmem:v25+s30+$0x0] =	vst.idx.add.f32.msk $0xffff, v9  }
.Ltmp2:
0x2c3: {  	[tilespmem:v26+s30+$0x0] =	vst.idx.add.f32.msk $0xffff, v10;
	(pc) =	sbr.rel @p0 .LBB2_7-.Ltmp2, $4  }
0x2c4: {  	[tilespmem:v27+s30+$0x0] =	vst.idx.add.f32.msk $0xffff, v11  }
0x2c5: {  	[tilespmem:v28+s30+$0x0] =	vst.idx.add.f32.msk $0xffff, v12  }
0x2c6: {  	[tilespmem:v29+s30+$0x0] =	vst.idx.add.f32.msk $0xffff, v13  }
0x2c7: {  	s7 =	sadd.s32 $0x100, s7;
	[tilespmem:v30+s30+$0x0] =	vst.idx.add.f32.msk $0xffff, v14  }
0x2c8: {  	s14 =	sadd.s32 $0x1, s14  }
0x2c9: {  	p0 =	sne.s32 s14, $0x19  }
.Ltmp3:
0x2ca: {  	_ = 	snop;
	(pc) =	sbr.rel @p0 .LBB2_4-.Ltmp3, $1  }
0x2cb: {  	_ =	sdelay $0x3  }
0x2cc: {  	[hbm4b:s9+s16] =	stream.strided.scatter [tilespmem:s26], [sflag:$0x5], $0x2780, s17, s16, $0x38;
	[tilespmem:$0x1A000] =	vst v63  }
0x2cd: {  	_ =	swait.ge [sflag:s18], $0x2780  }
0x2ce: {  	[sflag:s18] =	ssyncset.done $0x0  }
0x2cf: {  	[sflag:s18] =	ssyncadd.s32 $0xFFFFD880  }
0x2d0: {  	[hbm4b:s10+s16] =	stream.strided.scatter [tilespmem:s28], [sflag:$0x5], $0x2780, s17, s16, $0x38;
	[tilespmem:$0x1A000] =	vst v63  }
0x2d1: {  	_ =	swait.ge [sflag:s18], $0x2780  }
0x2d2: {  	[sflag:s18] =	ssyncset.done $0x0  }
0x2d3: {  	[sflag:s18] =	ssyncadd.s32 $0xFFFFD880  }
0x2d4: {  	[hbm4b:s11+s16] =	stream.strided.scatter [tilespmem:s29], [sflag:$0x5], $0x2780, s17, s16, $0x38;
	[tilespmem:$0x1A000] =	vst v63  }
0x2d5: {  	s1 =	sadd.s32 $0x1, s1;
	_ =	swait.ge [sflag:s18], $0x2780  }
0x2d6: {  	p0 =	sne.s32 s1, s13;
	[sflag:s18] =	ssyncset.done $0x0  }
.Ltmp4:
0x2d7: {  	[sflag:s18] =	ssyncadd.s32 $0xFFFFD880;
	(pc) =	sbr.rel @p0 .LBB2_1-.Ltmp4, $4  }
0x2d8: {  	[hbm4b:s12+s16] =	stream.strided.scatter [tilespmem:s30], [sflag:$0x5], $0x2780, s17, s16, $0x38;
	[tilespmem:$0x1A000] =	vst v63  }
0x2d9: {  	_ =	swait.ge [sflag:s18], $0x2780  }
0x2da: {  	[sflag:s18] =	ssyncset.done $0x0  }
0x2db: {  	[sflag:s18] =	ssyncadd.s32 $0xFFFFD880  }
0x2dc: {  	_ =	sfence.sel $0x180000  }
0x2dd: {  	[bflag:$0x0] =	sbarrier.arrive $0xFFFF  }
0x2de: {  	_ =	strace $0x9000004A  }
0x2df: {  	s0 =	stileid.u32;
	[bflag:$0x2] =	sbarrier.arrive $0xFFFF  }
0x2e0: {  	p0 =	sne.s32 s0, $0x0;
	s0 =	rddreg [dreg:$0x1]  }
0x2e1: {  	s0 =	sadd.s32 @!p0 $0x100000, s0  }
0x2e2: {  	[sflag:s0] =	ssyncadd.tile.s32 @!p0 $0x1;
	_ =	shalt  }
.Lfunc_end2:
_tile_overlayer_lowered:
.L_overlay_start_2:
0x2e3: {  	(tag) =	ssettag $0x2  }
0x2e4: {  	s0 =	rddreg [dreg:$0x0];
	s2 =	stileid.u32  }
0x2e5: {  	s1 =	rddreg [dreg:$0x1];
	p0 =	sne.s32 s2, $0x0  }
0x2e6: {  	s3 =	rddreg [dreg:$0x2];
	[bflag:$0x3] =	sbarrier.arrive $0xFFFF;
	s2 =	simm.s32 @!p0 $0x1C05  }
0x2e7: {  	[timem:s3], [sflag:s2] =	dma.local @!p0 [hbm:s0], s1  }
0x2e8: {  	s0 =	simm.s32 @!p0 $0x5  }
0x2e9: {  	_ =	swait.ge @!p0 [sflag:s0], s1  }
0x2ea: {  	s1 =	ssub.s32 @!p0 $0x0, s1;
	[sflag:s0] =	ssyncset.done @!p0 $0x0  }
0x2eb: {  	[sflag:s0] =	ssyncadd.s32 @!p0 s1  }
0x2ec: {  	[bflag:$0x3] =	sbarrier.arrive $0xFFFF  }
0x2ed: {  	_ =	shalt  }

// kernel: kernel.15.cloned.1.call-start
scs
__scs_entry_jumppad:
0x0: {  	(pc) =	sbr.rel $0x88, $3  }
0x1: {  	(tag) =	ssettag $0x0;
	lr =	simm.s32 $0x1  }
0x2: {  	[smem:$0x3F95] =	sst lr;
	_ =	strace $0xD0000000  }
0x3: {  	_ = 	snop  }
0x4: {  	_ = 	snop  }
0x5: {  	_ = 	snop  }
0x6: {  	_ = 	snop  }
0x7: {  	_ = 	snop  }
__scs_overlays_trampoline_lowered:
0x8: {  	[smem:$0x3FA4] =	sst s0  }
0x9: {  	[smem:$0x3FA5] =	sst s1  }
0xa: {  	[smem:$0x3FA6] =	sst s2  }
0xb: {  	[smem:$0x3FA7] =	sst s3  }
0xc: {  	[smem:$0x3FA8] =	sst s4  }
0xd: {  	[smem:$0x3FA9] =	sst s5  }
0xe: {  	[smem:$0x3FAA] =	sst s6  }
0xf: {  	[smem:$0x3FAB] =	sst s7  }
0x10: {  	[smem:$0x3FAC] =	sst s8  }
0x11: {  	[smem:$0x3FAD] =	sst s9;
	s0 =	simm.s32 @!p0 $0x0  }
0x12: {  	s1 =	sld [smem:$0x3F93];
	s0 =	simm.s32 @p0 $0x1  }
0x13: {  	[smem:$0x3FAE] =	sst s0;
	s0 =	simm.s32 @!p1 $0x0  }
0x14: {  	s2 =	sld [smem:$0x3F92];
	s0 =	simm.s32 @p1 $0x1  }
0x15: {  	[smem:$0x3FAF] =	sst s0;
	s0 =	simm.s32 @!p2 $0x0  }
0x16: {  	s3 =	sld [smem:$0x3FDB];
	s0 =	simm.s32 @p2 $0x1  }
0x17: {  	s4 =	simm.s32 $0x1BF5;
	[smem:$0x3FB1] =	sst s0  }
0x18: {  	s0 =	sld [smem:$0x3F94];
	_ =	swait.ge [sflag:s4], $0x0  }
0x19: {  	s7 =	sld [smem:$0x3F95]  }
0x1a: {  	s8 =	sadd.s32 $0xFFFFE003, lr  }
0x1b: {  	s9 =	sadd.s32 $0xFFFFFEF7, lr;
	s5 =	simm.s32 $0xFFFFFFFF;
	p2 =	slt.u32 s8, $0xFFFFF086  }
0x1c: {  	p1 =	slt.u32 s9, $0xF7A;
	s5 =	simm.s32 @!p2 $0x0  }
0x1d: {  	s5 =	simm.s32 @p1 $0x1;
	p0 =	seq.s32 s7, s2  }
0x1e: {  	s7 =	smul.u32 @!p0 $0xF7A, s2;
	p2 =	seq.s32 @!p0 s5, $0x0  }
0x1f: {  	s9 =	smul.u32 $0xF7A, s1;
	s8 =	simm.s32 @!p0 $0x1BF5;
	p2 =	por !p2, p0  }
0x20: {  	[sflag:s8] =	ssyncset.s32 @!p0 $0xFFFFF086;
	s6 =	sadd.s32 @!p0 s3, s7;
	s7 =	simm.s32 @!p0 $0x108  }
0x21: {  	s3 =	sadd.s32 s3, s9;
	s6 =	sadd.s32 @!p0 $0x88, s6;
	s7 =	simm.s32 @p2 $0x1082  }
0x22: {  	[simem:s7], [sflag:s8] =	dma.local @!p0 [hbm:s6], $0xF7A  }
0x23: {  	s9 =	sor.u32 $0xD0000000, s2;
	s6 =	simm.s32 $0x108;
	_ =	swait.ge @!p0 [sflag:s8], $0x0  }
0x24: {  	s3 =	sadd.s32 $0x88, s3;
	s6 =	simm.s32 @!p1 $0x1082;
	[sflag:s4] =	ssyncset.s32 $0xFFFFF086  }
0x25: {  	[simem:s6], [sflag:s4] =	dma.local [hbm:s3], $0xF7A  }
0x26: {  	[smem:$0x3F95] =	sst s1;
	(tag) =	ssettag s2;
	_ =	strace s9  }
0x27: {  	s1 =	sld [smem:$0x3FA5]  }
0x28: {  	s2 =	sld [smem:$0x3FA6]  }
0x29: {  	s4 =	sld [smem:$0x3FA8]  }
0x2a: {  	p0 =	seq.s32 s5, $0x0;
	s5 =	sld [smem:$0x3FA9]  }
0x2b: {  	s6 =	sld [smem:$0x3FAA]  }
0x2c: {  	s7 =	sld [smem:$0x3FAB]  }
0x2d: {  	s3 =	simm.s32 $0x108;
	s8 =	sld [smem:$0x3FAC]  }
0x2e: {  	s3 =	simm.s32 @!p0 $0x1082;
	s9 =	sld [smem:$0x3FAD]  }
0x2f: {  	lr =	sadd.s32 s0, s3;
	s0 =	sld [smem:$0x3FA4]  }
0x30: {  	s3 =	sld [smem:$0x3FA7]  }
0x31: {  	[smem:$0x3FB0] =	sst s10  }
0x32: {  	s10 =	sld [smem:$0x3FAE];
	_ =	sdelay $0x3  }
0x33: {  	p0 =	seq.s32 s10, $0x1;
	s10 =	sld [smem:$0x3FB0];
	_ =	sdelay $0x3  }
0x34: {  	[smem:$0x3FB0] =	sst s10  }
0x35: {  	s10 =	sld [smem:$0x3FAF];
	_ =	sdelay $0x3  }
0x36: {  	p1 =	seq.s32 s10, $0x1;
	s10 =	sld [smem:$0x3FB0];
	_ =	sdelay $0x3  }
0x37: {  	[smem:$0x3FB0] =	sst s10  }
0x38: {  	s10 =	sld [smem:$0x3FB1]  }
0x39: {  	_ = 	snop;
	(pc) =	sbr.ind lr, $3  }
0x3a: {  	_ = 	snop  }
0x3b: {  	_ = 	snop  }
0x3c: {  	p2 =	seq.s32 s10, $0x1;
	s10 =	sld [smem:$0x3FB0]  }
0x3d: {  	_ =	shalt  }
0x3e: {  	_ =	shalt  }
0x3f: {  	_ =	shalt  }
0x40: {  	_ =	shalt  }
0x41: {  	_ =	shalt  }
0x42: {  	_ =	shalt  }
0x43: {  	_ =	shalt  }
0x44: {  	_ =	shalt  }
0x45: {  	_ =	shalt  }
0x46: {  	_ =	shalt  }
0x47: {  	_ =	shalt  }
0x48: {  	_ =	shalt  }
0x49: {  	_ =	shalt  }
0x4a: {  	_ =	shalt  }
0x4b: {  	_ =	shalt  }
0x4c: {  	_ =	shalt  }
0x4d: {  	_ =	shalt  }
0x4e: {  	_ =	shalt  }
0x4f: {  	_ =	shalt  }
0x50: {  	_ =	shalt  }
0x51: {  	_ =	shalt  }
0x52: {  	_ =	shalt  }
0x53: {  	_ =	shalt  }
0x54: {  	_ =	shalt  }
0x55: {  	_ =	shalt  }
0x56: {  	_ =	shalt  }
0x57: {  	_ =	shalt  }
0x58: {  	_ =	shalt  }
0x59: {  	_ =	shalt  }
0x5a: {  	_ =	shalt  }
0x5b: {  	_ =	shalt  }
0x5c: {  	_ =	shalt  }
0x5d: {  	_ =	shalt  }
0x5e: {  	_ =	shalt  }
0x5f: {  	_ =	shalt  }
0x60: {  	_ =	shalt  }
0x61: {  	_ =	shalt  }
0x62: {  	_ =	shalt  }
0x63: {  	_ =	shalt  }
0x64: {  	_ =	shalt  }
0x65: {  	_ =	shalt  }
0x66: {  	_ =	shalt  }
0x67: {  	_ =	shalt  }
0x68: {  	_ =	shalt  }
0x69: {  	_ =	shalt  }
0x6a: {  	_ =	shalt  }
0x6b: {  	_ =	shalt  }
0x6c: {  	_ =	shalt  }
0x6d: {  	_ =	shalt  }
0x6e: {  	_ =	shalt  }
0x6f: {  	_ =	shalt  }
0x70: {  	_ =	shalt  }
0x71: {  	_ =	shalt  }
0x72: {  	_ =	shalt  }
0x73: {  	_ =	shalt  }
0x74: {  	_ =	shalt  }
0x75: {  	_ =	shalt  }
0x76: {  	_ =	shalt  }
0x77: {  	_ =	shalt  }
0x78: {  	_ =	shalt  }
0x79: {  	_ =	shalt  }
0x7a: {  	_ =	shalt  }
0x7b: {  	_ =	shalt  }
0x7c: {  	_ =	shalt  }
0x7d: {  	_ =	shalt  }
0x7e: {  	_ =	shalt  }
0x7f: {  	_ =	shalt  }
0x80: {  	_ =	shalt  }
0x81: {  	_ =	shalt  }
0x82: {  	_ =	shalt  }
0x83: {  	_ =	shalt  }
0x84: {  	_ =	shalt  }
0x85: {  	_ =	shalt  }
0x86: {  	_ =	shalt  }
0x87: {  	_ =	shalt  }
.Lfunc_end0:
.L_simem_size_0:
called_computation.2_lowered:
.L_overlay_start_0:
0x88: {  	s2 =	sld [smem:$0x3FD9]  }
0x89: {  	s3 =	sld [smem:$0x3FFE];
	_ =	sdelay $0x1  }
0x8a: {  	s1 =	srdreg.scid  }
0x8b: {  	s0 =	sand.u32 $0x1, s1  }
0x8c: {  	s16 =	sshll.u32 s0, $0xA;
	s2 =	sadd.s32 s3, s2  }
0x8d: {  	s2 =	sadd.s32 s2, s16  }
0x8e: {  	[smem:$0x3FBC] =	sst s2  }
0x8f: {  	_ = 	snop  }
0x90: {  	(tm) =	ssettm $0x1  }
0x91: {  	s17 =	sld [smem:$0x3FFB];
	_ =	sdelay $0x3  }
0x92: {  	_ =	strace s17  }
0x93: {  	s2 =	sld [smem:$0x3FFC];
	_ =	sdelay $0x3  }
0x94: {  	_ =	strace s2  }
0x95: {  	s2 =	sld [smem:$0x3FFD];
	_ =	sdelay $0x3  }
0x96: {  	_ =	strace s2  }
0x97: {  	_ =	strace $0x8FFFFFFF  }
0x98: {  	s18 =	sld [smem:$0x3FDB];
	_ =	sdelay $0x1  }
0x99: {  	s19 =	simm.s32 $_scs_section_size  }
0x9a: {  	s4 =	simm.s32 $_size__tile_overlayer_lowered;
	s5 =	simm.s32 $_tile_overlayer_lowered  }
0x9b: {  	s22 =	simm.s32 $0x1BFF;
	s21 =	sshll.u32 s5, $0x1;
	s2 =	sadd.s32 s19, s18  }
0x9c: {  	s6 =	simm.s32 $0x0;
	s20 =	sshll.u32 s4, $0x1;
	s4 =	sadd.s32 s21, s2  }
0x9d: {  	[timem:s6], [sflag:s22] =	dma.local [hbm:s4], s20  }
0x9e: {  	_ =	swait.ge [sflag:s22], s20  }
0x9f: {  	s3 =	ssub.s32 $0x0, s20;
	[sflag:s22] =	ssyncset.done $0x0  }
0xa0: {  	[sflag:s22] =	ssyncadd.s32 s3;
	_ =	sdelay $0x1  }
0xa1: {  	s23 =	simm.s32 $0x1B8B  }
0xa2: {  	_ =	swait.ge [sflag:s23], $0x1  }
0xa3: {  	[sflag:s23] =	ssyncset.done $0x0  }
0xa4: {  	s25 =	simm.s32 $0x1B8E;
	s24 =	sld [smem:$0x3FFE];
	[sflag:s23] =	ssyncadd.s32 $0xFFFFFFFF  }
0xa5: {  	s26 =	simm.s32 $execute0_lowered;
	[smem:$0x3FD2] =	sst s25  }
0xa6: {  	s4 =	sshll.u32 s26, $0x1;
	_ =	strace $0x8000004C;
	[dreg:$0x1] =	wrdreg $0xFFFFFFFF  }
0xa7: {  	s28 =	simm.s32 $_size_execute0_lowered;
	s2 =	sadd.s32 s2, s4;
	[dreg:$0x0] =	wrdreg $0x0  }
0xa8: {  	s4 =	sshll.u32 s28, $0x1;
	[dreg:$0x2] =	wrdreg s2  }
0xa9: {  	[dreg:$0x3] =	wrdreg s4  }
0xaa: {  	[dreg:$0x4] =	wrdreg $0xC0  }
0xab: {  	_ =	task [dreg:s6], $0x5FFFF  }
0xac: {  	[dreg:$0x1] =	wrdreg $0xFFFFFFFF  }
0xad: {  	[dreg:$0x0] =	wrdreg $0x60  }
0xae: {  	[dreg:$0x2] =	wrdreg s24  }
0xaf: {  	[dreg:$0x3] =	wrdreg $0x9  }
0xb0: {  	_ =	task.clear_ibuf [dreg:s6], $0x4FFFF;
	_ =	strace $0x9000004C  }
0xb1: {  	s29 =	simm.s32 $0x9;
	_ =	strace $0x8000004E  }
0xb2: {  	_ =	swait.ge [sflag:s29], $0x1  }
0xb3: {  	[sflag:s29] =	ssyncadd.s32 $0xFFFFFFFF  }
0xb4: {  	_ =	strace $0x9000004E  }
0xb5: {  	_ =	sfence  }
0xb6: {  	s30 =	sld [smem:$0x0];
	_ =	sdelay $0x2  }
0xb7: {  	s31 =	sshll.u32 s1, $0xD;
	s1 =	sshrl.u32 s1, $0x2  }
0xb8: {  	s3 =	sand.u32 $0x4000, s31;
	s1 =	sadd.s32 s1, s30  }
0xb9: {  	s0 =	sor.u32 s3, s0;
	s1 =	sshll.u32 s1, $0x11  }
0xba: {  	s0 =	sor.u32 s1, s0  }
0xbb: {  	s0 =	sadd.s32 $0x8F2B, s0  }
0xbc: {  	[sflag:s0] =	ssyncadd.remote.s32 $0x1  }
0xbd: {  	_ =	sfence.sel $0xFFFF  }
0xbe: {  	[dreg:$0x0] =	wrdreg $0xFFFFFFFF;
	(pc) =	sbr.abs _section_cstart, $3  }
0xbf: {  	[dreg:$0x1] =	wrdreg $0xFFFFFFFF  }
0xc0: {  	_ =	task.clear_ibuf [dreg:s6], $0x2FFFF;
	_ =	strace $0x9FFFFFFF  }
0xc1: {  	(tm) =	ssettm $0x7FFFFFFF  }
tec
execute0_lowered:
.L_overlay_start_1:
0x0: {  	(tag) =	ssettag $0x1  }
0x1: {  	s0 =	rddreg [dreg:$0x0];
	s2 =	simm.s32 $0x0  }
0x2: {  	s1 =	srdreg.scid;
	s3 =	stileid.u32;
	s16 =	simm.s32 $0x80  }
0x3: {  	s17 =	simm.s32 $0x400;
	s18 =	simm.s32 $0x5;
	s19 =	simm.s32 $0x2780  }
0x4: {  	s20 =	simm.s32 $0x4F00;
	s21 =	simm.s32 $0x7680;
	s22 =	simm.s32 $0x16E00  }
0x5: {  	s23 =	simm.s32 $0x18700;
	s28 =	simm.s32 $0xC580;
	s29 =	simm.s32 $0xED00  }
0x6: {  	s30 =	simm.s32 $0x11480;
	s31 =	simm.s32 $0x3;
	[smem:$0x7FF] =	sst s2  }
0x7: {  	s1 =	sand.u32 $0x1, s1;
	s4 =	smul.u32 $0x13C00, s3;
	s5 =	sadd.s32 $0x16400, s0  }
0x8: {  	s3 =	sadd.s32 $0xC600, s0;
	_ =	strace $0x8000004D;
	s6 =	sshll.u32 s1, $0x9  }
0x9: {  	s1 =	ssub.s32 $0x2, s1;
	s6 =	sor.u32 s6, s4;
	s4 =	sadd.s32 $0x2800, s0  }
0xa: {  	s7 =	sshrl.u32 s1, $0x1;
	s0 =	sadd.s32 $0x3DC00, s0;
	s6 =	sshrl.u32 s6, $0x3  }
0xb: {  	s1 =	ssub.s32 s1, s7;
	s24 =	sadd.s32 s5, s6;
	s25 =	sor.u32 $0x10, s6  }
0xc: {  	s11 =	sor.u32 $0x20, s6;
	s12 =	sor.u32 $0x30, s6;
	s9 =	sadd.s32 s0, s6  }
0xd: {  	s13 =	smax.u32 s1, $0x1;
	s1 =	simm.s32 $0x0;
	[dreg:$0x2] =	wrdreg s24  }
0xe: {  	s8 =	sadd.s32 s5, s25;
	s26 =	sadd.s32 s5, s11;
	s10 =	sadd.s32 s0, s25  }
0xf: {  	s11 =	sadd.s32 s0, s11;
	s24 =	simm.s32 $0x1;
	[dreg:$0x3] =	wrdreg s8  }
0x10: {  	s25 =	simm.s32 $0x2;
	[dreg:$0x4] =	wrdreg s26;
	s8 =	sadd.s32 s5, s12  }
0x11: {  	v0 =	vimm.f32 $0.0e+00;
	s12 =	sadd.s32 s0, s12;
	s26 =	simm.s32 $0x9E00;
	s0 =	simm.s32 $0x4  }
.LBB2_1:
0x12: {  	s5 =	simm.s32 $0x13C00  }
0x13: {  	[tilespmem:s5], [sflag:$0x1] =	stream.linear.gather [hbm4b:s3+s2], $0x1900, $0x38;
	[tilespmem:$0x1A000] =	vst v63  }
0x14: {  	s6 =	simm.s32 $0x15500  }
0x15: {  	[tilespmem:s6], [sflag:$0x2] =	stream.linear.gather [hbm4b:s4+s2], $0x1900, $0x38;
	[tilespmem:$0x1A000] =	vst v63  }
0x16: {  	s7 =	rddreg [dreg:$0x2]  }
0x17: {  	[tilespmem:s2], [sflag:$0x5] =	stream.strided.gather [hbm4b:s7+s16], $0x2780, s17, s16, $0x38;
	[tilespmem:$0x1A000] =	vst v63  }
0x18: {  	_ =	swait.ge [sflag:s18], $0x2780  }
0x19: {  	[sflag:s18] =	ssyncset.done $0x0  }
0x1a: {  	s14 =	rddreg [dreg:$0x3];
	[sflag:s18] =	ssyncadd.s32 $0xFFFFD880  }
0x1b: {  	[tilespmem:s19], [sflag:$0x5] =	stream.strided.gather [hbm4b:s14+s16], $0x2780, s17, s16, $0x38;
	[tilespmem:$0x1A000] =	vst v63  }
0x1c: {  	_ =	swait.ge [sflag:s18], $0x2780  }
0x1d: {  	[sflag:s18] =	ssyncset.done $0x0  }
0x1e: {  	s15 =	rddreg [dreg:$0x4];
	[sflag:s18] =	ssyncadd.s32 $0xFFFFD880  }
0x1f: {  	[tilespmem:s20], [sflag:$0x5] =	stream.strided.gather [hbm4b:s15+s16], $0x2780, s17, s16, $0x38;
	[tilespmem:$0x1A000] =	vst v63  }
0x20: {  	_ =	swait.ge [sflag:s18], $0x2780  }
0x21: {  	[sflag:s18] =	ssyncset.done $0x0  }
0x22: {  	[sflag:s18] =	ssyncadd.s32 $0xFFFFD880  }
0x23: {  	[tilespmem:s21], [sflag:$0x5] =	stream.strided.gather [hbm4b:s8+s16], $0x2780, s17, s16, $0x38;
	[tilespmem:$0x1A000] =	vst v63  }
0x24: {  	_ =	swait.ge [sflag:s18], $0x2780  }
0x25: {  	[sflag:s18] =	ssyncset.done $0x0  }
0x26: {  	s5 =	simm.s32 $0x0;
	[sflag:s18] =	ssyncadd.s32 $0xFFFFD880  }
.LBB2_2:
0x27: {  	p0 =	sne.s32 s5, $0x9C00  }
.Ltmp0:
0x28: {  	s6 =	sshra.s32 s5, $0x2;
	(pc) =	sbr.rel @p0 .LBB2_2-.Ltmp0, $4  }
0x29: {  	[tilespmem:s6+$0x9E00] =	vst v0  }
0x2a: {  	[tilespmem:s6+$0xC580] =	vst v0  }
0x2b: {  	[tilespmem:s6+$0xED00] =	vst v0  }
0x2c: {  	s5 =	sadd.s32 $0x40, s5;
	[tilespmem:s6+$0x11480] =	vst v0  }
0x2d: {  	s14 =	simm.s32 $0x0  }
.LBB2_4:
0x2e: {  	s15 =	smul.u32 $0x3200, s14;
	_ =	sdelay $0x1  }
0x2f: {  	s5 =	sshrl.u32 s15, $0x3  }
0x30: {  	s5 =	sadd.s32 $0x320, s5  }
0x31: {  	s6 =	sadd.s32 s3, s5  }
0x32: {  	[tilespmem:s22], [sflag:$0x3] =	stream.linear.gather [hbm4b:s6+s2], $0x1900, $0x38;
	[tilespmem:$0x1A000] =	vst v63  }
0x33: {  	s5 =	sadd.s32 s4, s5  }
0x34: {  	[tilespmem:s23], [sflag:$0x4] =	stream.linear.gather [hbm4b:s5+s2], $0x1900, $0x38;
	[tilespmem:$0x1A000] =	vst v63  }
0x35: {  	_ =	swait.ge [sflag:s24], $0x1900  }
0x36: {  	[sflag:s24] =	ssyncset.done $0x0  }
0x37: {  	[sflag:s24] =	ssyncadd.s32 $0xFFFFE700  }
0x38: {  	_ =	swait.ge [sflag:s25], $0x1900  }
0x39: {  	[sflag:s25] =	ssyncset.done $0x0  }
0x3a: {  	s7 =	simm.s32 $0x13C80;
	[sflag:s25] =	ssyncadd.s32 $0xFFFFE700  }
0x3b: {  	v7 =	vld [tilespmem:s7+$0x70]  }
0x3c: {  	v1 =	vld [tilespmem:s7+$0xFFFFFF90]  }
0x3d: {  	v2 =	vld [tilespmem:s7+$0xFFFFFFA0]  }
0x3e: {  	v3 =	vld [tilespmem:s7+$0xFFFFFFB0]  }
0x3f: {  	v4 =	vld [tilespmem:s7+$0xFFFFFFC0]  }
0x40: {  	s5 =	simm.s32 $0x15580;
	v5 =	vld [tilespmem:s7+$0xFFFFFFD0]  }
0x41: {  	v8 =	vld [tilespmem:s5+$0x70]  }
0x42: {  	v6 =	vld [tilespmem:s7+$0xFFFFFFE0]  }
0x43: {  	v10 =	vld [tilespmem:s7+$0xFFFFFFF0]  }
0x44: {  	v11 =	vld [tilespmem:s7+$0x0]  }
0x45: {  	v12 =	vld [tilespmem:s7+$0x10]  }
0x46: {  	v13 =	vld [tilespmem:s7+$0x20]  }
0x47: {  	v14 =	vld [tilespmem:s7+$0x30]  }
0x48: {  	v15 =	vld [tilespmem:s7+$0x40]  }
0x49: {  	v16 =	vld [tilespmem:s7+$0x50]  }
0x4a: {  	v17 =	vld [tilespmem:s7+$0x60]  }
0x4b: {  	v18 =	vld [tilespmem:s7+$0xFFFFFF80]  }
0x4c: {  	v31 =	vld [tilespmem:s5+$0xFFFFFF80]  }
0x4d: {  	v32 =	vld [tilespmem:s5+$0xFFFFFF90]  }
0x4e: {  	v33 =	vld [tilespmem:s5+$0xFFFFFFA0]  }
0x4f: {  	v34 =	vld [tilespmem:s5+$0xFFFFFFB0]  }
0x50: {  	v35 =	vld [tilespmem:s5+$0xFFFFFFC0]  }
0x51: {  	v36 =	vld [tilespmem:s5+$0xFFFFFFD0]  }
0x52: {  	v37 =	vld [tilespmem:s5+$0xFFFFFFE0]  }
0x53: {  	v38 =	vld [tilespmem:s5+$0xFFFFFFF0]  }
0x54: {  	v39 =	vld [tilespmem:s5+$0x0]  }
0x55: {  	v40 =	vld [tilespmem:s5+$0x10]  }
0x56: {  	v41 =	vld [tilespmem:s5+$0x20]  }
0x57: {  	v42 =	vld [tilespmem:s5+$0x30]  }
0x58: {  	v43 =	vld [tilespmem:s5+$0x40]  }
0x59: {  	v44 =	vld [tilespmem:s5+$0x50]  }
0x5a: {  	v45 =	vld [tilespmem:s5+$0x60]  }
0x5b: {  	v9 =	vld.idx.msk [tilespmem:v7+s2+$0x0], $0xffff  }
0x5c: {  	v19 =	vld.idx.msk [tilespmem:v1+s2+$0x0], $0xffff  }
0x5d: {  	v20 =	vld.idx.msk [tilespmem:v2+s2+$0x0], $0xffff  }
0x5e: {  	v21 =	vld.idx.msk [tilespmem:v3+s2+$0x0], $0xffff  }
0x5f: {  	v22 =	vld.idx.msk [tilespmem:v4+s2+$0x0], $0xffff  }
0x60: {  	v23 =	vld.idx.msk [tilespmem:v5+s2+$0x0], $0xffff  }
0x61: {  	v24 =	vld.idx.msk [tilespmem:v18+s2+$0x0], $0xffff  }
0x62: {  	v58 =	vld.idx.msk [tilespmem:v6+s2+$0x0], $0xffff  }
0x63: {  	v25 =	vld.idx.msk [tilespmem:v10+s2+$0x0], $0xffff  }
0x64: {  	v26 =	vld.idx.msk [tilespmem:v11+s2+$0x0], $0xffff  }
0x65: {  	v27 =	vld.idx.msk [tilespmem:v12+s2+$0x0], $0xffff  }
0x66: {  	v28 =	vld.idx.msk [tilespmem:v13+s2+$0x0], $0xffff  }
0x67: {  	v59 =	vld.idx.msk [tilespmem:v14+s2+$0x0], $0xffff  }
0x68: {  	v60 =	vld.idx.msk [tilespmem:v15+s2+$0x0], $0xffff  }
0x69: {  	v29 =	vld.idx.msk [tilespmem:v16+s2+$0x0], $0xffff  }
0x6a: {  	v30 =	vld.idx.msk [tilespmem:v17+s2+$0x0], $0xffff  }
0x6b: {  	[tilespmem:v8+s26+$0x0] =	vst.idx.add.f32.msk $0xffff, v9  }
0x6c: {  	[tilespmem:v31+s26+$0x0] =	vst.idx.add.f32.msk $0xffff, v24  }
0x6d: {  	[tilespmem:v32+s26+$0x0] =	vst.idx.add.f32.msk $0xffff, v19  }
0x6e: {  	[tilespmem:v33+s26+$0x0] =	vst.idx.add.f32.msk $0xffff, v20  }
0x6f: {  	[tilespmem:v34+s26+$0x0] =	vst.idx.add.f32.msk $0xffff, v21  }
0x70: {  	[tilespmem:v35+s26+$0x0] =	vst.idx.add.f32.msk $0xffff, v22  }
0x71: {  	[tilespmem:v36+s26+$0x0] =	vst.idx.add.f32.msk $0xffff, v23  }
0x72: {  	[tilespmem:v37+s26+$0x0] =	vst.idx.add.f32.msk $0xffff, v58  }
0x73: {  	[tilespmem:v38+s26+$0x0] =	vst.idx.add.f32.msk $0xffff, v25  }
0x74: {  	[tilespmem:v39+s26+$0x0] =	vst.idx.add.f32.msk $0xffff, v26  }
0x75: {  	[tilespmem:v40+s26+$0x0] =	vst.idx.add.f32.msk $0xffff, v27  }
0x76: {  	[tilespmem:v41+s26+$0x0] =	vst.idx.add.f32.msk $0xffff, v28  }
0x77: {  	[tilespmem:v42+s26+$0x0] =	vst.idx.add.f32.msk $0xffff, v59  }
0x78: {  	[tilespmem:v43+s26+$0x0] =	vst.idx.add.f32.msk $0xffff, v60  }
0x79: {  	[tilespmem:v44+s26+$0x0] =	vst.idx.add.f32.msk $0xffff, v29  }
0x7a: {  	[tilespmem:v45+s26+$0x0] =	vst.idx.add.f32.msk $0xffff, v30  }
0x7b: {  	v9 =	vld.idx.msk [tilespmem:v7+s19+$0x0], $0xffff  }
0x7c: {  	v61 =	vld.idx.msk [tilespmem:v18+s19+$0x0], $0xffff  }
0x7d: {  	v62 =	vld.idx.msk [tilespmem:v1+s19+$0x0], $0xffff  }
0x7e: {  	v63 =	vld.idx.msk [tilespmem:v2+s19+$0x0], $0xffff  }
0x7f: {  	v46 =	vld.idx.msk [tilespmem:v3+s19+$0x0], $0xffff  }
0x80: {  	v47 =	vld.idx.msk [tilespmem:v4+s19+$0x0], $0xffff  }
0x81: {  	v48 =	vld.idx.msk [tilespmem:v5+s19+$0x0], $0xffff  }
0x82: {  	v49 =	vld.idx.msk [tilespmem:v6+s19+$0x0], $0xffff  }
0x83: {  	v50 =	vld.idx.msk [tilespmem:v10+s19+$0x0], $0xffff  }
0x84: {  	v51 =	vld.idx.msk [tilespmem:v11+s19+$0x0], $0xffff  }
0x85: {  	v52 =	vld.idx.msk [tilespmem:v12+s19+$0x0], $0xffff  }
0x86: {  	v53 =	vld.idx.msk [tilespmem:v13+s19+$0x0], $0xffff  }
0x87: {  	v54 =	vld.idx.msk [tilespmem:v14+s19+$0x0], $0xffff  }
0x88: {  	v55 =	vld.idx.msk [tilespmem:v15+s19+$0x0], $0xffff  }
0x89: {  	v29 =	vld.idx.msk [tilespmem:v16+s19+$0x0], $0xffff  }
0x8a: {  	v30 =	vld.idx.msk [tilespmem:v17+s19+$0x0], $0xffff  }
0x8b: {  	[tilespmem:v8+s28+$0x0] =	vst.idx.add.f32.msk $0xffff, v9  }
0x8c: {  	[tilespmem:v31+s28+$0x0] =	vst.idx.add.f32.msk $0xffff, v61  }
0x8d: {  	[tilespmem:v32+s28+$0x0] =	vst.idx.add.f32.msk $0xffff, v62  }
0x8e: {  	[tilespmem:v33+s28+$0x0] =	vst.idx.add.f32.msk $0xffff, v63  }
0x8f: {  	[tilespmem:v34+s28+$0x0] =	vst.idx.add.f32.msk $0xffff, v46  }
0x90: {  	[tilespmem:v35+s28+$0x0] =	vst.idx.add.f32.msk $0xffff, v47  }
0x91: {  	[tilespmem:v36+s28+$0x0] =	vst.idx.add.f32.msk $0xffff, v48  }
0x92: {  	[tilespmem:v37+s28+$0x0] =	vst.idx.add.f32.msk $0xffff, v49  }
0x93: {  	[tilespmem:v38+s28+$0x0] =	vst.idx.add.f32.msk $0xffff, v50  }
0x94: {  	[tilespmem:v39+s28+$0x0] =	vst.idx.add.f32.msk $0xffff, v51  }
0x95: {  	[tilespmem:v40+s28+$0x0] =	vst.idx.add.f32.msk $0xffff, v52  }
0x96: {  	[tilespmem:v41+s28+$0x0] =	vst.idx.add.f32.msk $0xffff, v53  }
0x97: {  	[tilespmem:v42+s28+$0x0] =	vst.idx.add.f32.msk $0xffff, v54  }
0x98: {  	[tilespmem:v43+s28+$0x0] =	vst.idx.add.f32.msk $0xffff, v55  }
0x99: {  	[tilespmem:v44+s28+$0x0] =	vst.idx.add.f32.msk $0xffff, v29  }
0x9a: {  	[tilespmem:v45+s28+$0x0] =	vst.idx.add.f32.msk $0xffff, v30  }
0x9b: {  	v9 =	vld.idx.msk [tilespmem:v7+s20+$0x0], $0xffff  }
0x9c: {  	v19 =	vld.idx.msk [tilespmem:v3+s20+$0x0], $0xffff  }
0x9d: {  	v20 =	vld.idx.msk [tilespmem:v4+s20+$0x0], $0xffff  }
0x9e: {  	v21 =	vld.idx.msk [tilespmem:v5+s20+$0x0], $0xffff  }
0x9f: {  	v22 =	vld.idx.msk [tilespmem:v6+s20+$0x0], $0xffff  }
0xa0: {  	v23 =	vld.idx.msk [tilespmem:v10+s20+$0x0], $0xffff  }
0xa1: {  	v24 =	vld.idx.msk [tilespmem:v11+s20+$0x0], $0xffff  }
0xa2: {  	v25 =	vld.idx.msk [tilespmem:v12+s20+$0x0], $0xffff  }
0xa3: {  	v26 =	vld.idx.msk [tilespmem:v13+s20+$0x0], $0xffff  }
0xa4: {  	v27 =	vld.idx.msk [tilespmem:v14+s20+$0x0], $0xffff  }
0xa5: {  	v28 =	vld.idx.msk [tilespmem:v15+s20+$0x0], $0xffff  }
0xa6: {  	v29 =	vld.idx.msk [tilespmem:v16+s20+$0x0], $0xffff  }
0xa7: {  	v30 =	vld.idx.msk [tilespmem:v17+s20+$0x0], $0xffff  }
0xa8: {  	[tilespmem:v8+s29+$0x0] =	vst.idx.add.f32.msk $0xffff, v9  }
0xa9: {  	v9 =	vld.idx.msk [tilespmem:v2+s20+$0x0], $0xffff  }
0xaa: {  	[tilespmem:v34+s29+$0x0] =	vst.idx.add.f32.msk $0xffff, v19  }
0xab: {  	[tilespmem:v35+s29+$0x0] =	vst.idx.add.f32.msk $0xffff, v20  }
0xac: {  	[tilespmem:v36+s29+$0x0] =	vst.idx.add.f32.msk $0xffff, v21  }
0xad: {  	[tilespmem:v37+s29+$0x0] =	vst.idx.add.f32.msk $0xffff, v22  }
0xae: {  	[tilespmem:v38+s29+$0x0] =	vst.idx.add.f32.msk $0xffff, v23  }
0xaf: {  	[tilespmem:v39+s29+$0x0] =	vst.idx.add.f32.msk $0xffff, v24  }
0xb0: {  	[tilespmem:v40+s29+$0x0] =	vst.idx.add.f32.msk $0xffff, v25  }
0xb1: {  	[tilespmem:v41+s29+$0x0] =	vst.idx.add.f32.msk $0xffff, v26  }
0xb2: {  	[tilespmem:v42+s29+$0x0] =	vst.idx.add.f32.msk $0xffff, v27  }
0xb3: {  	[tilespmem:v43+s29+$0x0] =	vst.idx.add.f32.msk $0xffff, v28  }
0xb4: {  	[tilespmem:v44+s29+$0x0] =	vst.idx.add.f32.msk $0xffff, v29  }
0xb5: {  	[tilespmem:v45+s29+$0x0] =	vst.idx.add.f32.msk $0xffff, v30  }
0xb6: {  	v7 =	vld.idx.msk [tilespmem:v7+s21+$0x0], $0xffff  }
0xb7: {  	v3 =	vld.idx.msk [tilespmem:v3+s21+$0x0], $0xffff  }
0xb8: {  	v4 =	vld.idx.msk [tilespmem:v4+s21+$0x0], $0xffff  }
0xb9: {  	v5 =	vld.idx.msk [tilespmem:v5+s21+$0x0], $0xffff  }
0xba: {  	v6 =	vld.idx.msk [tilespmem:v6+s21+$0x0], $0xffff  }
0xbb: {  	v56 =	vld.idx.msk [tilespmem:v10+s21+$0x0], $0xffff  }
0xbc: {  	v57 =	vld.idx.msk [tilespmem:v11+s21+$0x0], $0xffff  }
0xbd: {  	v58 =	vld.idx.msk [tilespmem:v12+s21+$0x0], $0xffff  }
0xbe: {  	v59 =	vld.idx.msk [tilespmem:v13+s21+$0x0], $0xffff  }
0xbf: {  	v60 =	vld.idx.msk [tilespmem:v14+s21+$0x0], $0xffff  }
0xc0: {  	v61 =	vld.idx.msk [tilespmem:v15+s21+$0x0], $0xffff  }
0xc1: {  	v62 =	vld.idx.msk [tilespmem:v16+s21+$0x0], $0xffff  }
0xc2: {  	v63 =	vld.idx.msk [tilespmem:v17+s21+$0x0], $0xffff  }
0xc3: {  	[tilespmem:v33+s29+$0x0] =	vst.idx.add.f32.msk $0xffff, v9  }
0xc4: {  	[tilespmem:v8+s30+$0x0] =	vst.idx.add.f32.msk $0xffff, v7  }
0xc5: {  	v7 =	vld.idx.msk [tilespmem:v18+s20+$0x0], $0xffff  }
0xc6: {  	v8 =	vld.idx.msk [tilespmem:v1+s20+$0x0], $0xffff  }
0xc7: {  	v2 =	vld.idx.msk [tilespmem:v2+s21+$0x0], $0xffff  }
0xc8: {  	[tilespmem:v34+s30+$0x0] =	vst.idx.add.f32.msk $0xffff, v3  }
0xc9: {  	[tilespmem:v35+s30+$0x0] =	vst.idx.add.f32.msk $0xffff, v4  }
0xca: {  	[tilespmem:v36+s30+$0x0] =	vst.idx.add.f32.msk $0xffff, v5  }
0xcb: {  	[tilespmem:v37+s30+$0x0] =	vst.idx.add.f32.msk $0xffff, v6  }
0xcc: {  	[tilespmem:v38+s30+$0x0] =	vst.idx.add.f32.msk $0xffff, v56  }
0xcd: {  	[tilespmem:v39+s30+$0x0] =	vst.idx.add.f32.msk $0xffff, v57  }
0xce: {  	[tilespmem:v40+s30+$0x0] =	vst.idx.add.f32.msk $0xffff, v58  }
0xcf: {  	[tilespmem:v41+s30+$0x0] =	vst.idx.add.f32.msk $0xffff, v59  }
0xd0: {  	[tilespmem:v42+s30+$0x0] =	vst.idx.add.f32.msk $0xffff, v60  }
0xd1: {  	[tilespmem:v43+s30+$0x0] =	vst.idx.add.f32.msk $0xffff, v61  }
0xd2: {  	[tilespmem:v31+s29+$0x0] =	vst.idx.add.f32.msk $0xffff, v7  }
0xd3: {  	[tilespmem:v32+s29+$0x0] =	vst.idx.add.f32.msk $0xffff, v8  }
0xd4: {  	v7 =	vld.idx.msk [tilespmem:v18+s21+$0x0], $0xffff  }
0xd5: {  	v1 =	vld.idx.msk [tilespmem:v1+s21+$0x0], $0xffff  }
0xd6: {  	[tilespmem:v44+s30+$0x0] =	vst.idx.add.f32.msk $0xffff, v62  }
0xd7: {  	[tilespmem:v45+s30+$0x0] =	vst.idx.add.f32.msk $0xffff, v63  }
0xd8: {  	[tilespmem:v33+s30+$0x0] =	vst.idx.add.f32.msk $0xffff, v2  }
0xd9: {  	[tilespmem:v31+s30+$0x0] =	vst.idx.add.f32.msk $0xffff, v7  }
0xda: {  	s6 =	simm.s32 $0x0;
	s7 =	simm.s32 $0x13D80;
	[tilespmem:v32+s30+$0x0] =	vst.idx.add.f32.msk $0xffff, v1  }
.LBB2_5:
0xdb: {  	v16 =	vld [tilespmem:s7+$0x70];
	s6 =	sadd.s32 $0x10, s6  }
0xdc: {  	v1 =	vld [tilespmem:s7+$0xFFFFFF90];
	p0 =	slt.u32 s6, $0x180  }
0xdd: {  	v2 =	vld [tilespmem:s7+$0xFFFFFFA0]  }
0xde: {  	v3 =	vld [tilespmem:s7+$0xFFFFFFB0]  }
0xdf: {  	v4 =	vld [tilespmem:s7+$0xFFFFFFC0]  }
0xe0: {  	s5 =	sadd.s32 $0x100, s5;
	v5 =	vld [tilespmem:s7+$0xFFFFFFD0]  }
0xe1: {  	v17 =	vld [tilespmem:s5+$0x70]  }
0xe2: {  	v6 =	vld [tilespmem:s7+$0xFFFFFFE0]  }
0xe3: {  	v12 =	vld.idx.msk [tilespmem:v16+s2+$0x0], $0xffff  }
0xe4: {  	v7 =	vld [tilespmem:s7+$0xFFFFFFF0]  }
0xe5: {  	v8 =	vld [tilespmem:s7+$0x0]  }
0xe6: {  	v9 =	vld [tilespmem:s7+$0x10]  }
0xe7: {  	v10 =	vld [tilespmem:s7+$0x20]  }
0xe8: {  	v11 =	vld [tilespmem:s7+$0x30]  }
0xe9: {  	[tilespmem:v17+s26+$0x0] =	vst.idx.add.f32.msk $0xffff, v12  }
0xea: {  	v18 =	vld.idx.msk [tilespmem:v16+s19+$0x0], $0xffff  }
0xeb: {  	v12 =	vld [tilespmem:s7+$0x40]  }
0xec: {  	v13 =	vld [tilespmem:s7+$0x50]  }
0xed: {  	v14 =	vld [tilespmem:s7+$0x60]  }
0xee: {  	v15 =	vld [tilespmem:s7+$0xFFFFFF80]  }
0xef: {  	v31 =	vld.idx.msk [tilespmem:v1+s2+$0x0], $0xffff  }
0xf0: {  	[tilespmem:v17+s28+$0x0] =	vst.idx.add.f32.msk $0xffff, v18  }
0xf1: {  	v18 =	vld.idx.msk [tilespmem:v16+s20+$0x0], $0xffff  }
0xf2: {  	v32 =	vld.idx.msk [tilespmem:v2+s2+$0x0], $0xffff  }
0xf3: {  	v33 =	vld.idx.msk [tilespmem:v3+s2+$0x0], $0xffff  }
0xf4: {  	v34 =	vld.idx.msk [tilespmem:v4+s2+$0x0], $0xffff  }
0xf5: {  	v35 =	vld.idx.msk [tilespmem:v5+s2+$0x0], $0xffff  }
0xf6: {  	v36 =	vld.idx.msk [tilespmem:v15+s2+$0x0], $0xffff  }
0xf7: {  	[tilespmem:v17+s29+$0x0] =	vst.idx.add.f32.msk $0xffff, v18  }
0xf8: {  	v16 =	vld.idx.msk [tilespmem:v16+s21+$0x0], $0xffff  }
0xf9: {  	v37 =	vld.idx.msk [tilespmem:v6+s2+$0x0], $0xffff  }
0xfa: {  	v38 =	vld.idx.msk [tilespmem:v7+s2+$0x0], $0xffff  }
0xfb: {  	v39 =	vld.idx.msk [tilespmem:v8+s2+$0x0], $0xffff  }
0xfc: {  	v40 =	vld.idx.msk [tilespmem:v9+s2+$0x0], $0xffff  }
0xfd: {  	v41 =	vld.idx.msk [tilespmem:v10+s2+$0x0], $0xffff  }
0xfe: {  	[tilespmem:v17+s30+$0x0] =	vst.idx.add.f32.msk $0xffff, v16  }
0xff: {  	v42 =	vld.idx.msk [tilespmem:v11+s2+$0x0], $0xffff  }
0x100: {  	v43 =	vld.idx.msk [tilespmem:v12+s2+$0x0], $0xffff  }
0x101: {  	v44 =	vld.idx.msk [tilespmem:v13+s2+$0x0], $0xffff  }
0x102: {  	v45 =	vld.idx.msk [tilespmem:v14+s2+$0x0], $0xffff  }
0x103: {  	v16 =	vld [tilespmem:s5+$0xFFFFFF80]  }
0x104: {  	v17 =	vld [tilespmem:s5+$0xFFFFFF90]  }
0x105: {  	v18 =	vld [tilespmem:s5+$0xFFFFFFA0]  }
0x106: {  	v19 =	vld [tilespmem:s5+$0xFFFFFFB0]  }
0x107: {  	v20 =	vld [tilespmem:s5+$0xFFFFFFC0]  }
0x108: {  	v21 =	vld [tilespmem:s5+$0xFFFFFFD0]  }
0x109: {  	v22 =	vld [tilespmem:s5+$0xFFFFFFE0]  }
0x10a: {  	v23 =	vld [tilespmem:s5+$0xFFFFFFF0]  }
0x10b: {  	v24 =	vld [tilespmem:s5+$0x0]  }
0x10c: {  	v25 =	vld [tilespmem:s5+$0x10]  }
0x10d: {  	v26 =	vld [tilespmem:s5+$0x20]  }
0x10e: {  	v27 =	vld [tilespmem:s5+$0x30]  }
0x10f: {  	v28 =	vld [tilespmem:s5+$0x40]  }
0x110: {  	v29 =	vld [tilespmem:s5+$0x50]  }
0x111: {  	v30 =	vld [tilespmem:s5+$0x60]  }
0x112: {  	[tilespmem:v16+s26+$0x0] =	vst.idx.add.f32.msk $0xffff, v36  }
0x113: {  	[tilespmem:v17+s26+$0x0] =	vst.idx.add.f32.msk $0xffff, v31  }
0x114: {  	[tilespmem:v18+s26+$0x0] =	vst.idx.add.f32.msk $0xffff, v32  }
0x115: {  	[tilespmem:v19+s26+$0x0] =	vst.idx.add.f32.msk $0xffff, v33  }
0x116: {  	[tilespmem:v20+s26+$0x0] =	vst.idx.add.f32.msk $0xffff, v34  }
0x117: {  	[tilespmem:v21+s26+$0x0] =	vst.idx.add.f32.msk $0xffff, v35  }
0x118: {  	[tilespmem:v22+s26+$0x0] =	vst.idx.add.f32.msk $0xffff, v37  }
0x119: {  	[tilespmem:v23+s26+$0x0] =	vst.idx.add.f32.msk $0xffff, v38  }
0x11a: {  	[tilespmem:v24+s26+$0x0] =	vst.idx.add.f32.msk $0xffff, v39  }
0x11b: {  	[tilespmem:v25+s26+$0x0] =	vst.idx.add.f32.msk $0xffff, v40  }
0x11c: {  	[tilespmem:v26+s26+$0x0] =	vst.idx.add.f32.msk $0xffff, v41  }
0x11d: {  	[tilespmem:v27+s26+$0x0] =	vst.idx.add.f32.msk $0xffff, v42  }
0x11e: {  	[tilespmem:v28+s26+$0x0] =	vst.idx.add.f32.msk $0xffff, v43  }
0x11f: {  	[tilespmem:v29+s26+$0x0] =	vst.idx.add.f32.msk $0xffff, v44  }
0x120: {  	[tilespmem:v30+s26+$0x0] =	vst.idx.add.f32.msk $0xffff, v45  }
0x121: {  	v31 =	vld.idx.msk [tilespmem:v15+s19+$0x0], $0xffff  }
0x122: {  	v32 =	vld.idx.msk [tilespmem:v1+s19+$0x0], $0xffff  }
0x123: {  	v33 =	vld.idx.msk [tilespmem:v2+s19+$0x0], $0xffff  }
0x124: {  	v34 =	vld.idx.msk [tilespmem:v3+s19+$0x0], $0xffff  }
0x125: {  	v35 =	vld.idx.msk [tilespmem:v4+s19+$0x0], $0xffff  }
0x126: {  	v36 =	vld.idx.msk [tilespmem:v5+s19+$0x0], $0xffff  }
0x127: {  	v37 =	vld.idx.msk [tilespmem:v6+s19+$0x0], $0xffff  }
0x128: {  	v38 =	vld.idx.msk [tilespmem:v7+s19+$0x0], $0xffff  }
0x129: {  	v39 =	vld.idx.msk [tilespmem:v8+s19+$0x0], $0xffff  }
0x12a: {  	v40 =	vld.idx.msk [tilespmem:v9+s19+$0x0], $0xffff  }
0x12b: {  	v41 =	vld.idx.msk [tilespmem:v10+s19+$0x0], $0xffff  }
0x12c: {  	v42 =	vld.idx.msk [tilespmem:v11+s19+$0x0], $0xffff  }
0x12d: {  	v43 =	vld.idx.msk [tilespmem:v12+s19+$0x0], $0xffff  }
0x12e: {  	v44 =	vld.idx.msk [tilespmem:v13+s19+$0x0], $0xffff  }
0x12f: {  	v45 =	vld.idx.msk [tilespmem:v14+s19+$0x0], $0xffff  }
0x130: {  	[tilespmem:v16+s28+$0x0] =	vst.idx.add.f32.msk $0xffff, v31  }
0x131: {  	[tilespmem:v17+s28+$0x0] =	vst.idx.add.f32.msk $0xffff, v32  }
0x132: {  	[tilespmem:v18+s28+$0x0] =	vst.idx.add.f32.msk $0xffff, v33  }
0x133: {  	[tilespmem:v19+s28+$0x0] =	vst.idx.add.f32.msk $0xffff, v34  }
0x134: {  	[tilespmem:v20+s28+$0x0] =	vst.idx.add.f32.msk $0xffff, v35  }
0x135: {  	[tilespmem:v21+s28+$0x0] =	vst.idx.add.f32.msk $0xffff, v36  }
0x136: {  	[tilespmem:v22+s28+$0x0] =	vst.idx.add.f32.msk $0xffff, v37  }
0x137: {  	[tilespmem:v23+s28+$0x0] =	vst.idx.add.f32.msk $0xffff, v38  }
0x138: {  	[tilespmem:v24+s28+$0x0] =	vst.idx.add.f32.msk $0xffff, v39  }
0x139: {  	[tilespmem:v25+s28+$0x0] =	vst.idx.add.f32.msk $0xffff, v40  }
0x13a: {  	[tilespmem:v26+s28+$0x0] =	vst.idx.add.f32.msk $0xffff, v41  }
0x13b: {  	[tilespmem:v27+s28+$0x0] =	vst.idx.add.f32.msk $0xffff, v42  }
0x13c: {  	[tilespmem:v28+s28+$0x0] =	vst.idx.add.f32.msk $0xffff, v43  }
0x13d: {  	[tilespmem:v29+s28+$0x0] =	vst.idx.add.f32.msk $0xffff, v44  }
0x13e: {  	[tilespmem:v30+s28+$0x0] =	vst.idx.add.f32.msk $0xffff, v45  }
0x13f: {  	v31 =	vld.idx.msk [tilespmem:v15+s20+$0x0], $0xffff  }
0x140: {  	v32 =	vld.idx.msk [tilespmem:v1+s20+$0x0], $0xffff  }
0x141: {  	v33 =	vld.idx.msk [tilespmem:v2+s20+$0x0], $0xffff  }
0x142: {  	v34 =	vld.idx.msk [tilespmem:v3+s20+$0x0], $0xffff  }
0x143: {  	v35 =	vld.idx.msk [tilespmem:v4+s20+$0x0], $0xffff  }
0x144: {  	v36 =	vld.idx.msk [tilespmem:v5+s20+$0x0], $0xffff  }
0x145: {  	v37 =	vld.idx.msk [tilespmem:v6+s20+$0x0], $0xffff  }
0x146: {  	v38 =	vld.idx.msk [tilespmem:v7+s20+$0x0], $0xffff  }
0x147: {  	v39 =	vld.idx.msk [tilespmem:v8+s20+$0x0], $0xffff  }
0x148: {  	v40 =	vld.idx.msk [tilespmem:v9+s20+$0x0], $0xffff  }
0x149: {  	v41 =	vld.idx.msk [tilespmem:v10+s20+$0x0], $0xffff  }
0x14a: {  	v42 =	vld.idx.msk [tilespmem:v11+s20+$0x0], $0xffff  }
0x14b: {  	v43 =	vld.idx.msk [tilespmem:v12+s20+$0x0], $0xffff  }
0x14c: {  	v44 =	vld.idx.msk [tilespmem:v13+s20+$0x0], $0xffff  }
0x14d: {  	v45 =	vld.idx.msk [tilespmem:v14+s20+$0x0], $0xffff  }
0x14e: {  	[tilespmem:v16+s29+$0x0] =	vst.idx.add.f32.msk $0xffff, v31  }
0x14f: {  	[tilespmem:v17+s29+$0x0] =	vst.idx.add.f32.msk $0xffff, v32  }
0x150: {  	[tilespmem:v18+s29+$0x0] =	vst.idx.add.f32.msk $0xffff, v33  }
0x151: {  	[tilespmem:v19+s29+$0x0] =	vst.idx.add.f32.msk $0xffff, v34  }
0x152: {  	[tilespmem:v20+s29+$0x0] =	vst.idx.add.f32.msk $0xffff, v35  }
0x153: {  	[tilespmem:v21+s29+$0x0] =	vst.idx.add.f32.msk $0xffff, v36  }
0x154: {  	[tilespmem:v22+s29+$0x0] =	vst.idx.add.f32.msk $0xffff, v37  }
0x155: {  	[tilespmem:v23+s29+$0x0] =	vst.idx.add.f32.msk $0xffff, v38  }
0x156: {  	[tilespmem:v24+s29+$0x0] =	vst.idx.add.f32.msk $0xffff, v39  }
0x157: {  	[tilespmem:v25+s29+$0x0] =	vst.idx.add.f32.msk $0xffff, v40  }
0x158: {  	[tilespmem:v26+s29+$0x0] =	vst.idx.add.f32.msk $0xffff, v41  }
0x159: {  	[tilespmem:v27+s29+$0x0] =	vst.idx.add.f32.msk $0xffff, v42  }
0x15a: {  	[tilespmem:v28+s29+$0x0] =	vst.idx.add.f32.msk $0xffff, v43  }
0x15b: {  	[tilespmem:v29+s29+$0x0] =	vst.idx.add.f32.msk $0xffff, v44  }
0x15c: {  	[tilespmem:v30+s29+$0x0] =	vst.idx.add.f32.msk $0xffff, v45  }
0x15d: {  	v15 =	vld.idx.msk [tilespmem:v15+s21+$0x0], $0xffff  }
0x15e: {  	v1 =	vld.idx.msk [tilespmem:v1+s21+$0x0], $0xffff  }
0x15f: {  	v2 =	vld.idx.msk [tilespmem:v2+s21+$0x0], $0xffff  }
0x160: {  	v3 =	vld.idx.msk [tilespmem:v3+s21+$0x0], $0xffff  }
0x161: {  	v4 =	vld.idx.msk [tilespmem:v4+s21+$0x0], $0xffff  }
0x162: {  	v5 =	vld.idx.msk [tilespmem:v5+s21+$0x0], $0xffff  }
0x163: {  	v6 =	vld.idx.msk [tilespmem:v6+s21+$0x0], $0xffff  }
0x164: {  	v7 =	vld.idx.msk [tilespmem:v7+s21+$0x0], $0xffff  }
0x165: {  	v8 =	vld.idx.msk [tilespmem:v8+s21+$0x0], $0xffff  }
0x166: {  	v9 =	vld.idx.msk [tilespmem:v9+s21+$0x0], $0xffff  }
0x167: {  	v10 =	vld.idx.msk [tilespmem:v10+s21+$0x0], $0xffff  }
0x168: {  	v11 =	vld.idx.msk [tilespmem:v11+s21+$0x0], $0xffff  }
0x169: {  	v12 =	vld.idx.msk [tilespmem:v12+s21+$0x0], $0xffff  }
0x16a: {  	v13 =	vld.idx.msk [tilespmem:v13+s21+$0x0], $0xffff  }
0x16b: {  	v14 =	vld.idx.msk [tilespmem:v14+s21+$0x0], $0xffff  }
0x16c: {  	[tilespmem:v16+s30+$0x0] =	vst.idx.add.f32.msk $0xffff, v15  }
0x16d: {  	[tilespmem:v17+s30+$0x0] =	vst.idx.add.f32.msk $0xffff, v1  }
0x16e: {  	[tilespmem:v18+s30+$0x0] =	vst.idx.add.f32.msk $0xffff, v2  }
0x16f: {  	[tilespmem:v19+s30+$0x0] =	vst.idx.add.f32.msk $0xffff, v3  }
0x170: {  	[tilespmem:v20+s30+$0x0] =	vst.idx.add.f32.msk $0xffff, v4  }
0x171: {  	[tilespmem:v21+s30+$0x0] =	vst.idx.add.f32.msk $0xffff, v5  }
0x172: {  	[tilespmem:v22+s30+$0x0] =	vst.idx.add.f32.msk $0xffff, v6  }
0x173: {  	[tilespmem:v23+s30+$0x0] =	vst.idx.add.f32.msk $0xffff, v7  }
0x174: {  	[tilespmem:v24+s30+$0x0] =	vst.idx.add.f32.msk $0xffff, v8  }
0x175: {  	[tilespmem:v25+s30+$0x0] =	vst.idx.add.f32.msk $0xffff, v9  }
.Ltmp1:
0x176: {  	[tilespmem:v26+s30+$0x0] =	vst.idx.add.f32.msk $0xffff, v10;
	(pc) =	sbr.rel @p0 .LBB2_5-.Ltmp1, $4  }
0x177: {  	[tilespmem:v27+s30+$0x0] =	vst.idx.add.f32.msk $0xffff, v11  }
0x178: {  	[tilespmem:v28+s30+$0x0] =	vst.idx.add.f32.msk $0xffff, v12  }
0x179: {  	[tilespmem:v29+s30+$0x0] =	vst.idx.add.f32.msk $0xffff, v13  }
0x17a: {  	s7 =	sadd.s32 $0x100, s7;
	[tilespmem:v30+s30+$0x0] =	vst.idx.add.f32.msk $0xffff, v14  }
0x17b: {  	p0 =	seq.s32 s14, $0x18  }
0x17c: {  	s5 =	sshrl.u32 @!p0 s15, $0x3  }
0x17d: {  	s5 =	sadd.s32 @!p0 $0x640, s5  }
0x17e: {  	s7 =	simm.s32 @!p0 $0x0;
	s15 =	simm.s32 @!p0 $0x13C00;
	s6 =	sadd.s32 @!p0 s3, s5  }
0x17f: {  	[tilespmem:s15], [sflag:$0x1] =	stream.linear.gather @!p0 [hbm4b:s6+s7], $0x1900, $0x38;
	[tilespmem:$0x1A000] =	vst v63  }
0x180: {  	s5 =	sadd.s32 @!p0 s4, s5;
	s6 =	simm.s32 @!p0 $0x15500  }
0x181: {  	[tilespmem:s6], [sflag:$0x2] =	stream.linear.gather @!p0 [hbm4b:s5+s7], $0x1900, $0x38;
	[tilespmem:$0x1A000] =	vst v63  }
0x182: {  	_ =	swait.ge [sflag:s31], $0x1900  }
0x183: {  	[sflag:s31] =	ssyncset.done $0x0  }
0x184: {  	[sflag:s31] =	ssyncadd.s32 $0xFFFFE700  }
0x185: {  	_ =	swait.ge [sflag:s0], $0x1900  }
0x186: {  	[sflag:s0] =	ssyncset.done $0x0  }
0x187: {  	s15 =	simm.s32 $0x16E80;
	[sflag:s0] =	ssyncadd.s32 $0xFFFFE700  }
0x188: {  	v7 =	vld [tilespmem:s15+$0x70]  }
0x189: {  	v1 =	vld [tilespmem:s15+$0xFFFFFF90]  }
0x18a: {  	v2 =	vld [tilespmem:s15+$0xFFFFFFA0]  }
0x18b: {  	v3 =	vld [tilespmem:s15+$0xFFFFFFB0]  }
0x18c: {  	v4 =	vld [tilespmem:s15+$0xFFFFFFC0]  }
0x18d: {  	s5 =	simm.s32 $0x18780;
	v5 =	vld [tilespmem:s15+$0xFFFFFFD0]  }
0x18e: {  	v8 =	vld [tilespmem:s5+$0x70]  }
0x18f: {  	v6 =	vld [tilespmem:s15+$0xFFFFFFE0]  }
0x190: {  	v10 =	vld [tilespmem:s15+$0xFFFFFFF0]  }
0x191: {  	v11 =	vld [tilespmem:s15+$0x0]  }
0x192: {  	v12 =	vld [tilespmem:s15+$0x10]  }
0x193: {  	v13 =	vld [tilespmem:s15+$0x20]  }
0x194: {  	v14 =	vld [tilespmem:s15+$0x30]  }
0x195: {  	v15 =	vld [tilespmem:s15+$0x40]  }
0x196: {  	v16 =	vld [tilespmem:s15+$0x50]  }
0x197: {  	v17 =	vld [tilespmem:s15+$0x60]  }
0x198: {  	v18 =	vld [tilespmem:s15+$0xFFFFFF80]  }
0x199: {  	v31 =	vld [tilespmem:s5+$0xFFFFFF80]  }
0x19a: {  	v32 =	vld [tilespmem:s5+$0xFFFFFF90]  }
0x19b: {  	v33 =	vld [tilespmem:s5+$0xFFFFFFA0]  }
0x19c: {  	v34 =	vld [tilespmem:s5+$0xFFFFFFB0]  }
0x19d: {  	v35 =	vld [tilespmem:s5+$0xFFFFFFC0]  }
0x19e: {  	v36 =	vld [tilespmem:s5+$0xFFFFFFD0]  }
0x19f: {  	v37 =	vld [tilespmem:s5+$0xFFFFFFE0]  }
0x1a0: {  	v38 =	vld [tilespmem:s5+$0xFFFFFFF0]  }
0x1a1: {  	v39 =	vld [tilespmem:s5+$0x0]  }
0x1a2: {  	v40 =	vld [tilespmem:s5+$0x10]  }
0x1a3: {  	v41 =	vld [tilespmem:s5+$0x20]  }
0x1a4: {  	v42 =	vld [tilespmem:s5+$0x30]  }
0x1a5: {  	v43 =	vld [tilespmem:s5+$0x40]  }
0x1a6: {  	v44 =	vld [tilespmem:s5+$0x50]  }
0x1a7: {  	v45 =	vld [tilespmem:s5+$0x60]  }
0x1a8: {  	v9 =	vld.idx.msk [tilespmem:v7+s2+$0x0], $0xffff  }
0x1a9: {  	v19 =	vld.idx.msk [tilespmem:v1+s2+$0x0], $0xffff  }
0x1aa: {  	v20 =	vld.idx.msk [tilespmem:v2+s2+$0x0], $0xffff  }
0x1ab: {  	v21 =	vld.idx.msk [tilespmem:v3+s2+$0x0], $0xffff  }
0x1ac: {  	v22 =	vld.idx.msk [tilespmem:v4+s2+$0x0], $0xffff  }
0x1ad: {  	v23 =	vld.idx.msk [tilespmem:v5+s2+$0x0], $0xffff  }
0x1ae: {  	v24 =	vld.idx.msk [tilespmem:v18+s2+$0x0], $0xffff  }
0x1af: {  	v58 =	vld.idx.msk [tilespmem:v6+s2+$0x0], $0xffff  }
0x1b0: {  	v25 =	vld.idx.msk [tilespmem:v10+s2+$0x0], $0xffff  }
0x1b1: {  	v26 =	vld.idx.msk [tilespmem:v11+s2+$0x0], $0xffff  }
0x1b2: {  	v27 =	vld.idx.msk [tilespmem:v12+s2+$0x0], $0xffff  }
0x1b3: {  	v28 =	vld.idx.msk [tilespmem:v13+s2+$0x0], $0xffff  }
0x1b4: {  	v59 =	vld.idx.msk [tilespmem:v14+s2+$0x0], $0xffff  }
0x1b5: {  	v60 =	vld.idx.msk [tilespmem:v15+s2+$0x0], $0xffff  }
0x1b6: {  	v29 =	vld.idx.msk [tilespmem:v16+s2+$0x0], $0xffff  }
0x1b7: {  	v30 =	vld.idx.msk [tilespmem:v17+s2+$0x0], $0xffff  }
0x1b8: {  	[tilespmem:v8+s26+$0x0] =	vst.idx.add.f32.msk $0xffff, v9  }
0x1b9: {  	[tilespmem:v31+s26+$0x0] =	vst.idx.add.f32.msk $0xffff, v24  }
0x1ba: {  	[tilespmem:v32+s26+$0x0] =	vst.idx.add.f32.msk $0xffff, v19  }
0x1bb: {  	[tilespmem:v33+s26+$0x0] =	vst.idx.add.f32.msk $0xffff, v20  }
0x1bc: {  	[tilespmem:v34+s26+$0x0] =	vst.idx.add.f32.msk $0xffff, v21  }
0x1bd: {  	[tilespmem:v35+s26+$0x0] =	vst.idx.add.f32.msk $0xffff, v22  }
0x1be: {  	[tilespmem:v36+s26+$0x0] =	vst.idx.add.f32.msk $0xffff, v23  }
0x1bf: {  	[tilespmem:v37+s26+$0x0] =	vst.idx.add.f32.msk $0xffff, v58  }
0x1c0: {  	[tilespmem:v38+s26+$0x0] =	vst.idx.add.f32.msk $0xffff, v25  }
0x1c1: {  	[tilespmem:v39+s26+$0x0] =	vst.idx.add.f32.msk $0xffff, v26  }
0x1c2: {  	[tilespmem:v40+s26+$0x0] =	vst.idx.add.f32.msk $0xffff, v27  }
0x1c3: {  	[tilespmem:v41+s26+$0x0] =	vst.idx.add.f32.msk $0xffff, v28  }
0x1c4: {  	[tilespmem:v42+s26+$0x0] =	vst.idx.add.f32.msk $0xffff, v59  }
0x1c5: {  	[tilespmem:v43+s26+$0x0] =	vst.idx.add.f32.msk $0xffff, v60  }
0x1c6: {  	[tilespmem:v44+s26+$0x0] =	vst.idx.add.f32.msk $0xffff, v29  }
0x1c7: {  	[tilespmem:v45+s26+$0x0] =	vst.idx.add.f32.msk $0xffff, v30  }
0x1c8: {  	v9 =	vld.idx.msk [tilespmem:v7+s19+$0x0], $0xffff  }
0x1c9: {  	v61 =	vld.idx.msk [tilespmem:v18+s19+$0x0], $0xffff  }
0x1ca: {  	v62 =	vld.idx.msk [tilespmem:v1+s19+$0x0], $0xffff  }
0x1cb: {  	v63 =	vld.idx.msk [tilespmem:v2+s19+$0x0], $0xffff  }
0x1cc: {  	v46 =	vld.idx.msk [tilespmem:v3+s19+$0x0], $0xffff  }
0x1cd: {  	v47 =	vld.idx.msk [tilespmem:v4+s19+$0x0], $0xffff  }
0x1ce: {  	v48 =	vld.idx.msk [tilespmem:v5+s19+$0x0], $0xffff  }
0x1cf: {  	v49 =	vld.idx.msk [tilespmem:v6+s19+$0x0], $0xffff  }
0x1d0: {  	v50 =	vld.idx.msk [tilespmem:v10+s19+$0x0], $0xffff  }
0x1d1: {  	v51 =	vld.idx.msk [tilespmem:v11+s19+$0x0], $0xffff  }
0x1d2: {  	v52 =	vld.idx.msk [tilespmem:v12+s19+$0x0], $0xffff  }
0x1d3: {  	v53 =	vld.idx.msk [tilespmem:v13+s19+$0x0], $0xffff  }
0x1d4: {  	v54 =	vld.idx.msk [tilespmem:v14+s19+$0x0], $0xffff  }
0x1d5: {  	v55 =	vld.idx.msk [tilespmem:v15+s19+$0x0], $0xffff  }
0x1d6: {  	v29 =	vld.idx.msk [tilespmem:v16+s19+$0x0], $0xffff  }
0x1d7: {  	v30 =	vld.idx.msk [tilespmem:v17+s19+$0x0], $0xffff  }
0x1d8: {  	[tilespmem:v8+s28+$0x0] =	vst.idx.add.f32.msk $0xffff, v9  }
0x1d9: {  	[tilespmem:v31+s28+$0x0] =	vst.idx.add.f32.msk $0xffff, v61  }
0x1da: {  	[tilespmem:v32+s28+$0x0] =	vst.idx.add.f32.msk $0xffff, v62  }
0x1db: {  	[tilespmem:v33+s28+$0x0] =	vst.idx.add.f32.msk $0xffff, v63  }
0x1dc: {  	[tilespmem:v34+s28+$0x0] =	vst.idx.add.f32.msk $0xffff, v46  }
0x1dd: {  	[tilespmem:v35+s28+$0x0] =	vst.idx.add.f32.msk $0xffff, v47  }
0x1de: {  	[tilespmem:v36+s28+$0x0] =	vst.idx.add.f32.msk $0xffff, v48  }
0x1df: {  	[tilespmem:v37+s28+$0x0] =	vst.idx.add.f32.msk $0xffff, v49  }
0x1e0: {  	[tilespmem:v38+s28+$0x0] =	vst.idx.add.f32.msk $0xffff, v50  }
0x1e1: {  	[tilespmem:v39+s28+$0x0] =	vst.idx.add.f32.msk $0xffff, v51  }
0x1e2: {  	[tilespmem:v40+s28+$0x0] =	vst.idx.add.f32.msk $0xffff, v52  }
0x1e3: {  	[tilespmem:v41+s28+$0x0] =	vst.idx.add.f32.msk $0xffff, v53  }
0x1e4: {  	[tilespmem:v42+s28+$0x0] =	vst.idx.add.f32.msk $0xffff, v54  }
0x1e5: {  	[tilespmem:v43+s28+$0x0] =	vst.idx.add.f32.msk $0xffff, v55  }
0x1e6: {  	[tilespmem:v44+s28+$0x0] =	vst.idx.add.f32.msk $0xffff, v29  }
0x1e7: {  	[tilespmem:v45+s28+$0x0] =	vst.idx.add.f32.msk $0xffff, v30  }
0x1e8: {  	v9 =	vld.idx.msk [tilespmem:v7+s20+$0x0], $0xffff  }
0x1e9: {  	v19 =	vld.idx.msk [tilespmem:v3+s20+$0x0], $0xffff  }
0x1ea: {  	v20 =	vld.idx.msk [tilespmem:v4+s20+$0x0], $0xffff  }
0x1eb: {  	v21 =	vld.idx.msk [tilespmem:v5+s20+$0x0], $0xffff  }
0x1ec: {  	v22 =	vld.idx.msk [tilespmem:v6+s20+$0x0], $0xffff  }
0x1ed: {  	v23 =	vld.idx.msk [tilespmem:v10+s20+$0x0], $0xffff  }
0x1ee: {  	v24 =	vld.idx.msk [tilespmem:v11+s20+$0x0], $0xffff  }
0x1ef: {  	v25 =	vld.idx.msk [tilespmem:v12+s20+$0x0], $0xffff  }
0x1f0: {  	v26 =	vld.idx.msk [tilespmem:v13+s20+$0x0], $0xffff  }
0x1f1: {  	v27 =	vld.idx.msk [tilespmem:v14+s20+$0x0], $0xffff  }
0x1f2: {  	v28 =	vld.idx.msk [tilespmem:v15+s20+$0x0], $0xffff  }
0x1f3: {  	v29 =	vld.idx.msk [tilespmem:v16+s20+$0x0], $0xffff  }
0x1f4: {  	v30 =	vld.idx.msk [tilespmem:v17+s20+$0x0], $0xffff  }
0x1f5: {  	[tilespmem:v8+s29+$0x0] =	vst.idx.add.f32.msk $0xffff, v9  }
0x1f6: {  	v9 =	vld.idx.msk [tilespmem:v2+s20+$0x0], $0xffff  }
0x1f7: {  	[tilespmem:v34+s29+$0x0] =	vst.idx.add.f32.msk $0xffff, v19  }
0x1f8: {  	[tilespmem:v35+s29+$0x0] =	vst.idx.add.f32.msk $0xffff, v20  }
0x1f9: {  	[tilespmem:v36+s29+$0x0] =	vst.idx.add.f32.msk $0xffff, v21  }
0x1fa: {  	[tilespmem:v37+s29+$0x0] =	vst.idx.add.f32.msk $0xffff, v22  }
0x1fb: {  	[tilespmem:v38+s29+$0x0] =	vst.idx.add.f32.msk $0xffff, v23  }
0x1fc: {  	[tilespmem:v39+s29+$0x0] =	vst.idx.add.f32.msk $0xffff, v24  }
0x1fd: {  	[tilespmem:v40+s29+$0x0] =	vst.idx.add.f32.msk $0xffff, v25  }
0x1fe: {  	[tilespmem:v41+s29+$0x0] =	vst.idx.add.f32.msk $0xffff, v26  }
0x1ff: {  	[tilespmem:v42+s29+$0x0] =	vst.idx.add.f32.msk $0xffff, v27  }
0x200: {  	[tilespmem:v43+s29+$0x0] =	vst.idx.add.f32.msk $0xffff, v28  }
0x201: {  	[tilespmem:v44+s29+$0x0] =	vst.idx.add.f32.msk $0xffff, v29  }
0x202: {  	[tilespmem:v45+s29+$0x0] =	vst.idx.add.f32.msk $0xffff, v30  }
0x203: {  	v7 =	vld.idx.msk [tilespmem:v7+s21+$0x0], $0xffff  }
0x204: {  	v3 =	vld.idx.msk [tilespmem:v3+s21+$0x0], $0xffff  }
0x205: {  	v4 =	vld.idx.msk [tilespmem:v4+s21+$0x0], $0xffff  }
0x206: {  	v5 =	vld.idx.msk [tilespmem:v5+s21+$0x0], $0xffff  }
0x207: {  	v6 =	vld.idx.msk [tilespmem:v6+s21+$0x0], $0xffff  }
0x208: {  	v56 =	vld.idx.msk [tilespmem:v10+s21+$0x0], $0xffff  }
0x209: {  	v57 =	vld.idx.msk [tilespmem:v11+s21+$0x0], $0xffff  }
0x20a: {  	v58 =	vld.idx.msk [tilespmem:v12+s21+$0x0], $0xffff  }
0x20b: {  	v59 =	vld.idx.msk [tilespmem:v13+s21+$0x0], $0xffff  }
0x20c: {  	v60 =	vld.idx.msk [tilespmem:v14+s21+$0x0], $0xffff  }
0x20d: {  	v61 =	vld.idx.msk [tilespmem:v15+s21+$0x0], $0xffff  }
0x20e: {  	v62 =	vld.idx.msk [tilespmem:v16+s21+$0x0], $0xffff  }
0x20f: {  	v63 =	vld.idx.msk [tilespmem:v17+s21+$0x0], $0xffff  }
0x210: {  	[tilespmem:v33+s29+$0x0] =	vst.idx.add.f32.msk $0xffff, v9  }
0x211: {  	[tilespmem:v8+s30+$0x0] =	vst.idx.add.f32.msk $0xffff, v7  }
0x212: {  	v7 =	vld.idx.msk [tilespmem:v18+s20+$0x0], $0xffff  }
0x213: {  	v8 =	vld.idx.msk [tilespmem:v1+s20+$0x0], $0xffff  }
0x214: {  	v2 =	vld.idx.msk [tilespmem:v2+s21+$0x0], $0xffff  }
0x215: {  	[tilespmem:v34+s30+$0x0] =	vst.idx.add.f32.msk $0xffff, v3  }
0x216: {  	[tilespmem:v35+s30+$0x0] =	vst.idx.add.f32.msk $0xffff, v4  }
0x217: {  	[tilespmem:v36+s30+$0x0] =	vst.idx.add.f32.msk $0xffff, v5  }
0x218: {  	[tilespmem:v37+s30+$0x0] =	vst.idx.add.f32.msk $0xffff, v6  }
0x219: {  	[tilespmem:v38+s30+$0x0] =	vst.idx.add.f32.msk $0xffff, v56  }
0x21a: {  	[tilespmem:v39+s30+$0x0] =	vst.idx.add.f32.msk $0xffff, v57  }
0x21b: {  	[tilespmem:v40+s30+$0x0] =	vst.idx.add.f32.msk $0xffff, v58  }
0x21c: {  	[tilespmem:v41+s30+$0x0] =	vst.idx.add.f32.msk $0xffff, v59  }
0x21d: {  	[tilespmem:v42+s30+$0x0] =	vst.idx.add.f32.msk $0xffff, v60  }
0x21e: {  	[tilespmem:v43+s30+$0x0] =	vst.idx.add.f32.msk $0xffff, v61  }
0x21f: {  	[tilespmem:v31+s29+$0x0] =	vst.idx.add.f32.msk $0xffff, v7  }
0x220: {  	[tilespmem:v32+s29+$0x0] =	vst.idx.add.f32.msk $0xffff, v8  }
0x221: {  	v7 =	vld.idx.msk [tilespmem:v18+s21+$0x0], $0xffff  }
0x222: {  	v1 =	vld.idx.msk [tilespmem:v1+s21+$0x0], $0xffff  }
0x223: {  	[tilespmem:v44+s30+$0x0] =	vst.idx.add.f32.msk $0xffff, v62  }
0x224: {  	[tilespmem:v45+s30+$0x0] =	vst.idx.add.f32.msk $0xffff, v63  }
0x225: {  	[tilespmem:v33+s30+$0x0] =	vst.idx.add.f32.msk $0xffff, v2  }
0x226: {  	[tilespmem:v31+s30+$0x0] =	vst.idx.add.f32.msk $0xffff, v7  }
0x227: {  	s6 =	simm.s32 $0x0;
	s7 =	simm.s32 $0x16F80;
	[tilespmem:v32+s30+$0x0] =	vst.idx.add.f32.msk $0xffff, v1  }
.LBB2_7:
0x228: {  	v16 =	vld [tilespmem:s7+$0x70];
	s6 =	sadd.s32 $0x10, s6  }
0x229: {  	v1 =	vld [tilespmem:s7+$0xFFFFFF90];
	p0 =	slt.u32 s6, $0x180  }
0x22a: {  	v2 =	vld [tilespmem:s7+$0xFFFFFFA0]  }
0x22b: {  	v3 =	vld [tilespmem:s7+$0xFFFFFFB0]  }
0x22c: {  	v4 =	vld [tilespmem:s7+$0xFFFFFFC0]  }
0x22d: {  	s5 =	sadd.s32 $0x100, s5;
	v5 =	vld [tilespmem:s7+$0xFFFFFFD0]  }
0x22e: {  	v17 =	vld [tilespmem:s5+$0x70]  }
0x22f: {  	v6 =	vld [tilespmem:s7+$0xFFFFFFE0]  }
0x230: {  	v12 =	vld.idx.msk [tilespmem:v16+s2+$0x0], $0xffff  }
0x231: {  	v7 =	vld [tilespmem:s7+$0xFFFFFFF0]  }
0x232: {  	v8 =	vld [tilespmem:s7+$0x0]  }
0x233: {  	v9 =	vld [tilespmem:s7+$0x10]  }
0x234: {  	v10 =	vld [tilespmem:s7+$0x20]  }
0x235: {  	v11 =	vld [tilespmem:s7+$0x30]  }
0x236: {  	[tilespmem:v17+s26+$0x0] =	vst.idx.add.f32.msk $0xffff, v12  }
0x237: {  	v18 =	vld.idx.msk [tilespmem:v16+s19+$0x0], $0xffff  }
0x238: {  	v12 =	vld [tilespmem:s7+$0x40]  }
0x239: {  	v13 =	vld [tilespmem:s7+$0x50]  }
0x23a: {  	v14 =	vld [tilespmem:s7+$0x60]  }
0x23b: {  	v15 =	vld [tilespmem:s7+$0xFFFFFF80]  }
0x23c: {  	v31 =	vld.idx.msk [tilespmem:v1+s2+$0x0], $0xffff  }
0x23d: {  	[tilespmem:v17+s28+$0x0] =	vst.idx.add.f32.msk $0xffff, v18  }
0x23e: {  	v18 =	vld.idx.msk [tilespmem:v16+s20+$0x0], $0xffff  }
0x23f: {  	v32 =	vld.idx.msk [tilespmem:v2+s2+$0x0], $0xffff  }
0x240: {  	v33 =	vld.idx.msk [tilespmem:v3+s2+$0x0], $0xffff  }
0x241: {  	v34 =	vld.idx.msk [tilespmem:v4+s2+$0x0], $0xffff  }
0x242: {  	v35 =	vld.idx.msk [tilespmem:v5+s2+$0x0], $0xffff  }
0x243: {  	v36 =	vld.idx.msk [tilespmem:v15+s2+$0x0], $0xffff  }
0x244: {  	[tilespmem:v17+s29+$0x0] =	vst.idx.add.f32.msk $0xffff, v18  }
0x245: {  	v16 =	vld.idx.msk [tilespmem:v16+s21+$0x0], $0xffff  }
0x246: {  	v37 =	vld.idx.msk [tilespmem:v6+s2+$0x0], $0xffff  }
0x247: {  	v38 =	vld.idx.msk [tilespmem:v7+s2+$0x0], $0xffff  }
0x248: {  	v39 =	vld.idx.msk [tilespmem:v8+s2+$0x0], $0xffff  }
0x249: {  	v40 =	vld.idx.msk [tilespmem:v9+s2+$0x0], $0xffff  }
0x24a: {  	v41 =	vld.idx.msk [tilespmem:v10+s2+$0x0], $0xffff  }
0x24b: {  	[tilespmem:v17+s30+$0x0] =	vst.idx.add.f32.msk $0xffff, v16  }
0x24c: {  	v42 =	vld.idx.msk [tilespmem:v11+s2+$0x0], $0xffff  }
0x24d: {  	v43 =	vld.idx.msk [tilespmem:v12+s2+$0x0], $0xffff  }
0x24e: {  	v44 =	vld.idx.msk [tilespmem:v13+s2+$0x0], $0xffff  }
0x24f: {  	v45 =	vld.idx.msk [tilespmem:v14+s2+$0x0], $0xffff  }
0x250: {  	v16 =	vld [tilespmem:s5+$0xFFFFFF80]  }
0x251: {  	v17 =	vld [tilespmem:s5+$0xFFFFFF90]  }
0x252: {  	v18 =	vld [tilespmem:s5+$0xFFFFFFA0]  }
0x253: {  	v19 =	vld [tilespmem:s5+$0xFFFFFFB0]  }
0x254: {  	v20 =	vld [tilespmem:s5+$0xFFFFFFC0]  }
0x255: {  	v21 =	vld [tilespmem:s5+$0xFFFFFFD0]  }
0x256: {  	v22 =	vld [tilespmem:s5+$0xFFFFFFE0]  }
0x257: {  	v23 =	vld [tilespmem:s5+$0xFFFFFFF0]  }
0x258: {  	v24 =	vld [tilespmem:s5+$0x0]  }
0x259: {  	v25 =	vld [tilespmem:s5+$0x10]  }
0x25a: {  	v26 =	vld [tilespmem:s5+$0x20]  }
0x25b: {  	v27 =	vld [tilespmem:s5+$0x30]  }
0x25c: {  	v28 =	vld [tilespmem:s5+$0x40]  }
0x25d: {  	v29 =	vld [tilespmem:s5+$0x50]  }
0x25e: {  	v30 =	vld [tilespmem:s5+$0x60]  }
0x25f: {  	[tilespmem:v16+s26+$0x0] =	vst.idx.add.f32.msk $0xffff, v36  }
0x260: {  	[tilespmem:v17+s26+$0x0] =	vst.idx.add.f32.msk $0xffff, v31  }
0x261: {  	[tilespmem:v18+s26+$0x0] =	vst.idx.add.f32.msk $0xffff, v32  }
0x262: {  	[tilespmem:v19+s26+$0x0] =	vst.idx.add.f32.msk $0xffff, v33  }
0x263: {  	[tilespmem:v20+s26+$0x0] =	vst.idx.add.f32.msk $0xffff, v34  }
0x264: {  	[tilespmem:v21+s26+$0x0] =	vst.idx.add.f32.msk $0xffff, v35  }
0x265: {  	[tilespmem:v22+s26+$0x0] =	vst.idx.add.f32.msk $0xffff, v37  }
0x266: {  	[tilespmem:v23+s26+$0x0] =	vst.idx.add.f32.msk $0xffff, v38  }
0x267: {  	[tilespmem:v24+s26+$0x0] =	vst.idx.add.f32.msk $0xffff, v39  }
0x268: {  	[tilespmem:v25+s26+$0x0] =	vst.idx.add.f32.msk $0xffff, v40  }
0x269: {  	[tilespmem:v26+s26+$0x0] =	vst.idx.add.f32.msk $0xffff, v41  }
0x26a: {  	[tilespmem:v27+s26+$0x0] =	vst.idx.add.f32.msk $0xffff, v42  }
0x26b: {  	[tilespmem:v28+s26+$0x0] =	vst.idx.add.f32.msk $0xffff, v43  }
0x26c: {  	[tilespmem:v29+s26+$0x0] =	vst.idx.add.f32.msk $0xffff, v44  }
0x26d: {  	[tilespmem:v30+s26+$0x0] =	vst.idx.add.f32.msk $0xffff, v45  }
0x26e: {  	v31 =	vld.idx.msk [tilespmem:v15+s19+$0x0], $0xffff  }
0x26f: {  	v32 =	vld.idx.msk [tilespmem:v1+s19+$0x0], $0xffff  }
0x270: {  	v33 =	vld.idx.msk [tilespmem:v2+s19+$0x0], $0xffff  }
0x271: {  	v34 =	vld.idx.msk [tilespmem:v3+s19+$0x0], $0xffff  }
0x272: {  	v35 =	vld.idx.msk [tilespmem:v4+s19+$0x0], $0xffff  }
0x273: {  	v36 =	vld.idx.msk [tilespmem:v5+s19+$0x0], $0xffff  }
0x274: {  	v37 =	vld.idx.msk [tilespmem:v6+s19+$0x0], $0xffff  }
0x275: {  	v38 =	vld.idx.msk [tilespmem:v7+s19+$0x0], $0xffff  }
0x276: {  	v39 =	vld.idx.msk [tilespmem:v8+s19+$0x0], $0xffff  }
0x277: {  	v40 =	vld.idx.msk [tilespmem:v9+s19+$0x0], $0xffff  }
0x278: {  	v41 =	vld.idx.msk [tilespmem:v10+s19+$0x0], $0xffff  }
0x279: {  	v42 =	vld.idx.msk [tilespmem:v11+s19+$0x0], $0xffff  }
0x27a: {  	v43 =	vld.idx.msk [tilespmem:v12+s19+$0x0], $0xffff  }
0x27b: {  	v44 =	vld.idx.msk [tilespmem:v13+s19+$0x0], $0xffff  }
0x27c: {  	v45 =	vld.idx.msk [tilespmem:v14+s19+$0x0], $0xffff  }
0x27d: {  	[tilespmem:v16+s28+$0x0] =	vst.idx.add.f32.msk $0xffff, v31  }
0x27e: {  	[tilespmem:v17+s28+$0x0] =	vst.idx.add.f32.msk $0xffff, v32  }
0x27f: {  	[tilespmem:v18+s28+$0x0] =	vst.idx.add.f32.msk $0xffff, v33  }
0x280: {  	[tilespmem:v19+s28+$0x0] =	vst.idx.add.f32.msk $0xffff, v34  }
0x281: {  	[tilespmem:v20+s28+$0x0] =	vst.idx.add.f32.msk $0xffff, v35  }
0x282: {  	[tilespmem:v21+s28+$0x0] =	vst.idx.add.f32.msk $0xffff, v36  }
0x283: {  	[tilespmem:v22+s28+$0x0] =	vst.idx.add.f32.msk $0xffff, v37  }
0x284: {  	[tilespmem:v23+s28+$0x0] =	vst.idx.add.f32.msk $0xffff, v38  }
0x285: {  	[tilespmem:v24+s28+$0x0] =	vst.idx.add.f32.msk $0xffff, v39  }
0x286: {  	[tilespmem:v25+s28+$0x0] =	vst.idx.add.f32.msk $0xffff, v40  }
0x287: {  	[tilespmem:v26+s28+$0x0] =	vst.idx.add.f32.msk $0xffff, v41  }
0x288: {  	[tilespmem:v27+s28+$0x0] =	vst.idx.add.f32.msk $0xffff, v42  }
0x289: {  	[tilespmem:v28+s28+$0x0] =	vst.idx.add.f32.msk $0xffff, v43  }
0x28a: {  	[tilespmem:v29+s28+$0x0] =	vst.idx.add.f32.msk $0xffff, v44  }
0x28b: {  	[tilespmem:v30+s28+$0x0] =	vst.idx.add.f32.msk $0xffff, v45  }
0x28c: {  	v31 =	vld.idx.msk [tilespmem:v15+s20+$0x0], $0xffff  }
0x28d: {  	v32 =	vld.idx.msk [tilespmem:v1+s20+$0x0], $0xffff  }
0x28e: {  	v33 =	vld.idx.msk [tilespmem:v2+s20+$0x0], $0xffff  }
0x28f: {  	v34 =	vld.idx.msk [tilespmem:v3+s20+$0x0], $0xffff  }
0x290: {  	v35 =	vld.idx.msk [tilespmem:v4+s20+$0x0], $0xffff  }
0x291: {  	v36 =	vld.idx.msk [tilespmem:v5+s20+$0x0], $0xffff  }
0x292: {  	v37 =	vld.idx.msk [tilespmem:v6+s20+$0x0], $0xffff  }
0x293: {  	v38 =	vld.idx.msk [tilespmem:v7+s20+$0x0], $0xffff  }
0x294: {  	v39 =	vld.idx.msk [tilespmem:v8+s20+$0x0], $0xffff  }
0x295: {  	v40 =	vld.idx.msk [tilespmem:v9+s20+$0x0], $0xffff  }
0x296: {  	v41 =	vld.idx.msk [tilespmem:v10+s20+$0x0], $0xffff  }
0x297: {  	v42 =	vld.idx.msk [tilespmem:v11+s20+$0x0], $0xffff  }
0x298: {  	v43 =	vld.idx.msk [tilespmem:v12+s20+$0x0], $0xffff  }
0x299: {  	v44 =	vld.idx.msk [tilespmem:v13+s20+$0x0], $0xffff  }
0x29a: {  	v45 =	vld.idx.msk [tilespmem:v14+s20+$0x0], $0xffff  }
0x29b: {  	[tilespmem:v16+s29+$0x0] =	vst.idx.add.f32.msk $0xffff, v31  }
0x29c: {  	[tilespmem:v17+s29+$0x0] =	vst.idx.add.f32.msk $0xffff, v32  }
0x29d: {  	[tilespmem:v18+s29+$0x0] =	vst.idx.add.f32.msk $0xffff, v33  }
0x29e: {  	[tilespmem:v19+s29+$0x0] =	vst.idx.add.f32.msk $0xffff, v34  }
0x29f: {  	[tilespmem:v20+s29+$0x0] =	vst.idx.add.f32.msk $0xffff, v35  }
0x2a0: {  	[tilespmem:v21+s29+$0x0] =	vst.idx.add.f32.msk $0xffff, v36  }
0x2a1: {  	[tilespmem:v22+s29+$0x0] =	vst.idx.add.f32.msk $0xffff, v37  }
0x2a2: {  	[tilespmem:v23+s29+$0x0] =	vst.idx.add.f32.msk $0xffff, v38  }
0x2a3: {  	[tilespmem:v24+s29+$0x0] =	vst.idx.add.f32.msk $0xffff, v39  }
0x2a4: {  	[tilespmem:v25+s29+$0x0] =	vst.idx.add.f32.msk $0xffff, v40  }
0x2a5: {  	[tilespmem:v26+s29+$0x0] =	vst.idx.add.f32.msk $0xffff, v41  }
0x2a6: {  	[tilespmem:v27+s29+$0x0] =	vst.idx.add.f32.msk $0xffff, v42  }
0x2a7: {  	[tilespmem:v28+s29+$0x0] =	vst.idx.add.f32.msk $0xffff, v43  }
0x2a8: {  	[tilespmem:v29+s29+$0x0] =	vst.idx.add.f32.msk $0xffff, v44  }
0x2a9: {  	[tilespmem:v30+s29+$0x0] =	vst.idx.add.f32.msk $0xffff, v45  }
0x2aa: {  	v15 =	vld.idx.msk [tilespmem:v15+s21+$0x0], $0xffff  }
0x2ab: {  	v1 =	vld.idx.msk [tilespmem:v1+s21+$0x0], $0xffff  }
0x2ac: {  	v2 =	vld.idx.msk [tilespmem:v2+s21+$0x0], $0xffff  }
0x2ad: {  	v3 =	vld.idx.msk [tilespmem:v3+s21+$0x0], $0xffff  }
0x2ae: {  	v4 =	vld.idx.msk [tilespmem:v4+s21+$0x0], $0xffff  }
0x2af: {  	v5 =	vld.idx.msk [tilespmem:v5+s21+$0x0], $0xffff  }
0x2b0: {  	v6 =	vld.idx.msk [tilespmem:v6+s21+$0x0], $0xffff  }
0x2b1: {  	v7 =	vld.idx.msk [tilespmem:v7+s21+$0x0], $0xffff  }
0x2b2: {  	v8 =	vld.idx.msk [tilespmem:v8+s21+$0x0], $0xffff  }
0x2b3: {  	v9 =	vld.idx.msk [tilespmem:v9+s21+$0x0], $0xffff  }
0x2b4: {  	v10 =	vld.idx.msk [tilespmem:v10+s21+$0x0], $0xffff  }
0x2b5: {  	v11 =	vld.idx.msk [tilespmem:v11+s21+$0x0], $0xffff  }
0x2b6: {  	v12 =	vld.idx.msk [tilespmem:v12+s21+$0x0], $0xffff  }
0x2b7: {  	v13 =	vld.idx.msk [tilespmem:v13+s21+$0x0], $0xffff  }
0x2b8: {  	v14 =	vld.idx.msk [tilespmem:v14+s21+$0x0], $0xffff  }
0x2b9: {  	[tilespmem:v16+s30+$0x0] =	vst.idx.add.f32.msk $0xffff, v15  }
0x2ba: {  	[tilespmem:v17+s30+$0x0] =	vst.idx.add.f32.msk $0xffff, v1  }
0x2bb: {  	[tilespmem:v18+s30+$0x0] =	vst.idx.add.f32.msk $0xffff, v2  }
0x2bc: {  	[tilespmem:v19+s30+$0x0] =	vst.idx.add.f32.msk $0xffff, v3  }
0x2bd: {  	[tilespmem:v20+s30+$0x0] =	vst.idx.add.f32.msk $0xffff, v4  }
0x2be: {  	[tilespmem:v21+s30+$0x0] =	vst.idx.add.f32.msk $0xffff, v5  }
0x2bf: {  	[tilespmem:v22+s30+$0x0] =	vst.idx.add.f32.msk $0xffff, v6  }
0x2c0: {  	[tilespmem:v23+s30+$0x0] =	vst.idx.add.f32.msk $0xffff, v7  }
0x2c1: {  	[tilespmem:v24+s30+$0x0] =	vst.idx.add.f32.msk $0xffff, v8  }
0x2c2: {  	[tilespmem:v25+s30+$0x0] =	vst.idx.add.f32.msk $0xffff, v9  }
.Ltmp2:
0x2c3: {  	[tilespmem:v26+s30+$0x0] =	vst.idx.add.f32.msk $0xffff, v10;
	(pc) =	sbr.rel @p0 .LBB2_7-.Ltmp2, $4  }
0x2c4: {  	[tilespmem:v27+s30+$0x0] =	vst.idx.add.f32.msk $0xffff, v11  }
0x2c5: {  	[tilespmem:v28+s30+$0x0] =	vst.idx.add.f32.msk $0xffff, v12  }
0x2c6: {  	[tilespmem:v29+s30+$0x0] =	vst.idx.add.f32.msk $0xffff, v13  }
0x2c7: {  	s7 =	sadd.s32 $0x100, s7;
	[tilespmem:v30+s30+$0x0] =	vst.idx.add.f32.msk $0xffff, v14  }
0x2c8: {  	s14 =	sadd.s32 $0x1, s14  }
0x2c9: {  	p0 =	sne.s32 s14, $0x19  }
.Ltmp3:
0x2ca: {  	_ = 	snop;
	(pc) =	sbr.rel @p0 .LBB2_4-.Ltmp3, $1  }
0x2cb: {  	_ =	sdelay $0x3  }
0x2cc: {  	[hbm4b:s9+s16] =	stream.strided.scatter [tilespmem:s26], [sflag:$0x5], $0x2780, s17, s16, $0x38;
	[tilespmem:$0x1A000] =	vst v63  }
0x2cd: {  	_ =	swait.ge [sflag:s18], $0x2780  }
0x2ce: {  	[sflag:s18] =	ssyncset.done $0x0  }
0x2cf: {  	[sflag:s18] =	ssyncadd.s32 $0xFFFFD880  }
0x2d0: {  	[hbm4b:s10+s16] =	stream.strided.scatter [tilespmem:s28], [sflag:$0x5], $0x2780, s17, s16, $0x38;
	[tilespmem:$0x1A000] =	vst v63  }
0x2d1: {  	_ =	swait.ge [sflag:s18], $0x2780  }
0x2d2: {  	[sflag:s18] =	ssyncset.done $0x0  }
0x2d3: {  	[sflag:s18] =	ssyncadd.s32 $0xFFFFD880  }
0x2d4: {  	[hbm4b:s11+s16] =	stream.strided.scatter [tilespmem:s29], [sflag:$0x5], $0x2780, s17, s16, $0x38;
	[tilespmem:$0x1A000] =	vst v63  }
0x2d5: {  	s1 =	sadd.s32 $0x1, s1;
	_ =	swait.ge [sflag:s18], $0x2780  }
0x2d6: {  	p0 =	sne.s32 s1, s13;
	[sflag:s18] =	ssyncset.done $0x0  }
.Ltmp4:
0x2d7: {  	[sflag:s18] =	ssyncadd.s32 $0xFFFFD880;
	(pc) =	sbr.rel @p0 .LBB2_1-.Ltmp4, $4  }
0x2d8: {  	[hbm4b:s12+s16] =	stream.strided.scatter [tilespmem:s30], [sflag:$0x5], $0x2780, s17, s16, $0x38;
	[tilespmem:$0x1A000] =	vst v63  }
0x2d9: {  	_ =	swait.ge [sflag:s18], $0x2780  }
0x2da: {  	[sflag:s18] =	ssyncset.done $0x0  }
0x2db: {  	[sflag:s18] =	ssyncadd.s32 $0xFFFFD880  }
0x2dc: {  	_ =	sfence.sel $0x180000  }
0x2dd: {  	[bflag:$0x0] =	sbarrier.arrive $0xFFFF  }
0x2de: {  	_ =	strace $0x9000004D  }
0x2df: {  	s0 =	stileid.u32;
	[bflag:$0x2] =	sbarrier.arrive $0xFFFF  }
0x2e0: {  	p0 =	sne.s32 s0, $0x0;
	s0 =	rddreg [dreg:$0x1]  }
0x2e1: {  	s0 =	sadd.s32 @!p0 $0x100000, s0  }
0x2e2: {  	[sflag:s0] =	ssyncadd.tile.s32 @!p0 $0x1;
	_ =	shalt  }
.Lfunc_end2:
_tile_overlayer_lowered:
.L_overlay_start_2:
0x2e3: {  	(tag) =	ssettag $0x2  }
0x2e4: {  	s0 =	rddreg [dreg:$0x0];
	s2 =	stileid.u32  }
0x2e5: {  	s1 =	rddreg [dreg:$0x1];
	p0 =	sne.s32 s2, $0x0  }
0x2e6: {  	s3 =	rddreg [dreg:$0x2];
	[bflag:$0x3] =	sbarrier.arrive $0xFFFF;
	s2 =	simm.s32 @!p0 $0x1C05  }
0x2e7: {  	[timem:s3], [sflag:s2] =	dma.local @!p0 [hbm:s0], s1  }
0x2e8: {  	s0 =	simm.s32 @!p0 $0x5  }
0x2e9: {  	_ =	swait.ge @!p0 [sflag:s0], s1  }
0x2ea: {  	s1 =	ssub.s32 @!p0 $0x0, s1;
	[sflag:s0] =	ssyncset.done @!p0 $0x0  }
0x2eb: {  	[sflag:s0] =	ssyncadd.s32 @!p0 s1  }
0x2ec: {  	[bflag:$0x3] =	sbarrier.arrive $0xFFFF  }
0x2ed: {  	_ =	shalt  }

// kernel: kernel.9.cloned.1.call-start
scs
__scs_entry_jumppad:
0x0: {  	(pc) =	sbr.rel $0x88, $3  }
0x1: {  	(tag) =	ssettag $0x0;
	lr =	simm.s32 $0x1  }
0x2: {  	[smem:$0x3F95] =	sst lr;
	_ =	strace $0xD0000000  }
0x3: {  	_ = 	snop  }
0x4: {  	_ = 	snop  }
0x5: {  	_ = 	snop  }
0x6: {  	_ = 	snop  }
0x7: {  	_ = 	snop  }
__scs_overlays_trampoline_lowered:
0x8: {  	[smem:$0x3FA4] =	sst s0  }
0x9: {  	[smem:$0x3FA5] =	sst s1  }
0xa: {  	[smem:$0x3FA6] =	sst s2  }
0xb: {  	[smem:$0x3FA7] =	sst s3  }
0xc: {  	[smem:$0x3FA8] =	sst s4  }
0xd: {  	[smem:$0x3FA9] =	sst s5  }
0xe: {  	[smem:$0x3FAA] =	sst s6  }
0xf: {  	[smem:$0x3FAB] =	sst s7  }
0x10: {  	[smem:$0x3FAC] =	sst s8  }
0x11: {  	[smem:$0x3FAD] =	sst s9;
	s0 =	simm.s32 @!p0 $0x0  }
0x12: {  	s1 =	sld [smem:$0x3F93];
	s0 =	simm.s32 @p0 $0x1  }
0x13: {  	[smem:$0x3FAE] =	sst s0;
	s0 =	simm.s32 @!p1 $0x0  }
0x14: {  	s2 =	sld [smem:$0x3F92];
	s0 =	simm.s32 @p1 $0x1  }
0x15: {  	[smem:$0x3FAF] =	sst s0;
	s0 =	simm.s32 @!p2 $0x0  }
0x16: {  	s3 =	sld [smem:$0x3FDB];
	s0 =	simm.s32 @p2 $0x1  }
0x17: {  	s4 =	simm.s32 $0x1BF5;
	[smem:$0x3FB1] =	sst s0  }
0x18: {  	s0 =	sld [smem:$0x3F94];
	_ =	swait.ge [sflag:s4], $0x0  }
0x19: {  	s7 =	sld [smem:$0x3F95]  }
0x1a: {  	s8 =	sadd.s32 $0xFFFFE003, lr  }
0x1b: {  	s9 =	sadd.s32 $0xFFFFFEF7, lr;
	s5 =	simm.s32 $0xFFFFFFFF;
	p2 =	slt.u32 s8, $0xFFFFF086  }
0x1c: {  	p1 =	slt.u32 s9, $0xF7A;
	s5 =	simm.s32 @!p2 $0x0  }
0x1d: {  	s5 =	simm.s32 @p1 $0x1;
	p0 =	seq.s32 s7, s2  }
0x1e: {  	s7 =	smul.u32 @!p0 $0xF7A, s2;
	p2 =	seq.s32 @!p0 s5, $0x0  }
0x1f: {  	s9 =	smul.u32 $0xF7A, s1;
	s8 =	simm.s32 @!p0 $0x1BF5;
	p2 =	por !p2, p0  }
0x20: {  	[sflag:s8] =	ssyncset.s32 @!p0 $0xFFFFF086;
	s6 =	sadd.s32 @!p0 s3, s7;
	s7 =	simm.s32 @!p0 $0x108  }
0x21: {  	s3 =	sadd.s32 s3, s9;
	s6 =	sadd.s32 @!p0 $0x88, s6;
	s7 =	simm.s32 @p2 $0x1082  }
0x22: {  	[simem:s7], [sflag:s8] =	dma.local @!p0 [hbm:s6], $0xF7A  }
0x23: {  	s9 =	sor.u32 $0xD0000000, s2;
	s6 =	simm.s32 $0x108;
	_ =	swait.ge @!p0 [sflag:s8], $0x0  }
0x24: {  	s3 =	sadd.s32 $0x88, s3;
	s6 =	simm.s32 @!p1 $0x1082;
	[sflag:s4] =	ssyncset.s32 $0xFFFFF086  }
0x25: {  	[simem:s6], [sflag:s4] =	dma.local [hbm:s3], $0xF7A  }
0x26: {  	[smem:$0x3F95] =	sst s1;
	(tag) =	ssettag s2;
	_ =	strace s9  }
0x27: {  	s1 =	sld [smem:$0x3FA5]  }
0x28: {  	s2 =	sld [smem:$0x3FA6]  }
0x29: {  	s4 =	sld [smem:$0x3FA8]  }
0x2a: {  	p0 =	seq.s32 s5, $0x0;
	s5 =	sld [smem:$0x3FA9]  }
0x2b: {  	s6 =	sld [smem:$0x3FAA]  }
0x2c: {  	s7 =	sld [smem:$0x3FAB]  }
0x2d: {  	s3 =	simm.s32 $0x108;
	s8 =	sld [smem:$0x3FAC]  }
0x2e: {  	s3 =	simm.s32 @!p0 $0x1082;
	s9 =	sld [smem:$0x3FAD]  }
0x2f: {  	lr =	sadd.s32 s0, s3;
	s0 =	sld [smem:$0x3FA4]  }
0x30: {  	s3 =	sld [smem:$0x3FA7]  }
0x31: {  	[smem:$0x3FB0] =	sst s10  }
0x32: {  	s10 =	sld [smem:$0x3FAE];
	_ =	sdelay $0x3  }
0x33: {  	p0 =	seq.s32 s10, $0x1;
	s10 =	sld [smem:$0x3FB0];
	_ =	sdelay $0x3  }
0x34: {  	[smem:$0x3FB0] =	sst s10  }
0x35: {  	s10 =	sld [smem:$0x3FAF];
	_ =	sdelay $0x3  }
0x36: {  	p1 =	seq.s32 s10, $0x1;
	s10 =	sld [smem:$0x3FB0];
	_ =	sdelay $0x3  }
0x37: {  	[smem:$0x3FB0] =	sst s10  }
0x38: {  	s10 =	sld [smem:$0x3FB1]  }
0x39: {  	_ = 	snop;
	(pc) =	sbr.ind lr, $3  }
0x3a: {  	_ = 	snop  }
0x3b: {  	_ = 	snop  }
0x3c: {  	p2 =	seq.s32 s10, $0x1;
	s10 =	sld [smem:$0x3FB0]  }
0x3d: {  	_ =	shalt  }
0x3e: {  	_ =	shalt  }
0x3f: {  	_ =	shalt  }
0x40: {  	_ =	shalt  }
0x41: {  	_ =	shalt  }
0x42: {  	_ =	shalt  }
0x43: {  	_ =	shalt  }
0x44: {  	_ =	shalt  }
0x45: {  	_ =	shalt  }
0x46: {  	_ =	shalt  }
0x47: {  	_ =	shalt  }
0x48: {  	_ =	shalt  }
0x49: {  	_ =	shalt  }
0x4a: {  	_ =	shalt  }
0x4b: {  	_ =	shalt  }
0x4c: {  	_ =	shalt  }
0x4d: {  	_ =	shalt  }
0x4e: {  	_ =	shalt  }
0x4f: {  	_ =	shalt  }
0x50: {  	_ =	shalt  }
0x51: {  	_ =	shalt  }
0x52: {  	_ =	shalt  }
0x53: {  	_ =	shalt  }
0x54: {  	_ =	shalt  }
0x55: {  	_ =	shalt  }
0x56: {  	_ =	shalt  }
0x57: {  	_ =	shalt  }
0x58: {  	_ =	shalt  }
0x59: {  	_ =	shalt  }
0x5a: {  	_ =	shalt  }
0x5b: {  	_ =	shalt  }
0x5c: {  	_ =	shalt  }
0x5d: {  	_ =	shalt  }
0x5e: {  	_ =	shalt  }
0x5f: {  	_ =	shalt  }
0x60: {  	_ =	shalt  }
0x61: {  	_ =	shalt  }
0x62: {  	_ =	shalt  }
0x63: {  	_ =	shalt  }
0x64: {  	_ =	shalt  }
0x65: {  	_ =	shalt  }
0x66: {  	_ =	shalt  }
0x67: {  	_ =	shalt  }
0x68: {  	_ =	shalt  }
0x69: {  	_ =	shalt  }
0x6a: {  	_ =	shalt  }
0x6b: {  	_ =	shalt  }
0x6c: {  	_ =	shalt  }
0x6d: {  	_ =	shalt  }
0x6e: {  	_ =	shalt  }
0x6f: {  	_ =	shalt  }
0x70: {  	_ =	shalt  }
0x71: {  	_ =	shalt  }
0x72: {  	_ =	shalt  }
0x73: {  	_ =	shalt  }
0x74: {  	_ =	shalt  }
0x75: {  	_ =	shalt  }
0x76: {  	_ =	shalt  }
0x77: {  	_ =	shalt  }
0x78: {  	_ =	shalt  }
0x79: {  	_ =	shalt  }
0x7a: {  	_ =	shalt  }
0x7b: {  	_ =	shalt  }
0x7c: {  	_ =	shalt  }
0x7d: {  	_ =	shalt  }
0x7e: {  	_ =	shalt  }
0x7f: {  	_ =	shalt  }
0x80: {  	_ =	shalt  }
0x81: {  	_ =	shalt  }
0x82: {  	_ =	shalt  }
0x83: {  	_ =	shalt  }
0x84: {  	_ =	shalt  }
0x85: {  	_ =	shalt  }
0x86: {  	_ =	shalt  }
0x87: {  	_ =	shalt  }
.Lfunc_end0:
.L_simem_size_0:
called_computation_lowered:
.L_overlay_start_0:
0x88: {  	s2 =	sld [smem:$0x3FD9]  }
0x89: {  	s3 =	sld [smem:$0x3FFE];
	_ =	sdelay $0x1  }
0x8a: {  	s1 =	srdreg.scid  }
0x8b: {  	s0 =	sand.u32 $0x1, s1  }
0x8c: {  	s16 =	sshll.u32 s0, $0xA;
	s2 =	sadd.s32 s3, s2  }
0x8d: {  	s2 =	sadd.s32 s2, s16  }
0x8e: {  	[smem:$0x3FBC] =	sst s2  }
0x8f: {  	_ = 	snop  }
0x90: {  	(tm) =	ssettm $0x1  }
0x91: {  	s17 =	sld [smem:$0x3FFB];
	_ =	sdelay $0x3  }
0x92: {  	_ =	strace s17  }
0x93: {  	s2 =	sld [smem:$0x3FFC];
	_ =	sdelay $0x3  }
0x94: {  	_ =	strace s2  }
0x95: {  	s2 =	sld [smem:$0x3FFD];
	_ =	sdelay $0x3  }
0x96: {  	_ =	strace s2  }
0x97: {  	_ =	strace $0x8FFFFFFF  }
0x98: {  	s18 =	sld [smem:$0x3FDB];
	_ =	sdelay $0x1  }
0x99: {  	s19 =	simm.s32 $_scs_section_size  }
0x9a: {  	s4 =	simm.s32 $_size__tile_overlayer_lowered;
	s5 =	simm.s32 $_tile_overlayer_lowered  }
0x9b: {  	s22 =	simm.s32 $0x1BFF;
	s21 =	sshll.u32 s5, $0x1;
	s2 =	sadd.s32 s19, s18  }
0x9c: {  	s6 =	simm.s32 $0x0;
	s20 =	sshll.u32 s4, $0x1;
	s4 =	sadd.s32 s21, s2  }
0x9d: {  	[timem:s6], [sflag:s22] =	dma.local [hbm:s4], s20  }
0x9e: {  	_ =	swait.ge [sflag:s22], s20  }
0x9f: {  	s3 =	ssub.s32 $0x0, s20;
	[sflag:s22] =	ssyncset.done $0x0  }
0xa0: {  	[sflag:s22] =	ssyncadd.s32 s3;
	_ =	sdelay $0x1  }
0xa1: {  	s23 =	simm.s32 $0x1B8B  }
0xa2: {  	_ =	swait.ge [sflag:s23], $0x1  }
0xa3: {  	[sflag:s23] =	ssyncset.done $0x0  }
0xa4: {  	s25 =	simm.s32 $0x1B8E;
	s24 =	sld [smem:$0x3FFE];
	[sflag:s23] =	ssyncadd.s32 $0xFFFFFFFF  }
0xa5: {  	s26 =	simm.s32 $execute0_lowered;
	[smem:$0x3FD2] =	sst s25  }
0xa6: {  	s4 =	sshll.u32 s26, $0x1;
	_ =	strace $0x80000046;
	[dreg:$0x1] =	wrdreg $0xFFFFFFFF  }
0xa7: {  	s28 =	simm.s32 $_size_execute0_lowered;
	s2 =	sadd.s32 s2, s4;
	[dreg:$0x0] =	wrdreg $0x0  }
0xa8: {  	s4 =	sshll.u32 s28, $0x1;
	[dreg:$0x2] =	wrdreg s2  }
0xa9: {  	[dreg:$0x3] =	wrdreg s4  }
0xaa: {  	[dreg:$0x4] =	wrdreg $0xC0  }
0xab: {  	_ =	task [dreg:s6], $0x5FFFF  }
0xac: {  	[dreg:$0x1] =	wrdreg $0xFFFFFFFF  }
0xad: {  	[dreg:$0x0] =	wrdreg $0x60  }
0xae: {  	[dreg:$0x2] =	wrdreg s24  }
0xaf: {  	[dreg:$0x3] =	wrdreg $0x9  }
0xb0: {  	_ =	task.clear_ibuf [dreg:s6], $0x4FFFF;
	_ =	strace $0x90000046  }
0xb1: {  	s29 =	simm.s32 $0x9;
	_ =	strace $0x80000048  }
0xb2: {  	_ =	swait.ge [sflag:s29], $0x1  }
0xb3: {  	[sflag:s29] =	ssyncadd.s32 $0xFFFFFFFF  }
0xb4: {  	_ =	strace $0x90000048  }
0xb5: {  	_ =	sfence  }
0xb6: {  	s30 =	sld [smem:$0x0];
	_ =	sdelay $0x2  }
0xb7: {  	s31 =	sshll.u32 s1, $0xD;
	s1 =	sshrl.u32 s1, $0x2  }
0xb8: {  	s3 =	sand.u32 $0x4000, s31;
	s1 =	sadd.s32 s1, s30  }
0xb9: {  	s0 =	sor.u32 s3, s0;
	s1 =	sshll.u32 s1, $0x11  }
0xba: {  	s0 =	sor.u32 s1, s0  }
0xbb: {  	s0 =	sadd.s32 $0x8F2B, s0  }
0xbc: {  	[sflag:s0] =	ssyncadd.remote.s32 $0x1  }
0xbd: {  	_ =	sfence.sel $0xFFFF  }
0xbe: {  	[dreg:$0x0] =	wrdreg $0xFFFFFFFF;
	(pc) =	sbr.abs _section_cstart, $3  }
0xbf: {  	[dreg:$0x1] =	wrdreg $0xFFFFFFFF  }
0xc0: {  	_ =	task.clear_ibuf [dreg:s6], $0x2FFFF;
	_ =	strace $0x9FFFFFFF  }
0xc1: {  	(tm) =	ssettm $0x7FFFFFFF  }
tec
execute0_lowered:
.L_overlay_start_1:
0x0: {  	(tag) =	ssettag $0x1  }
0x1: {  	s3 =	rddreg [dreg:$0x0]  }
0x2: {  	s0 =	rddreg [dreg:$0x1];
	s4 =	srdreg.scid  }
0x3: {  	s1 =	stileid.u32;
	s2 =	simm.s32 $0x0;
	s10 =	simm.s32 $0x4F00  }
0x4: {  	s11 =	simm.s32 $0x7680;
	s12 =	simm.s32 $0x80;
	s13 =	simm.s32 $0x400  }
0x5: {  	s14 =	simm.s32 $0x0;
	s4 =	sand.u32 $0x1, s4;
	s5 =	sshll.u32 s1, $0x1  }
0x6: {  	[smem:$0x7FF] =	sst s2;
	s7 =	sshrl.u32 s1, $0x2;
	s5 =	sor.u32 s4, s5  }
0x7: {  	s9 =	sadd.s32 $0x16400, s3;
	_ =	strace $0x80000047;
	s6 =	smul.u32 $0x4E2, s5  }
0x8: {  	s4 =	ssub.s32 $0x2, s4;
	s7 =	smul.u32 $0x13C00, s7;
	s5 =	sshll.u32 s5, $0x7  }
0x9: {  	s8 =	sshrl.u32 s4, $0x1;
	s5 =	sand.u32 $0x380, s5;
	s6 =	sadd.s32 s6, s3  }
0xa: {  	s8 =	ssub.s32 s4, s8;
	s30 =	sor.u32 s7, s5;
	s3 =	sadd.s32 $0xC600, s6  }
0xb: {  	s5 =	sshrl.u32 s30, $0x3;
	s7 =	sadd.s32 $0x4F000, s30;
	s4 =	sadd.s32 $0x2800, s6  }
0xc: {  	s5 =	sadd.s32 s9, s5;
	s31 =	sshrl.u32 s7, $0x3;
	s7 =	smax.u32 s8, $0x1  }
0xd: {  	v0 =	vimm.f32 $0.0e+00;
	v1 =	vimm.f32 $1.000000000e+00;
	s8 =	simm.s32 $0x1;
	s6 =	sadd.s32 s9, s31;
	s9 =	simm.s32 $0x2780  }
.LBB2_1:
0xe: {  	[tilespmem:s2], [sflag:$0x1] =	stream.linear.gather [hbm4b:s3+s2], $0x2710, $0x38;
	[tilespmem:$0x9E00] =	vst v63  }
0xf: {  	_ =	swait.ge [sflag:s8], $0x2710  }
0x10: {  	[sflag:s8] =	ssyncset.done $0x0  }
0x11: {  	[sflag:s8] =	ssyncadd.s32 $0xFFFFD8F0  }
0x12: {  	[tilespmem:s9], [sflag:$0x1] =	stream.linear.gather [hbm4b:s4+s2], $0x2710, $0x38;
	[tilespmem:$0x9E00] =	vst v63  }
0x13: {  	_ =	swait.ge [sflag:s8], $0x2710  }
0x14: {  	[sflag:s8] =	ssyncset.done $0x0  }
0x15: {  	s15 =	simm.s32 $0x0;
	[sflag:s8] =	ssyncadd.s32 $0xFFFFD8F0  }
.LBB2_2:
0x16: {  	p0 =	sne.s32 s15, $0x9C00  }
.Ltmp0:
0x17: {  	_ = 	snop;
	(pc) =	sbr.rel @p0 .LBB2_2-.Ltmp0, $4  }
0x18: {  	_ = 	snop  }
0x19: {  	s16 =	sshra.s32 s15, $0x2  }
0x1a: {  	[tilespmem:s16+$0x4F00] =	vst v0  }
0x1b: {  	s15 =	sadd.s32 $0x40, s15;
	[tilespmem:s16+$0x7680] =	vst v0  }
0x1c: {  	s16 =	simm.s32 $0x0  }
0x1d: {  	s15 =	simm.s32 $0x40;
	v2 =	vld [tilespmem:s16+$0x0]  }
.LBB2_4:
0x1e: {  	p0 =	sne.s32 s15, $0x9C00;
	v3 =	vld [tilespmem:s16+$0x2780];
	_ =	sdelay $0x4  }
.Ltmp1:
0x1f: {  	(pc) =	sbr.rel @p0 .LBB2_4-.Ltmp1, $4  }
0x20: {  	_ = 	snop  }
0x21: {  	[tilespmem:v2+s10+$0x0] =	vst.idx.add.f32.msk $0xffff, v1  }
0x22: {  	s16 =	sshra.s32 s15, $0x2;
	[tilespmem:v3+s11+$0x0] =	vst.idx.add.f32.msk $0xffff, v1  }
0x23: {  	s15 =	sadd.s32 $0x40, s15;
	v2 =	vld [tilespmem:s16+$0x0]  }
0x24: {  	_ = 	snop  }
0x25: {  	v3 =	vld [tilespmem:s16+$0x2780];
	_ =	sdelay $0x6  }
0x26: {  	[tilespmem:v2+s10+$0x0] =	vst.idx.add.f32.msk $0xffff, v1  }
0x27: {  	[tilespmem:v3+s11+$0x0] =	vst.idx.add.f32.msk $0xffff, v1  }
0x28: {  	[hbm4b:s5+s12] =	stream.strided.scatter [tilespmem:s10], [sflag:$0x1], $0x2780, s13, s12, $0x38;
	[tilespmem:$0x9E00] =	vst v63  }
0x29: {  	s14 =	sadd.s32 $0x1, s14;
	_ =	swait.ge [sflag:s8], $0x2780  }
0x2a: {  	p0 =	sne.s32 s14, s7;
	[sflag:s8] =	ssyncset.done $0x0  }
.Ltmp2:
0x2b: {  	[sflag:s8] =	ssyncadd.s32 $0xFFFFD880;
	(pc) =	sbr.rel @p0 .LBB2_1-.Ltmp2, $4  }
0x2c: {  	[hbm4b:s6+s12] =	stream.strided.scatter [tilespmem:s11], [sflag:$0x1], $0x2780, s13, s12, $0x38;
	[tilespmem:$0x9E00] =	vst v63  }
0x2d: {  	_ =	swait.ge [sflag:s8], $0x2780  }
0x2e: {  	[sflag:s8] =	ssyncset.done $0x0  }
0x2f: {  	[sflag:s8] =	ssyncadd.s32 $0xFFFFD880  }
0x30: {  	_ =	sfence.sel $0x180000  }
0x31: {  	[bflag:$0x0] =	sbarrier.arrive $0xFFFF  }
0x32: {  	p0 =	sne.s32 s1, $0x0;
	_ =	strace $0x90000047  }
0x33: {  	s0 =	sadd.s32 @!p0 $0x100000, s0;
	[bflag:$0x2] =	sbarrier.arrive $0xFFFF  }
0x34: {  	[sflag:s0] =	ssyncadd.tile.s32 @!p0 $0x1;
	_ =	shalt  }
.Lfunc_end2:
_tile_overlayer_lowered:
.L_overlay_start_2:
0x35: {  	(tag) =	ssettag $0x2  }
0x36: {  	s0 =	rddreg [dreg:$0x0];
	s2 =	stileid.u32  }
0x37: {  	s1 =	rddreg [dreg:$0x1];
	p0 =	sne.s32 s2, $0x0  }
0x38: {  	s3 =	rddreg [dreg:$0x2];
	[bflag:$0x3] =	sbarrier.arrive $0xFFFF;
	s2 =	simm.s32 @!p0 $0x1C01  }
0x39: {  	[timem:s3], [sflag:s2] =	dma.local @!p0 [hbm:s0], s1  }
0x3a: {  	s0 =	simm.s32 @!p0 $0x1  }
0x3b: {  	_ =	swait.ge @!p0 [sflag:s0], s1  }
0x3c: {  	s1 =	ssub.s32 @!p0 $0x0, s1;
	[sflag:s0] =	ssyncset.done @!p0 $0x0  }
0x3d: {  	[sflag:s0] =	ssyncadd.s32 @!p0 s1  }
0x3e: {  	[bflag:$0x3] =	sbarrier.arrive $0xFFFF  }
0x3f: {  	_ =	shalt  }

</sc_bundles>
